<compile_context>
chip_gen: v7x
topology: tpu7x:2x2x1
jax: 0.10.2.dev20260603
libtpu: 0.0.44.dev20260713+nightly
codegen_flags: <defaults>
</compile_context>

<pallas_src>
import functools

import jax
import jax.numpy as jnp
import numpy as np
from jax import lax
from jax.experimental import pallas as pl
from jax.experimental.pallas import tpu as pltpu
from jax.experimental.pallas import tpu_sc as plsc

_T, _V = 4, 8
_HP, _WP = 64, 64
_C = 128
_HID = 128
_NHEADS = 4
_DH = _HID // _NHEADS
_TOPK = 4
_NCAM = _T * _V

_BP1 = 256
_BP3 = 256

_SC_NC = 2
_SC_NS = 16
_SC_NW = _SC_NC * _SC_NS
_SC_CH = 128


def _bfr(a):
    return a.astype(jnp.bfloat16).astype(jnp.float32)


def _project_topk_kernel(xh_ref, consts_ref, rows_ref, wts_ref, tv_ref):
    xh = xh_ref[...]
    x = _bfr(xh[:, 0:1])
    y = _bfr(xh[:, 1:2])
    zz = _bfr(xh[:, 2:3])
    cst = consts_ref[...]

    def kr(i):
        return cst[i:i + 1, 0:_NCAM]

    xc = ((x * kr(9) + y * kr(10)) + zz * kr(11)) + kr(12)
    yc = ((x * kr(13) + y * kr(14)) + zz * kr(15)) + kr(16)
    zc = ((x * kr(17) + y * kr(18)) + zz * kr(19)) + kr(20)
    xcb = _bfr(xc)
    ycb = _bfr(yc)
    zcb = _bfr(zc)
    up = xcb * kr(0) + ycb * kr(1) + zcb * kr(2)
    vp = xcb * kr(3) + ycb * kr(4) + zcb * kr(5)
    wp = xcb * kr(6) + ycb * kr(7) + zcb * kr(8)
    w_img = cst[21, 0]
    h_img = cst[21, 1]
    wm = jnp.maximum(wp, 1e-6)
    u = up / wm
    v = vp / wm
    z = zc
    in_img = (u >= 0) & (u < w_img) & (v >= 0) & (v < h_img)
    visible = (z > 1e-4) & in_img
    scores = (1.0 / (jnp.maximum(z, 0.1) + 1e-6)) * visible.astype(jnp.float32)

    lane = lax.broadcasted_iota(jnp.int32, (_BP1, _NCAM), 1)
    lane16 = lax.broadcasted_iota(jnp.int32, (_BP1, 16), 1)
    lane4 = lax.broadcasted_iota(jnp.int32, (_BP1, 4), 1)
    ufac = _WP / jnp.maximum(1.0, w_img)
    vfac = _HP / jnp.maximum(1.0, h_img)

    rows16 = jnp.zeros((_BP1, 16), jnp.int32)
    wts16 = jnp.zeros((_BP1, 16), jnp.float32)
    tv4 = jnp.zeros((_BP1, 4), jnp.int32)
    sc = scores
    for k in range(_TOPK):
        m = jnp.max(sc, axis=1, keepdims=True)
        eq = sc == m
        idx = jnp.min(jnp.where(eq, lane, _NCAM + 1), axis=1, keepdims=True)
        sel = lane == idx
        sc = jnp.where(sel, -1.0, sc)
        u_sel = jnp.sum(jnp.where(sel, u, 0.0), axis=1, keepdims=True)
        v_sel = jnp.sum(jnp.where(sel, v, 0.0), axis=1, keepdims=True)
        z_sel = jnp.sum(jnp.where(sel, z, 0.0), axis=1, keepdims=True)
        u_feat = u_sel * ufac
        v_feat = v_sel * vfac
        gx = 2.0 * (u_feat / float(max(1.0, _WP - 1))) - 1.0
        gy = 2.0 * (v_feat / float(max(1.0, _HP - 1))) - 1.0
        ix = (gx + 1.0) / 2.0 * (_WP - 1)
        iy = (gy + 1.0) / 2.0 * (_HP - 1)
        x0 = jnp.floor(ix)
        x1 = x0 + 1.0
        y0 = jnp.floor(iy)
        y1 = y0 + 1.0
        wx1 = ix - x0
        wx0 = 1.0 - wx1
        wy1 = iy - y0
        wy0 = 1.0 - wy1
        zmask = (z_sel > 1e-4).astype(jnp.float32)
        base = idx * (_HP * _WP)
        corners = ((y0, x0, wy0 * wx0), (y0, x1, wy0 * wx1),
                   (y1, x0, wy1 * wx0), (y1, x1, wy1 * wx1))
        for c, (yy, xx, wgt) in enumerate(corners):
            valid = ((xx >= 0) & (xx <= _WP - 1) & (yy >= 0) & (yy <= _HP - 1))
            xi = jnp.clip(xx, 0, _WP - 1).astype(jnp.int32)
            yi = jnp.clip(yy, 0, _HP - 1).astype(jnp.int32)
            row = base + yi * _WP + xi
            wfin = wgt * valid.astype(jnp.float32) * zmask
            col = k * 4 + c
            rows16 = jnp.where(lane16 == col, row, rows16)
            wts16 = jnp.where(lane16 == col, wfin, wts16)
        tv4 = jnp.where(lane4 == k, idx, tv4)
    rows_ref[...] = rows16
    wts_ref[...] = wts16
    tv_ref[...] = tv4


def _project_topk(xh8, consts, m_pad):
    grid = m_pad // _BP1
    return pl.pallas_call(
        _project_topk_kernel,
        grid=(grid,),
        in_specs=[
            pl.BlockSpec((_BP1, 8), lambda i: (i, 0)),
            pl.BlockSpec((32, 128), lambda i: (0, 0)),
        ],
        out_specs=[
            pl.BlockSpec((_BP1, 16), lambda i: (i, 0)),
            pl.BlockSpec((_BP1, 16), lambda i: (i, 0)),
            pl.BlockSpec((_BP1, 4), lambda i: (i, 0)),
        ],
        out_shape=[
            jax.ShapeDtypeStruct((m_pad, 16), jnp.int32),
            jax.ShapeDtypeStruct((m_pad, 16), jnp.float32),
            jax.ShapeDtypeStruct((m_pad, 4), jnp.int32),
        ],
    )(xh8, consts)


def _sc_gather(table, idx):
    n = idx.shape[0]
    per_w = n // _SC_NW
    chunks = per_w // _SC_CH
    mesh = plsc.VectorSubcoreMesh(core_axis_name="c", subcore_axis_name="s")

    @functools.partial(
        pl.kernel,
        mesh=mesh,
        out_type=jax.ShapeDtypeStruct((n, table.shape[1]), jnp.float32),
        scratch_types=[
            pltpu.VMEM((_SC_CH,), jnp.int32),
            pltpu.VMEM((_SC_CH, table.shape[1]), jnp.float32),
            pltpu.SemaphoreType.DMA,
        ],
    )
    def gk(table_hbm, idx_hbm, out_hbm, idx_v, rows_v, sem):
        wid = lax.axis_index("s") * _SC_NC + lax.axis_index("c")
        base = wid * per_w

        def body(i, carry):
            r0 = base + i * _SC_CH
            pltpu.sync_copy(idx_hbm.at[pl.ds(r0, _SC_CH)], idx_v)
            pltpu.async_copy(table_hbm.at[idx_v], rows_v, sem).wait()
            pltpu.sync_copy(rows_v, out_hbm.at[pl.ds(r0, _SC_CH)])
            return carry

        lax.fori_loop(0, chunks, body, 0)

    return gk(table, idx)


def _dense_kernel(c0_ref, c1_ref, c2_ref, c3_ref, w0_ref, w1_ref, w2_ref,
                  w3_ref, tv_ref, timep_ref, freqs_ref, vemb_ref, ppwt_ref,
                  ppb_ref, wff_ref, wfp_ref, fpb_ref, qkvt_ref, qkvb_ref,
                  aot_ref, aob_ref, g1_ref, b1_ref, ff1t_ref, ff1b_ref,
                  ff2t_ref, ff2b_ref, g2_ref, b2_ref, outwt_ref, outb_ref,
                  out_ref):
    S = 4 * _BP3

    def mm(a, b):
        return jnp.dot(a.astype(jnp.bfloat16), b.astype(jnp.bfloat16),
                       preferred_element_type=jnp.float32)

    def mmx(a, b):
        return jnp.dot(a, b, preferred_element_type=jnp.float32,
                       precision=lax.Precision.HIGHEST)

    sampled = (c0_ref[...] * w0_ref[...] + c1_ref[...] * w1_ref[...]
               + c2_ref[...] * w2_ref[...] + c3_ref[...] * w3_ref[...])

    trow = timep_ref[0:1, :]
    lane128 = lax.broadcasted_iota(jnp.int32, (1, 128), 1)
    big = jnp.int32(1 << 30)
    tmin = jnp.min(jnp.where(lane128 < _T, trow, big))
    tmax = jnp.maximum(jnp.max(jnp.where(lane128 < _T, trow, -big)), tmin + 1)
    trow_f = trow.astype(jnp.float32)
    onehot_t4 = (lax.broadcasted_iota(jnp.int32, (_T, 128), 1)
                 == lax.broadcasted_iota(jnp.int32, (_T, 128), 0)).astype(jnp.float32)
    tvals = lax.dot_general(onehot_t4, trow_f, (((1,), (1,)), ((), ())),
                            preferred_element_type=jnp.float32,
                            precision=lax.Precision.HIGHEST)
    tnorm = (tvals - tmin.astype(jnp.float32)) / (tmax.astype(jnp.float32)
                                                  - tmin.astype(jnp.float32))
    freqs = freqs_ref[0:1, 0:16]
    phases = tnorm * freqs
    sinp = jnp.sin(phases)
    cosp = jnp.cos(phases)

    r32 = lax.broadcasted_iota(jnp.int32, (_NCAM, _T), 0)
    ot = (r32 // _V == lax.broadcasted_iota(jnp.int32, (_NCAM, _T), 1)).astype(jnp.float32)
    r32v = lax.broadcasted_iota(jnp.int32, (_NCAM, _V), 0)
    ov = (r32v % _V == lax.broadcasted_iota(jnp.int32, (_NCAM, _V), 1)).astype(jnp.float32)
    vpart = mm(ov, vemb_ref[0:_V, :])
    ppwt = ppwt_ref[...]
    pos32 = (mm(mm(ot, sinp), ppwt[0:16, :])
             + mm(mm(ot, cosp), ppwt[16:32, :])
             + mm(vpart, ppwt[32:48, :])
             + ppb_ref[0:1, :])
    posh32 = mm(pos32, wfp_ref[...])

    tv = tv_ref[...]
    oh_tv = (lax.broadcasted_iota(jnp.int32, (S, _NCAM), 1) == tv).astype(jnp.float32)
    h = mm(sampled, wff_ref[...]) + mmx(oh_tv, posh32) + fpb_ref[0:1, :]

    io0 = lax.broadcasted_iota(jnp.int32, (S, S), 0)
    io1 = lax.broadcasted_iota(jnp.int32, (S, S), 1)
    blockmask = (io0 // 4) == (io1 // 4)
    scale = np.float32(np.sqrt(_DH))

    x = h
    for l in range(2):
        qkv = mm(x, qkvt_ref[l]) + qkvb_ref[l:l + 1, :]
        q = qkv[:, 0:_HID]
        kk = qkv[:, _HID:2 * _HID]
        vv = qkv[:, 2 * _HID:3 * _HID]
        aot = aot_ref[l]
        o = aob_ref[l:l + 1, :]
        for hh in range(_NHEADS):
            sl0 = hh * _DH
            qh = q[:, sl0:sl0 + _DH]
            kh = kk[:, sl0:sl0 + _DH]
            vh = vv[:, sl0:sl0 + _DH]
            s = lax.dot_general(qh.astype(jnp.bfloat16), kh.astype(jnp.bfloat16),
                                (((1,), (1,)), ((), ())),
                                preferred_element_type=jnp.float32) / scale
            s = jnp.where(blockmask, s, -1e30)
            smax = jnp.max(s, axis=1, keepdims=True)
            e = jnp.exp(s - smax)
            p = e / jnp.sum(e, axis=1, keepdims=True)
            o = o + mm(mm(p, vh), aot[sl0:sl0 + _DH, :])
        xo = x + o
        mu = jnp.mean(xo, axis=1, keepdims=True)
        var = jnp.mean((xo - mu) ** 2, axis=1, keepdims=True)
        x = (xo - mu) / jnp.sqrt(var + 1e-5) * g1_ref[l:l + 1, :] + b1_ref[l:l + 1, :]
        f = jnp.maximum(mm(x, ff1t_ref[l]) + ff1b_ref[l:l + 1, :], 0.0)
        f = mm(f, ff2t_ref[l]) + ff2b_ref[l:l + 1, :]
        xf = x + f
        mu = jnp.mean(xf, axis=1, keepdims=True)
        var = jnp.mean((xf - mu) ** 2, axis=1, keepdims=True)
        x = (xf - mu) / jnp.sqrt(var + 1e-5) * g2_ref[l:l + 1, :] + b2_ref[l:l + 1, :]

    mrow = lax.broadcasted_iota(jnp.int32, (_BP3, S), 0)
    mcol = lax.broadcasted_iota(jnp.int32, (_BP3, S), 1)
    mavg = jnp.where(mcol // 4 == mrow, 0.25, 0.0).astype(jnp.float32)
    g = mmx(mavg, x)
    out_ref[...] = mm(g, outwt_ref[...]) + outb_ref[0:1, :]


def _dense(corners, wtsc, tv1, timep, freqsp, vemb, ppwt, ppb, wff, wfp, fpb,
           qkvt, qkvb, aot, aob, g1, b1, ff1t, ff1b, ff2t, ff2b, g2, b2,
           outwt, outb, m_pad):
    grid = m_pad // _BP3
    S = 4 * _BP3
    pair_spec = pl.BlockSpec((S, 128), lambda i: (i, 0))
    w_spec = pl.BlockSpec((S, 1), lambda i: (i, 0))

    def full(shape):
        nd = len(shape)
        return pl.BlockSpec(shape, lambda i, _n=nd: (0,) * _n)

    return pl.pallas_call(
        _dense_kernel,
        grid=(grid,),
        in_specs=[
            pair_spec, pair_spec, pair_spec, pair_spec,
            w_spec, w_spec, w_spec, w_spec,
            pl.BlockSpec((S, 1), lambda i: (i, 0)),
            full(timep.shape), full(freqsp.shape), full(vemb.shape),
            full(ppwt.shape), full(ppb.shape), full(wff.shape),
            full(wfp.shape), full(fpb.shape), full(qkvt.shape),
            full(qkvb.shape), full(aot.shape), full(aob.shape),
            full(g1.shape), full(b1.shape), full(ff1t.shape),
            full(ff1b.shape), full(ff2t.shape), full(ff2b.shape),
            full(g2.shape), full(b2.shape), full(outwt.shape),
            full(outb.shape),
        ],
        out_specs=pl.BlockSpec((_BP3, 128), lambda i: (i, 0)),
        out_shape=jax.ShapeDtypeStruct((m_pad, 128), jnp.float32),
    )(*corners, *wtsc, tv1, timep, freqsp, vemb, ppwt, ppb, wff, wfp, fpb,
      qkvt, qkvb, aot, aob, g1, b1, ff1t, ff1b, ff2t, ff2b, g2, b2,
      outwt, outb)


def _pad8(a):
    return jnp.pad(a, ((0, 8 - a.shape[0]), (0, 0)))


def kernel(xyz, feat_2d, camera_poses, camera_intrinsics, time_ids, view_emb,
           pos_proj_w, pos_proj_b, feat_proj_w, feat_proj_b, qkv_w, qkv_b,
           attn_out_w, attn_out_b, ln1_g, ln1_b, ff1_w, ff1_b, ff2_w, ff2_b,
           ln2_g, ln2_b, out_w, out_b):
    m = xyz.shape[0]
    m_pad = -(-m // 256) * 256
    npairs = m_pad * _TOPK

    poses = camera_poses.reshape(_NCAM, 4, 4).astype(jnp.float32)
    ks = camera_intrinsics.reshape(_NCAM, 3, 3).astype(jnp.float32)
    w2c = jnp.linalg.inv(poses)
    bfr = lambda a: a.astype(jnp.bfloat16).astype(jnp.float32)
    krows = bfr(ks.transpose(1, 2, 0).reshape(9, _NCAM))
    w2crows = bfr(w2c[:, :3, :].transpose(1, 2, 0).reshape(12, _NCAM))
    cx = camera_intrinsics[0, 0, 0, 2]
    cy = camera_intrinsics[0, 0, 1, 2]
    consts = jnp.zeros((32, 128), jnp.float32)
    consts = consts.at[0:9, 0:_NCAM].set(krows)
    consts = consts.at[9:21, 0:_NCAM].set(w2crows)
    consts = consts.at[21, 0].set(2.0 * cx)
    consts = consts.at[21, 1].set(2.0 * cy)

    xh8 = jnp.zeros((m_pad, 8), jnp.float32)
    xh8 = xh8.at[:m, 0:3].set(xyz.astype(jnp.float32))

    rows16, wts16, tv4 = _project_topk(xh8, consts, m_pad)

    idx_cm = rows16.reshape(m_pad, 4, 4).transpose(2, 0, 1).reshape(-1)
    wts_cm = wts16.reshape(m_pad, 4, 4).transpose(2, 0, 1).reshape(4, npairs, 1)

    table = feat_2d.reshape(_NCAM * _HP * _WP, _C).astype(jnp.float32)
    gathered = _sc_gather(table, idx_cm)
    corners = [lax.slice_in_dim(gathered, c * npairs, (c + 1) * npairs)
               for c in range(4)]
    wtsc = [wts_cm[c] for c in range(4)]
    tv1 = tv4.reshape(npairs, 1)

    timep = jnp.zeros((8, 128), jnp.int32).at[0, 0:_T].set(time_ids.astype(jnp.int32))
    half = 16
    freqs = jnp.exp(jnp.linspace(0.0, 8.0, half))
    freqsp = jnp.zeros((8, 128), jnp.float32).at[0, 0:half].set(freqs)

    out = _dense(
        corners, wtsc, tv1, timep, freqsp, view_emb.astype(jnp.float32),
        pos_proj_w.T, _pad8(pos_proj_b.reshape(1, -1)),
        feat_proj_w[:, 0:_C].T, feat_proj_w[:, _C:_C + 32].T,
        _pad8(feat_proj_b.reshape(1, -1)),
        qkv_w.transpose(0, 2, 1), _pad8(qkv_b),
        attn_out_w.transpose(0, 2, 1), _pad8(attn_out_b),
        _pad8(ln1_g), _pad8(ln1_b),
        ff1_w.transpose(0, 2, 1), _pad8(ff1_b),
        ff2_w.transpose(0, 2, 1), _pad8(ff2_b),
        _pad8(ln2_g), _pad8(ln2_b),
        out_w.T, _pad8(out_b.reshape(1, -1)), m_pad)
    return out[:m]

# --- scband reference (transcript-rebuilt; emitter-appended) ---
"""Pipeline reference for scband-multi-view-point-aggregator-75093208203464 (READ-ONLY COPY).

The authoritative reference and input builder live on the scoring server;
editing this copy changes nothing except your own understanding.
"""

import jax, jax.numpy as jnp
import numpy as np

M = 40000
T, V = 4, 8
HP, WP = 64, 64
FEAT_DIM = 128
HIDDEN = 128
NHEADS = 4
NLAYERS = 2
TIME_EMB = 32
VIEW_EMB = 16
TOPK = 4
MAX_VIEWS = 64


def _posenc_t(t, dim):
    half = dim // 2
    freqs = jnp.exp(jnp.linspace(0.0, 8.0, half))
    phases = t.reshape(-1, 1) * freqs.reshape(1, -1)
    emb = jnp.concatenate([jnp.sin(phases), jnp.cos(phases)], axis=-1)
    if dim % 2 == 1:
        emb = jnp.pad(emb, ((0, 0), (0, 1)))
    return emb


def _layer_norm(x, g, b, eps=1e-5):
    mu = jnp.mean(x, axis=-1, keepdims=True)
    var = jnp.mean((x - mu) ** 2, axis=-1, keepdims=True)
    return (x - mu) / jnp.sqrt(var + eps) * g + b


def _encoder_layer(x, qkv_w, qkv_b, ow, ob, g1, b1, w1, bb1, w2, bb2, g2, b2):
    B, S, H = x.shape
    dh = H // NHEADS
    qkv = x @ qkv_w.T + qkv_b
    q, k, v = jnp.split(qkv, 3, axis=-1)

    def sp(z):
        return z.reshape(B, S, NHEADS, dh).transpose(0, 2, 1, 3)

    q, k, v = sp(q), sp(k), sp(v)
    att = jax.nn.softmax(jnp.einsum('bhqd,bhkd->bhqk', q, k) / np.float32(np.sqrt(dh)), axis=-1)
    o = jnp.einsum('bhqk,bhkd->bhqd', att, v).transpose(0, 2, 1, 3).reshape(B, S, H)
    o = o @ ow.T + ob
    x = _layer_norm(x + o, g1, b1)
    f = jax.nn.relu(x @ w1.T + bb1) @ w2.T + bb2
    return _layer_norm(x + f, g2, b2)


def _forward(xyz, feat_2d, camera_poses, camera_intrinsics, time_ids,
             view_emb, pos_proj_w, pos_proj_b, feat_proj_w, feat_proj_b,
             qkv_w, qkv_b, attn_out_w, attn_out_b, ln1_g, ln1_b,
             ff1_w, ff1_b, ff2_w, ff2_b, ln2_g, ln2_b, out_w, out_b):
    Tn, Vn, Hp, Wp, C = feat_2d.shape
    Mn = xyz.shape[0]
    dtype = feat_2d.dtype
    cx = camera_intrinsics[0, 0, 0, 2]
    cy = camera_intrinsics[0, 0, 1, 2]
    W_img = 2.0 * cx
    H_img = 2.0 * cy
    t_min = time_ids.min()
    t_max = jnp.maximum(time_ids.max(), t_min + 1)
    t_norm = (time_ids.astype(jnp.float32) - t_min.astype(jnp.float32)) / (t_max.astype(jnp.float32) - t_min.astype(jnp.float32))
    t_emb_all = _posenc_t(t_norm, TIME_EMB)

    poses = camera_poses.reshape(Tn * Vn, 4, 4).astype(jnp.float32)
    Ks = camera_intrinsics.reshape(Tn * Vn, 3, 3).astype(jnp.float32)
    w2c = jnp.linalg.inv(poses)
    Xh = jnp.concatenate([xyz.astype(jnp.float32), jnp.ones((Mn, 1), jnp.float32)], axis=1)
    Xc = jnp.einsum('vij,mj->vmi', w2c, Xh)[..., :3]
    z = Xc[..., 2]
    uvw = jnp.einsum('vij,vmj->vmi', Ks, Xc)
    u = uvw[..., 0] / jnp.maximum(uvw[..., 2], 1e-6)
    vv = uvw[..., 1] / jnp.maximum(uvw[..., 2], 1e-6)
    in_img = (u >= 0) & (u < W_img) & (vv >= 0) & (vv < H_img)
    visible = (z > 1e-4) & in_img
    scores = (1.0 / (jnp.maximum(z, 0.1) + 1e-6)) * visible.astype(dtype)
    Ksel = int(min(max(1, TOPK), Tn * Vn))
    _, topk_idx = jax.lax.top_k(scores.T, Ksel)
    tv_flat = topk_idx.reshape(-1)
    m_rep = jnp.repeat(jnp.arange(Mn), Ksel)
    u_sel = u[tv_flat, m_rep]
    v_sel = vv[tv_flat, m_rep]
    z_sel = z[tv_flat, m_rep]
    feat_flat = feat_2d.reshape(Tn * Vn, Hp, Wp, C)
    u_feat = u_sel * (Wp / jnp.maximum(1.0, W_img))
    v_feat = v_sel * (Hp / jnp.maximum(1.0, H_img))
    gx = 2.0 * (u_feat / max(1.0, Wp - 1)) - 1.0
    gy = 2.0 * (v_feat / max(1.0, Hp - 1)) - 1.0
    ix = (gx + 1.0) / 2.0 * (Wp - 1)
    iy = (gy + 1.0) / 2.0 * (Hp - 1)
    x0 = jnp.floor(ix)
    x1 = x0 + 1.0
    y0 = jnp.floor(iy)
    y1 = y0 + 1.0
    wx1 = ix - x0
    wx0 = 1.0 - wx1
    wy1 = iy - y0
    wy0 = 1.0 - wy1

    def corner(yy, xx, w):
        valid = (xx >= 0) & (xx <= Wp - 1) & (yy >= 0) & (yy <= Hp - 1)
        xc = jnp.clip(xx, 0, Wp - 1).astype(jnp.int32)
        yc = jnp.clip(yy, 0, Hp - 1).astype(jnp.int32)
        vals = feat_flat[tv_flat, yc, xc]
        return vals * (w * valid.astype(dtype))[:, None]

    sampled = (corner(y0, x0, wy0 * wx0) + corner(y0, x1, wy0 * wx1)
               + corner(y1, x0, wy1 * wx0) + corner(y1, x1, wy1 * wx1))
    sampled = sampled * (z_sel > 1e-4).astype(dtype)[:, None]
    t_idx = tv_flat // Vn
    v_idx = tv_flat % Vn
    v_safe = jnp.minimum(v_idx, MAX_VIEWS - 1)
    pos_in = jnp.concatenate([t_emb_all[t_idx], view_emb[v_safe]], axis=-1)
    pos32 = pos_in @ pos_proj_w.T + pos_proj_b
    h = jnp.concatenate([sampled, pos32], axis=-1) @ feat_proj_w.T + feat_proj_b
    seq = h.reshape(Mn, Ksel, HIDDEN)
    for l in range(NLAYERS):
        seq = _encoder_layer(seq, qkv_w[l], qkv_b[l], attn_out_w[l], attn_out_b[l],
                             ln1_g[l], ln1_b[l], ff1_w[l], ff1_b[l],
                             ff2_w[l], ff2_b[l], ln2_g[l], ln2_b[l])
    g = seq.mean(axis=1)
    return g @ out_w.T + out_b


def setup_inputs(seed: int = 0):
    key = jax.random.key(seed)
    ks = jax.random.split(key, 24)
    xyz = jax.random.normal(ks[0], (M, 3), jnp.float32) * 1.5
    feat_2d = jax.random.normal(ks[1], (T, V, HP, WP, FEAT_DIM), jnp.float32)
    eye = jnp.eye(4, dtype=jnp.float32)
    trans = jax.random.normal(ks[2], (T, V, 3), jnp.float32) * 0.3 + jnp.array([0.0, 0.0, -5.0], jnp.float32)
    camera_poses = jnp.tile(eye, (T, V, 1, 1)).at[:, :, :3, 3].set(trans)
    Kbase = jnp.array([[128.0, 0.0, 64.0], [0.0, 128.0, 64.0], [0.0, 0.0, 1.0]], jnp.float32)
    camera_intrinsics = jnp.tile(Kbase, (T, V, 1, 1))
    time_ids = jax.random.randint(ks[3], (T,), 0, 100, dtype=jnp.int32)

    def W(k, shape, fan_in):
        s = 1.0 / np.sqrt(fan_in)
        return jax.random.uniform(k, shape, jnp.float32, -s, s)

    return {
        'xyz': xyz, 'feat_2d': feat_2d, 'camera_poses': camera_poses,
        'camera_intrinsics': camera_intrinsics, 'time_ids': time_ids,
        'view_emb': jax.random.normal(ks[4], (MAX_VIEWS, VIEW_EMB), jnp.float32),
        'pos_proj_w': W(ks[5], (32, TIME_EMB + VIEW_EMB), TIME_EMB + VIEW_EMB),
        'pos_proj_b': W(ks[6], (32,), TIME_EMB + VIEW_EMB),
        'feat_proj_w': W(ks[7], (HIDDEN, FEAT_DIM + 32), FEAT_DIM + 32),
        'feat_proj_b': W(ks[8], (HIDDEN,), FEAT_DIM + 32),
        'qkv_w': W(ks[9], (NLAYERS, 3 * HIDDEN, HIDDEN), HIDDEN),
        'qkv_b': W(ks[10], (NLAYERS, 3 * HIDDEN), HIDDEN),
        'attn_out_w': W(ks[11], (NLAYERS, HIDDEN, HIDDEN), HIDDEN),
        'attn_out_b': W(ks[12], (NLAYERS, HIDDEN), HIDDEN),
        'ln1_g': jnp.ones((NLAYERS, HIDDEN), jnp.float32),
        'ln1_b': jnp.zeros((NLAYERS, HIDDEN), jnp.float32),
        'ff1_w': W(ks[13], (NLAYERS, 2 * HIDDEN, HIDDEN), HIDDEN),
        'ff1_b': W(ks[14], (NLAYERS, 2 * HIDDEN), HIDDEN),
        'ff2_w': W(ks[15], (NLAYERS, HIDDEN, 2 * HIDDEN), 2 * HIDDEN),
        'ff2_b': W(ks[16], (NLAYERS, HIDDEN), 2 * HIDDEN),
        'ln2_g': jnp.ones((NLAYERS, HIDDEN), jnp.float32),
        'ln2_b': jnp.zeros((NLAYERS, HIDDEN), jnp.float32),
        'out_w': W(ks[17], (FEAT_DIM, HIDDEN), HIDDEN),
        'out_b': W(ks[18], (FEAT_DIM,), HIDDEN),
    }


def reference(xyz, feat_2d, camera_poses, camera_intrinsics, time_ids,
              view_emb, pos_proj_w, pos_proj_b, feat_proj_w, feat_proj_b,
              qkv_w, qkv_b, attn_out_w, attn_out_b, ln1_g, ln1_b,
              ff1_w, ff1_b, ff2_w, ff2_b, ln2_g, ln2_b, out_w, out_b):
    return _forward(xyz, feat_2d, camera_poses, camera_intrinsics, time_ids,
                    view_emb, pos_proj_w, pos_proj_b, feat_proj_w, feat_proj_b,
                    qkv_w, qkv_b, attn_out_w, attn_out_b, ln1_g, ln1_b,
                    ff1_w, ff1_b, ff2_w, ff2_b, ln2_g, ln2_b, out_w, out_b)

if __name__ == "__main__":
    import jax
    _d = setup_inputs()
    print(jax.jit(kernel)(*tuple(_d.values())))

</pallas_src>

<mosaic_0001>
#map = affine_map<(d0, d1) -> (0, 0)>
#map1 = affine_map<(d0, d1) -> (0)>
module attributes {stable_mosaic.version = 14 : i64} {
  func.func @gk(%arg0: i32, %arg1: i32, %arg2: memref<131072x128xf32, #tpu.memory_space<hbm>>, %arg3: memref<643072xi32, #tpu.memory_space<hbm>>, %arg4: memref<643072x128xf32, #tpu.memory_space<hbm>>, %arg5: memref<128xi32, #tpu.memory_space<vmem>>, %arg6: memref<128x128xf32, #tpu.memory_space<vmem>>, %arg7: memref<!tpu.dma_semaphore, #tpu.memory_space<semaphore_mem>>) attributes {dimension_semantics = [#tpu.dimension_semantics<core_parallel>, #tpu.dimension_semantics<subcore_parallel>], iteration_bounds = array<i64: 2, 16>, scalar_prefetch = 0 : i64, scratch_operands = 3 : i64, tpu.core_type = #tpu.core_type<sc_vector_subcore>, window_params = [{transform_indices = #map}, {transform_indices = #map1}, {transform_indices = #map}]} {
    %mul3A = arith.constant 2 : i32
    %mul3A_0 = arith.muli %arg1, %mul3A : i32
    %add3A = arith.addi %mul3A_0, %arg0 : i32
    %mul3A_1 = arith.constant 20096 : i32
    %mul3A_2 = arith.muli %add3A, %mul3A_1 : i32
    %scan3A = arith.constant 0 : i32
    %scan3A_3 = arith.constant 0 : i32
    %scan3A_4 = arith.constant 157 : i32
    %scan3A_5 = arith.addi %scan3A_3, %scan3A_4 : i32
    %scan3A_6 = arith.constant 1 : i32
    scf.for %scan3A_8 = %scan3A_3 to %scan3A_5 step %scan3A_6  : i32 {
      %mul3A_9 = arith.constant 128 : i32
      %mul3A_10 = arith.muli %scan3A_8, %mul3A_9 : i32
      %add3A_11 = arith.addi %mul3A_2, %mul3A_10 : i32
      "tpu.region"() ({
        %run_scoped3A = tpu.sem_alloc : memref<!tpu.dma_semaphore, #tpu.memory_space<semaphore_mem>>
        %dma_start3A_16 = tpu.memref_slice %arg3[%add3A_11] : memref<643072xi32, #tpu.memory_space<hbm>> -> memref<128xi32, #tpu.memory_space<hbm>>
        %dma_start3A_17 = tpu.memref_slice %arg3[%add3A_11] : memref<643072xi32, #tpu.memory_space<hbm>> -> memref<128xi32, #tpu.memory_space<hbm>>
        tpu.enqueue_dma source(%dma_start3A_17 : memref<128xi32, #tpu.memory_space<hbm>>) target(%arg5 : memref<128xi32, #tpu.memory_space<vmem>>) target_semaphore(%run_scoped3A : memref<!tpu.dma_semaphore, #tpu.memory_space<semaphore_mem>>)
        %dma_wait3A_18 = tpu.memref_slice %arg3[%add3A_11] : memref<643072xi32, #tpu.memory_space<hbm>> -> memref<128xi32, #tpu.memory_space<hbm>>
        %dma_wait3A_19 = tpu.memref_slice %arg3[%add3A_11] : memref<643072xi32, #tpu.memory_space<hbm>> -> memref<128xi32, #tpu.memory_space<hbm>>
        tpu.wait_dma2 semaphore(%run_scoped3A : memref<!tpu.dma_semaphore, #tpu.memory_space<semaphore_mem>>) src(%dma_wait3A_19 : memref<128xi32, #tpu.memory_space<hbm>>) dst(%arg5 : memref<128xi32, #tpu.memory_space<vmem>>)
        tpu.yield
      }) : () -> ()
      %dma_start3A = arith.constant 0 : i32
      %dma_start3A_12 = arith.constant 0 : i32
      %dma_start3A_13 = tpu.memref_slice %arg2[%dma_start3A, %dma_start3A_12] : memref<131072x128xf32, #tpu.memory_space<hbm>> -> memref<131072x128xf32, #tpu.memory_space<hbm>>
      tpu.enqueue_indirect_dma source(%dma_start3A_13 : memref<131072x128xf32, #tpu.memory_space<hbm>>) target(%arg6 : memref<128x128xf32, #tpu.memory_space<vmem>>) offsets(%arg5 : memref<128xi32, #tpu.memory_space<vmem>>) semaphore(%arg7 : memref<!tpu.dma_semaphore, #tpu.memory_space<semaphore_mem>>)
      %dma_wait3A = arith.constant 0 : i32
      %dma_wait3A_14 = arith.constant 0 : i32
      %dma_wait3A_15 = tpu.memref_slice %arg2[%dma_wait3A, %dma_wait3A_14] : memref<131072x128xf32, #tpu.memory_space<hbm>> -> memref<131072x128xf32, #tpu.memory_space<hbm>>
      tpu.wait_indirect_dma semaphore(%arg7 : memref<!tpu.dma_semaphore, #tpu.memory_space<semaphore_mem>>) src(%dma_wait3A_15 : memref<131072x128xf32, #tpu.memory_space<hbm>>) dst(%arg6 : memref<128x128xf32, #tpu.memory_space<vmem>>)
      "tpu.region"() ({
        %run_scoped3A = tpu.sem_alloc : memref<!tpu.dma_semaphore, #tpu.memory_space<semaphore_mem>>
        %dma_start3A_16 = arith.constant 0 : i32
        %dma_start3A_17 = tpu.memref_slice %arg4[%add3A_11, %dma_start3A_16] : memref<643072x128xf32, #tpu.memory_space<hbm>> -> memref<128x128xf32, #tpu.memory_space<hbm>>
        %dma_start3A_18 = arith.constant 0 : i32
        %dma_start3A_19 = tpu.memref_slice %arg4[%add3A_11, %dma_start3A_18] : memref<643072x128xf32, #tpu.memory_space<hbm>> -> memref<128x128xf32, #tpu.memory_space<hbm>>
        tpu.enqueue_dma source(%arg6 : memref<128x128xf32, #tpu.memory_space<vmem>>) target(%dma_start3A_19 : memref<128x128xf32, #tpu.memory_space<hbm>>) target_semaphore(%run_scoped3A : memref<!tpu.dma_semaphore, #tpu.memory_space<semaphore_mem>>)
        %dma_wait3A_20 = arith.constant 0 : i32
        %dma_wait3A_21 = tpu.memref_slice %arg4[%add3A_11, %dma_wait3A_20] : memref<643072x128xf32, #tpu.memory_space<hbm>> -> memref<128x128xf32, #tpu.memory_space<hbm>>
        %dma_wait3A_22 = arith.constant 0 : i32
        %dma_wait3A_23 = tpu.memref_slice %arg4[%add3A_11, %dma_wait3A_22] : memref<643072x128xf32, #tpu.memory_space<hbm>> -> memref<128x128xf32, #tpu.memory_space<hbm>>
        tpu.wait_dma2 semaphore(%run_scoped3A : memref<!tpu.dma_semaphore, #tpu.memory_space<semaphore_mem>>) src(%arg6 : memref<128x128xf32, #tpu.memory_space<vmem>>) dst(%dma_wait3A_23 : memref<128x128xf32, #tpu.memory_space<hbm>>)
        tpu.yield
      }) : () -> ()
    }
    %scan3A_7 = arith.constant 157 : i32
    return
  }
}

module attributes {stable_mosaic.version = 14 : i64} {
  func.func @_project_topk_kernel(%arg0: i32, %arg1: memref<256x8xf32, #tpu.memory_space<vmem>>, %arg2: memref<32x128xf32, #tpu.memory_space<vmem>>, %arg3: memref<256x16xi32, #tpu.memory_space<vmem>>, %arg4: memref<256x16xf32, #tpu.memory_space<vmem>>, %arg5: memref<256x4xi32, #tpu.memory_space<vmem>>) attributes {dimension_semantics = [#tpu.dimension_semantics<arbitrary>], iteration_bounds = array<i64: 157>, scalar_prefetch = 0 : i64, scratch_operands = 0 : i64, tpu.core_type = #tpu.core_type<tc>, window_params = [{transform_indices = @transform_0, window_bounds = array<i64: 256, 8>}, {pipeline_mode = #tpu.pipeline_mode<synchronous>, transform_indices = @transform_1, window_bounds = array<i64: 32, 128>}, {transform_indices = @transform_2, window_bounds = array<i64: 256, 16>}, {transform_indices = @transform_3, window_bounds = array<i64: 256, 16>}, {transform_indices = @transform_4, window_bounds = array<i64: 256, 4>}]} {
    %get3A = arith.constant 0 : index
    %get3A_0 = arith.constant 0 : index
    %get3A_1 = vector.load %arg1[%get3A, %get3A_0] : memref<256x8xf32, #tpu.memory_space<vmem>>, vector<256x8xf32>
    %slice3A = vector.extract_strided_slice %get3A_1 {offsets = [0, 0], sizes = [256, 1], strides = [1, 1]} : vector<256x8xf32> to vector<256x1xf32>
    %convert_element_type3A = arith.truncf %slice3A : vector<256x1xf32> to vector<256x1xbf16>
    %convert_element_type3A_2 = arith.extf %convert_element_type3A : vector<256x1xbf16> to vector<256x1xf32>
    %slice3A_3 = vector.extract_strided_slice %get3A_1 {offsets = [0, 1], sizes = [256, 1], strides = [1, 1]} : vector<256x8xf32> to vector<256x1xf32>
    %convert_element_type3A_4 = arith.truncf %slice3A_3 : vector<256x1xf32> to vector<256x1xbf16>
    %convert_element_type3A_5 = arith.extf %convert_element_type3A_4 : vector<256x1xbf16> to vector<256x1xf32>
    %slice3A_6 = vector.extract_strided_slice %get3A_1 {offsets = [0, 2], sizes = [256, 1], strides = [1, 1]} : vector<256x8xf32> to vector<256x1xf32>
    %convert_element_type3A_7 = arith.truncf %slice3A_6 : vector<256x1xf32> to vector<256x1xbf16>
    %convert_element_type3A_8 = arith.extf %convert_element_type3A_7 : vector<256x1xbf16> to vector<256x1xf32>
    %get3A_9 = arith.constant 0 : index
    %get3A_10 = arith.constant 0 : index
    %get3A_11 = vector.load %arg2[%get3A_9, %get3A_10] : memref<32x128xf32, #tpu.memory_space<vmem>>, vector<32x128xf32>
    %slice3A_12 = vector.extract_strided_slice %get3A_11 {offsets = [9, 0], sizes = [1, 32], strides = [1, 1]} : vector<32x128xf32> to vector<1x32xf32>
    %mul3A = vector.broadcast %convert_element_type3A_2 : vector<256x1xf32> to vector<256x32xf32>
    %mul3A_13 = vector.broadcast %slice3A_12 : vector<1x32xf32> to vector<256x32xf32>
    %mul3A_14 = arith.mulf %mul3A, %mul3A_13 : vector<256x32xf32>
    %slice3A_15 = vector.extract_strided_slice %get3A_11 {offsets = [10, 0], sizes = [1, 32], strides = [1, 1]} : vector<32x128xf32> to vector<1x32xf32>
    %mul3A_16 = vector.broadcast %convert_element_type3A_5 : vector<256x1xf32> to vector<256x32xf32>
    %mul3A_17 = vector.broadcast %slice3A_15 : vector<1x32xf32> to vector<256x32xf32>
    %mul3A_18 = arith.mulf %mul3A_16, %mul3A_17 : vector<256x32xf32>
    %add3A = arith.addf %mul3A_14, %mul3A_18 : vector<256x32xf32>
    %slice3A_19 = vector.extract_strided_slice %get3A_11 {offsets = [11, 0], sizes = [1, 32], strides = [1, 1]} : vector<32x128xf32> to vector<1x32xf32>
    %mul3A_20 = vector.broadcast %convert_element_type3A_8 : vector<256x1xf32> to vector<256x32xf32>
    %mul3A_21 = vector.broadcast %slice3A_19 : vector<1x32xf32> to vector<256x32xf32>
    %mul3A_22 = arith.mulf %mul3A_20, %mul3A_21 : vector<256x32xf32>
    %add3A_23 = arith.addf %add3A, %mul3A_22 : vector<256x32xf32>
    %slice3A_24 = vector.extract_strided_slice %get3A_11 {offsets = [12, 0], sizes = [1, 32], strides = [1, 1]} : vector<32x128xf32> to vector<1x32xf32>
    %add3A_25 = vector.broadcast %slice3A_24 : vector<1x32xf32> to vector<256x32xf32>
    %add3A_26 = arith.addf %add3A_23, %add3A_25 : vector<256x32xf32>
    %slice3A_27 = vector.extract_strided_slice %get3A_11 {offsets = [13, 0], sizes = [1, 32], strides = [1, 1]} : vector<32x128xf32> to vector<1x32xf32>
    %mul3A_28 = vector.broadcast %convert_element_type3A_2 : vector<256x1xf32> to vector<256x32xf32>
    %mul3A_29 = vector.broadcast %slice3A_27 : vector<1x32xf32> to vector<256x32xf32>
    %mul3A_30 = arith.mulf %mul3A_28, %mul3A_29 : vector<256x32xf32>
    %slice3A_31 = vector.extract_strided_slice %get3A_11 {offsets = [14, 0], sizes = [1, 32], strides = [1, 1]} : vector<32x128xf32> to vector<1x32xf32>
    %mul3A_32 = vector.broadcast %convert_element_type3A_5 : vector<256x1xf32> to vector<256x32xf32>
    %mul3A_33 = vector.broadcast %slice3A_31 : vector<1x32xf32> to vector<256x32xf32>
    %mul3A_34 = arith.mulf %mul3A_32, %mul3A_33 : vector<256x32xf32>
    %add3A_35 = arith.addf %mul3A_30, %mul3A_34 : vector<256x32xf32>
    %slice3A_36 = vector.extract_strided_slice %get3A_11 {offsets = [15, 0], sizes = [1, 32], strides = [1, 1]} : vector<32x128xf32> to vector<1x32xf32>
    %mul3A_37 = vector.broadcast %convert_element_type3A_8 : vector<256x1xf32> to vector<256x32xf32>
    %mul3A_38 = vector.broadcast %slice3A_36 : vector<1x32xf32> to vector<256x32xf32>
    %mul3A_39 = arith.mulf %mul3A_37, %mul3A_38 : vector<256x32xf32>
    %add3A_40 = arith.addf %add3A_35, %mul3A_39 : vector<256x32xf32>
    %slice3A_41 = vector.extract_strided_slice %get3A_11 {offsets = [16, 0], sizes = [1, 32], strides = [1, 1]} : vector<32x128xf32> to vector<1x32xf32>
    %add3A_42 = vector.broadcast %slice3A_41 : vector<1x32xf32> to vector<256x32xf32>
    %add3A_43 = arith.addf %add3A_40, %add3A_42 : vector<256x32xf32>
    %slice3A_44 = vector.extract_strided_slice %get3A_11 {offsets = [17, 0], sizes = [1, 32], strides = [1, 1]} : vector<32x128xf32> to vector<1x32xf32>
    %mul3A_45 = vector.broadcast %convert_element_type3A_2 : vector<256x1xf32> to vector<256x32xf32>
    %mul3A_46 = vector.broadcast %slice3A_44 : vector<1x32xf32> to vector<256x32xf32>
    %mul3A_47 = arith.mulf %mul3A_45, %mul3A_46 : vector<256x32xf32>
    %slice3A_48 = vector.extract_strided_slice %get3A_11 {offsets = [18, 0], sizes = [1, 32], strides = [1, 1]} : vector<32x128xf32> to vector<1x32xf32>
    %mul3A_49 = vector.broadcast %convert_element_type3A_5 : vector<256x1xf32> to vector<256x32xf32>
    %mul3A_50 = vector.broadcast %slice3A_48 : vector<1x32xf32> to vector<256x32xf32>
    %mul3A_51 = arith.mulf %mul3A_49, %mul3A_50 : vector<256x32xf32>
    %add3A_52 = arith.addf %mul3A_47, %mul3A_51 : vector<256x32xf32>
    %slice3A_53 = vector.extract_strided_slice %get3A_11 {offsets = [19, 0], sizes = [1, 32], strides = [1, 1]} : vector<32x128xf32> to vector<1x32xf32>
    %mul3A_54 = vector.broadcast %convert_element_type3A_8 : vector<256x1xf32> to vector<256x32xf32>
    %mul3A_55 = vector.broadcast %slice3A_53 : vector<1x32xf32> to vector<256x32xf32>
    %mul3A_56 = arith.mulf %mul3A_54, %mul3A_55 : vector<256x32xf32>
    %add3A_57 = arith.addf %add3A_52, %mul3A_56 : vector<256x32xf32>
    %slice3A_58 = vector.extract_strided_slice %get3A_11 {offsets = [20, 0], sizes = [1, 32], strides = [1, 1]} : vector<32x128xf32> to vector<1x32xf32>
    %add3A_59 = vector.broadcast %slice3A_58 : vector<1x32xf32> to vector<256x32xf32>
    %add3A_60 = arith.addf %add3A_57, %add3A_59 : vector<256x32xf32>
    %convert_element_type3A_61 = arith.truncf %add3A_26 : vector<256x32xf32> to vector<256x32xbf16>
    %convert_element_type3A_62 = arith.extf %convert_element_type3A_61 : vector<256x32xbf16> to vector<256x32xf32>
    %convert_element_type3A_63 = arith.truncf %add3A_43 : vector<256x32xf32> to vector<256x32xbf16>
    %convert_element_type3A_64 = arith.extf %convert_element_type3A_63 : vector<256x32xbf16> to vector<256x32xf32>
    %convert_element_type3A_65 = arith.truncf %add3A_60 : vector<256x32xf32> to vector<256x32xbf16>
    %convert_element_type3A_66 = arith.extf %convert_element_type3A_65 : vector<256x32xbf16> to vector<256x32xf32>
    %slice3A_67 = vector.extract_strided_slice %get3A_11 {offsets = [0, 0], sizes = [1, 32], strides = [1, 1]} : vector<32x128xf32> to vector<1x32xf32>
    %mul3A_68 = vector.broadcast %slice3A_67 : vector<1x32xf32> to vector<256x32xf32>
    %mul3A_69 = arith.mulf %convert_element_type3A_62, %mul3A_68 : vector<256x32xf32>
    %slice3A_70 = vector.extract_strided_slice %get3A_11 {offsets = [1, 0], sizes = [1, 32], strides = [1, 1]} : vector<32x128xf32> to vector<1x32xf32>
    %mul3A_71 = vector.broadcast %slice3A_70 : vector<1x32xf32> to vector<256x32xf32>
    %mul3A_72 = arith.mulf %convert_element_type3A_64, %mul3A_71 : vector<256x32xf32>
    %add3A_73 = arith.addf %mul3A_69, %mul3A_72 : vector<256x32xf32>
    %slice3A_74 = vector.extract_strided_slice %get3A_11 {offsets = [2, 0], sizes = [1, 32], strides = [1, 1]} : vector<32x128xf32> to vector<1x32xf32>
    %mul3A_75 = vector.broadcast %slice3A_74 : vector<1x32xf32> to vector<256x32xf32>
    %mul3A_76 = arith.mulf %convert_element_type3A_66, %mul3A_75 : vector<256x32xf32>
    %add3A_77 = arith.addf %add3A_73, %mul3A_76 : vector<256x32xf32>
    %slice3A_78 = vector.extract_strided_slice %get3A_11 {offsets = [3, 0], sizes = [1, 32], strides = [1, 1]} : vector<32x128xf32> to vector<1x32xf32>
    %mul3A_79 = vector.broadcast %slice3A_78 : vector<1x32xf32> to vector<256x32xf32>
    %mul3A_80 = arith.mulf %convert_element_type3A_62, %mul3A_79 : vector<256x32xf32>
    %slice3A_81 = vector.extract_strided_slice %get3A_11 {offsets = [4, 0], sizes = [1, 32], strides = [1, 1]} : vector<32x128xf32> to vector<1x32xf32>
    %mul3A_82 = vector.broadcast %slice3A_81 : vector<1x32xf32> to vector<256x32xf32>
    %mul3A_83 = arith.mulf %convert_element_type3A_64, %mul3A_82 : vector<256x32xf32>
    %add3A_84 = arith.addf %mul3A_80, %mul3A_83 : vector<256x32xf32>
    %slice3A_85 = vector.extract_strided_slice %get3A_11 {offsets = [5, 0], sizes = [1, 32], strides = [1, 1]} : vector<32x128xf32> to vector<1x32xf32>
    %mul3A_86 = vector.broadcast %slice3A_85 : vector<1x32xf32> to vector<256x32xf32>
    %mul3A_87 = arith.mulf %convert_element_type3A_66, %mul3A_86 : vector<256x32xf32>
    %add3A_88 = arith.addf %add3A_84, %mul3A_87 : vector<256x32xf32>
    %slice3A_89 = vector.extract_strided_slice %get3A_11 {offsets = [6, 0], sizes = [1, 32], strides = [1, 1]} : vector<32x128xf32> to vector<1x32xf32>
    %mul3A_90 = vector.broadcast %slice3A_89 : vector<1x32xf32> to vector<256x32xf32>
    %mul3A_91 = arith.mulf %convert_element_type3A_62, %mul3A_90 : vector<256x32xf32>
    %slice3A_92 = vector.extract_strided_slice %get3A_11 {offsets = [7, 0], sizes = [1, 32], strides = [1, 1]} : vector<32x128xf32> to vector<1x32xf32>
    %mul3A_93 = vector.broadcast %slice3A_92 : vector<1x32xf32> to vector<256x32xf32>
    %mul3A_94 = arith.mulf %convert_element_type3A_64, %mul3A_93 : vector<256x32xf32>
    %add3A_95 = arith.addf %mul3A_91, %mul3A_94 : vector<256x32xf32>
    %slice3A_96 = vector.extract_strided_slice %get3A_11 {offsets = [8, 0], sizes = [1, 32], strides = [1, 1]} : vector<32x128xf32> to vector<1x32xf32>
    %mul3A_97 = vector.broadcast %slice3A_96 : vector<1x32xf32> to vector<256x32xf32>
    %mul3A_98 = arith.mulf %convert_element_type3A_66, %mul3A_97 : vector<256x32xf32>
    %add3A_99 = arith.addf %add3A_95, %mul3A_98 : vector<256x32xf32>
    %slice3A_100 = vector.extract_strided_slice %get3A_11 {offsets = [21, 0], sizes = [1, 1], strides = [1, 1]} : vector<32x128xf32> to vector<1x1xf32>
    %squeeze3A = vector.extract %slice3A_100[0, 0] : f32 from vector<1x1xf32>
    %slice3A_101 = vector.extract_strided_slice %get3A_11 {offsets = [21, 1], sizes = [1, 1], strides = [1, 1]} : vector<32x128xf32> to vector<1x1xf32>
    %squeeze3A_102 = vector.extract %slice3A_101[0, 0] : f32 from vector<1x1xf32>
    %max3A = arith.constant 9.99999997E-7 : f32
    %max3A_103 = vector.broadcast %max3A : f32 to vector<256x32xf32>
    %max3A_104 = arith.maximumf %add3A_99, %max3A_103 : vector<256x32xf32>
    %div3A = arith.divf %add3A_77, %max3A_104 : vector<256x32xf32>
    %div3A_105 = arith.divf %add3A_88, %max3A_104 : vector<256x32xf32>
    %ge3A = arith.constant 0.000000e+00 : f32
    %ge3A_106 = vector.broadcast %ge3A : f32 to vector<256x32xf32>
    %ge3A_107 = arith.cmpf oge, %div3A, %ge3A_106 : vector<256x32xf32>
    %lt3A = vector.broadcast %squeeze3A : f32 to vector<256x32xf32>
    %lt3A_108 = arith.cmpf olt, %div3A, %lt3A : vector<256x32xf32>
    %and3A = arith.andi %ge3A_107, %lt3A_108 : vector<256x32xi1>
    %ge3A_109 = arith.constant 0.000000e+00 : f32
    %ge3A_110 = vector.broadcast %ge3A_109 : f32 to vector<256x32xf32>
    %ge3A_111 = arith.cmpf oge, %div3A_105, %ge3A_110 : vector<256x32xf32>
    %and3A_112 = arith.andi %and3A, %ge3A_111 : vector<256x32xi1>
    %lt3A_113 = vector.broadcast %squeeze3A_102 : f32 to vector<256x32xf32>
    %lt3A_114 = arith.cmpf olt, %div3A_105, %lt3A_113 : vector<256x32xf32>
    %and3A_115 = arith.andi %and3A_112, %lt3A_114 : vector<256x32xi1>
    %gt3A = arith.constant 9.99999974E-5 : f32
    %gt3A_116 = vector.broadcast %gt3A : f32 to vector<256x32xf32>
    %gt3A_117 = arith.cmpf ogt, %add3A_60, %gt3A_116 : vector<256x32xf32>
    %and3A_118 = arith.andi %gt3A_117, %and3A_115 : vector<256x32xi1>
    %max3A_119 = arith.constant 1.000000e-01 : f32
    %max3A_120 = vector.broadcast %max3A_119 : f32 to vector<256x32xf32>
    %max3A_121 = arith.maximumf %add3A_60, %max3A_120 : vector<256x32xf32>
    %add3A_122 = arith.constant 9.99999997E-7 : f32
    %add3A_123 = vector.broadcast %add3A_122 : f32 to vector<256x32xf32>
    %add3A_124 = arith.addf %max3A_121, %add3A_123 : vector<256x32xf32>
    %div3A_125 = arith.constant 1.000000e+00 : f32
    %div3A_126 = vector.broadcast %div3A_125 : f32 to vector<256x32xf32>
    %div3A_127 = arith.divf %div3A_126, %add3A_124 : vector<256x32xf32>
    %convert_element_type3A_128 = arith.extui %and3A_118 : vector<256x32xi1> to vector<256x32xi32>
    %convert_element_type3A_129 = arith.sitofp %convert_element_type3A_128 : vector<256x32xi32> to vector<256x32xf32>
    %mul3A_130 = arith.mulf %div3A_127, %convert_element_type3A_129 : vector<256x32xf32>
    %iota3A = tpu.iota {dimensions = array<i32: 1>} : vector<256x32xi32>
    %iota3A_131 = tpu.iota {dimensions = array<i32: 1>} : vector<256x16xi32>
    %iota3A_132 = tpu.iota {dimensions = array<i32: 1>} : vector<256x4xi32>
    %max3A_133 = arith.constant 1.000000e+00 : f32
    %max3A_134 = arith.maximumf %max3A_133, %squeeze3A : f32
    %div3A_135 = arith.constant 6.400000e+01 : f32
    %div3A_136 = arith.divf %div3A_135, %max3A_134 : f32
    %max3A_137 = arith.constant 1.000000e+00 : f32
    %max3A_138 = arith.maximumf %max3A_137, %squeeze3A_102 : f32
    %div3A_139 = arith.constant 6.400000e+01 : f32
    %div3A_140 = arith.divf %div3A_139, %max3A_138 : f32
    %broadcast_in_dim3A = arith.constant 0 : i32
    %broadcast_in_dim3A_141 = vector.broadcast %broadcast_in_dim3A : i32 to vector<256x16xi32>
    %broadcast_in_dim3A_142 = arith.constant 0.000000e+00 : f32
    %broadcast_in_dim3A_143 = vector.broadcast %broadcast_in_dim3A_142 : f32 to vector<256x16xf32>
    %broadcast_in_dim3A_144 = arith.constant 0 : i32
    %broadcast_in_dim3A_145 = vector.broadcast %broadcast_in_dim3A_144 : i32 to vector<256x4xi32>
    %reduce_max3A = arith.constant dense<0xFF800000> : vector<256xf32>
    %reduce_max3A_146 = vector.multi_reduction <maximumf>, %mul3A_130, %reduce_max3A [1] : vector<256x32xf32> to vector<256xf32>
    %broadcast_in_dim3A_147 = vector.shape_cast %reduce_max3A_146 : vector<256xf32> to vector<256x1xf32>
    %eq3A = vector.broadcast %broadcast_in_dim3A_147 : vector<256x1xf32> to vector<256x32xf32>
    %eq3A_148 = arith.cmpf oeq, %mul3A_130, %eq3A : vector<256x32xf32>
    %jit3A = arith.constant 33 : i32
    %broadcast_in_dim3A_149 = vector.broadcast %jit3A : i32 to vector<256x32xi32>
    %select_n3A = arith.select %eq3A_148, %iota3A, %broadcast_in_dim3A_149 : vector<256x32xi1>, vector<256x32xi32>
    %reduce_min3A = arith.constant dense<2147483647> : vector<256xi32>
    %reduce_min3A_150 = vector.multi_reduction <minsi>, %select_n3A, %reduce_min3A [1] : vector<256x32xi32> to vector<256xi32>
    %broadcast_in_dim3A_151 = vector.shape_cast %reduce_min3A_150 : vector<256xi32> to vector<256x1xi32>
    %eq3A_152 = vector.broadcast %broadcast_in_dim3A_151 : vector<256x1xi32> to vector<256x32xi32>
    %eq3A_153 = arith.cmpi eq, %iota3A, %eq3A_152 : vector<256x32xi32>
    %jit3A_154 = arith.constant -1.000000e+00 : f32
    %broadcast_in_dim3A_155 = vector.broadcast %jit3A_154 : f32 to vector<256x32xf32>
    %select_n3A_156 = arith.select %eq3A_153, %broadcast_in_dim3A_155, %mul3A_130 : vector<256x32xi1>, vector<256x32xf32>
    %jit3A_157 = arith.constant 0.000000e+00 : f32
    %broadcast_in_dim3A_158 = vector.broadcast %jit3A_157 : f32 to vector<256x32xf32>
    %select_n3A_159 = arith.select %eq3A_153, %div3A, %broadcast_in_dim3A_158 : vector<256x32xi1>, vector<256x32xf32>
    %reduce_sum3A = arith.constant dense<0.000000e+00> : vector<256xf32>
    %reduce_sum3A_160 = vector.multi_reduction <add>, %select_n3A_159, %reduce_sum3A [1] : vector<256x32xf32> to vector<256xf32>
    %broadcast_in_dim3A_161 = vector.shape_cast %reduce_sum3A_160 : vector<256xf32> to vector<256x1xf32>
    %jit3A_162 = arith.constant 0.000000e+00 : f32
    %broadcast_in_dim3A_163 = vector.broadcast %jit3A_162 : f32 to vector<256x32xf32>
    %select_n3A_164 = arith.select %eq3A_153, %div3A_105, %broadcast_in_dim3A_163 : vector<256x32xi1>, vector<256x32xf32>
    %reduce_sum3A_165 = arith.constant dense<0.000000e+00> : vector<256xf32>
    %reduce_sum3A_166 = vector.multi_reduction <add>, %select_n3A_164, %reduce_sum3A_165 [1] : vector<256x32xf32> to vector<256xf32>
    %broadcast_in_dim3A_167 = vector.shape_cast %reduce_sum3A_166 : vector<256xf32> to vector<256x1xf32>
    %jit3A_168 = arith.constant 0.000000e+00 : f32
    %broadcast_in_dim3A_169 = vector.broadcast %jit3A_168 : f32 to vector<256x32xf32>
    %select_n3A_170 = arith.select %eq3A_153, %add3A_60, %broadcast_in_dim3A_169 : vector<256x32xi1>, vector<256x32xf32>
    %reduce_sum3A_171 = arith.constant dense<0.000000e+00> : vector<256xf32>
    %reduce_sum3A_172 = vector.multi_reduction <add>, %select_n3A_170, %reduce_sum3A_171 [1] : vector<256x32xf32> to vector<256xf32>
    %broadcast_in_dim3A_173 = vector.shape_cast %reduce_sum3A_172 : vector<256xf32> to vector<256x1xf32>
    %mul3A_174 = vector.broadcast %div3A_136 : f32 to vector<256x1xf32>
    %mul3A_175 = arith.mulf %broadcast_in_dim3A_161, %mul3A_174 : vector<256x1xf32>
    %mul3A_176 = vector.broadcast %div3A_140 : f32 to vector<256x1xf32>
    %mul3A_177 = arith.mulf %broadcast_in_dim3A_167, %mul3A_176 : vector<256x1xf32>
    %div3A_178 = arith.constant 6.300000e+01 : f32
    %div3A_179 = vector.broadcast %div3A_178 : f32 to vector<256x1xf32>
    %div3A_180 = arith.divf %mul3A_175, %div3A_179 : vector<256x1xf32>
    %mul3A_181 = arith.constant 2.000000e+00 : f32
    %mul3A_182 = vector.broadcast %mul3A_181 : f32 to vector<256x1xf32>
    %mul3A_183 = arith.mulf %mul3A_182, %div3A_180 : vector<256x1xf32>
    %sub3A = arith.constant 1.000000e+00 : f32
    %sub3A_184 = vector.broadcast %sub3A : f32 to vector<256x1xf32>
    %sub3A_185 = arith.subf %mul3A_183, %sub3A_184 : vector<256x1xf32>
    %div3A_186 = arith.constant 6.300000e+01 : f32
    %div3A_187 = vector.broadcast %div3A_186 : f32 to vector<256x1xf32>
    %div3A_188 = arith.divf %mul3A_177, %div3A_187 : vector<256x1xf32>
    %mul3A_189 = arith.constant 2.000000e+00 : f32
    %mul3A_190 = vector.broadcast %mul3A_189 : f32 to vector<256x1xf32>
    %mul3A_191 = arith.mulf %mul3A_190, %div3A_188 : vector<256x1xf32>
    %sub3A_192 = arith.constant 1.000000e+00 : f32
    %sub3A_193 = vector.broadcast %sub3A_192 : f32 to vector<256x1xf32>
    %sub3A_194 = arith.subf %mul3A_191, %sub3A_193 : vector<256x1xf32>
    %add3A_195 = arith.constant 1.000000e+00 : f32
    %add3A_196 = vector.broadcast %add3A_195 : f32 to vector<256x1xf32>
    %add3A_197 = arith.addf %sub3A_185, %add3A_196 : vector<256x1xf32>
    %div3A_198 = arith.constant 2.000000e+00 : f32
    %div3A_199 = vector.broadcast %div3A_198 : f32 to vector<256x1xf32>
    %div3A_200 = arith.divf %add3A_197, %div3A_199 : vector<256x1xf32>
    %mul3A_201 = arith.constant 6.300000e+01 : f32
    %mul3A_202 = vector.broadcast %mul3A_201 : f32 to vector<256x1xf32>
    %mul3A_203 = arith.mulf %div3A_200, %mul3A_202 : vector<256x1xf32>
    %add3A_204 = arith.constant 1.000000e+00 : f32
    %add3A_205 = vector.broadcast %add3A_204 : f32 to vector<256x1xf32>
    %add3A_206 = arith.addf %sub3A_194, %add3A_205 : vector<256x1xf32>
    %div3A_207 = arith.constant 2.000000e+00 : f32
    %div3A_208 = vector.broadcast %div3A_207 : f32 to vector<256x1xf32>
    %div3A_209 = arith.divf %add3A_206, %div3A_208 : vector<256x1xf32>
    %mul3A_210 = arith.constant 6.300000e+01 : f32
    %mul3A_211 = vector.broadcast %mul3A_210 : f32 to vector<256x1xf32>
    %mul3A_212 = arith.mulf %div3A_209, %mul3A_211 : vector<256x1xf32>
    %floor3A = math.floor %mul3A_203 : vector<256x1xf32>
    %add3A_213 = arith.constant 1.000000e+00 : f32
    %add3A_214 = vector.broadcast %add3A_213 : f32 to vector<256x1xf32>
    %add3A_215 = arith.addf %floor3A, %add3A_214 : vector<256x1xf32>
    %floor3A_216 = math.floor %mul3A_212 : vector<256x1xf32>
    %add3A_217 = arith.constant 1.000000e+00 : f32
    %add3A_218 = vector.broadcast %add3A_217 : f32 to vector<256x1xf32>
    %add3A_219 = arith.addf %floor3A_216, %add3A_218 : vector<256x1xf32>
    %sub3A_220 = arith.subf %mul3A_203, %floor3A : vector<256x1xf32>
    %sub3A_221 = arith.constant 1.000000e+00 : f32
    %sub3A_222 = vector.broadcast %sub3A_221 : f32 to vector<256x1xf32>
    %sub3A_223 = arith.subf %sub3A_222, %sub3A_220 : vector<256x1xf32>
    %sub3A_224 = arith.subf %mul3A_212, %floor3A_216 : vector<256x1xf32>
    %sub3A_225 = arith.constant 1.000000e+00 : f32
    %sub3A_226 = vector.broadcast %sub3A_225 : f32 to vector<256x1xf32>
    %sub3A_227 = arith.subf %sub3A_226, %sub3A_224 : vector<256x1xf32>
    %gt3A_228 = arith.constant 9.99999974E-5 : f32
    %gt3A_229 = vector.broadcast %gt3A_228 : f32 to vector<256x1xf32>
    %gt3A_230 = arith.cmpf ogt, %broadcast_in_dim3A_173, %gt3A_229 : vector<256x1xf32>
    %convert_element_type3A_231 = arith.extui %gt3A_230 : vector<256x1xi1> to vector<256x1xi32>
    %convert_element_type3A_232 = arith.sitofp %convert_element_type3A_231 : vector<256x1xi32> to vector<256x1xf32>
    %mul3A_233 = arith.constant 4096 : i32
    %mul3A_234 = vector.broadcast %mul3A_233 : i32 to vector<256x1xi32>
    %mul3A_235 = arith.muli %broadcast_in_dim3A_151, %mul3A_234 : vector<256x1xi32>
    %mul3A_236 = arith.mulf %sub3A_227, %sub3A_223 : vector<256x1xf32>
    %mul3A_237 = arith.mulf %sub3A_227, %sub3A_220 : vector<256x1xf32>
    %mul3A_238 = arith.mulf %sub3A_224, %sub3A_223 : vector<256x1xf32>
    %mul3A_239 = arith.mulf %sub3A_224, %sub3A_220 : vector<256x1xf32>
    %ge3A_240 = arith.constant 0.000000e+00 : f32
    %ge3A_241 = vector.broadcast %ge3A_240 : f32 to vector<256x1xf32>
    %ge3A_242 = arith.cmpf oge, %floor3A, %ge3A_241 : vector<256x1xf32>
    %le3A = arith.constant 6.300000e+01 : f32
    %le3A_243 = vector.broadcast %le3A : f32 to vector<256x1xf32>
    %le3A_244 = arith.cmpf ole, %floor3A, %le3A_243 : vector<256x1xf32>
    %and3A_245 = arith.andi %ge3A_242, %le3A_244 : vector<256x1xi1>
    %ge3A_246 = arith.constant 0.000000e+00 : f32
    %ge3A_247 = vector.broadcast %ge3A_246 : f32 to vector<256x1xf32>
    %ge3A_248 = arith.cmpf oge, %floor3A_216, %ge3A_247 : vector<256x1xf32>
    %and3A_249 = arith.andi %and3A_245, %ge3A_248 : vector<256x1xi1>
    %le3A_250 = arith.constant 6.300000e+01 : f32
    %le3A_251 = vector.broadcast %le3A_250 : f32 to vector<256x1xf32>
    %le3A_252 = arith.cmpf ole, %floor3A_216, %le3A_251 : vector<256x1xf32>
    %and3A_253 = arith.andi %and3A_249, %le3A_252 : vector<256x1xi1>
    %jit3A_254 = arith.constant 0 : i32
    %jit3A_255 = arith.constant 63 : i32
    %convert_element_type3A_256 = arith.sitofp %jit3A_254 : i32 to f32
    %max3A_257 = vector.broadcast %convert_element_type3A_256 : f32 to vector<256x1xf32>
    %max3A_258 = arith.maximumf %max3A_257, %floor3A : vector<256x1xf32>
    %convert_element_type3A_259 = arith.sitofp %jit3A_255 : i32 to f32
    %min3A = vector.broadcast %convert_element_type3A_259 : f32 to vector<256x1xf32>
    %min3A_260 = arith.minimumf %min3A, %max3A_258 : vector<256x1xf32>
    %convert_element_type3A_261 = arith.fptosi %min3A_260 : vector<256x1xf32> to vector<256x1xi32>
    %jit3A_262 = arith.constant 0 : i32
    %jit3A_263 = arith.constant 63 : i32
    %convert_element_type3A_264 = arith.sitofp %jit3A_262 : i32 to f32
    %max3A_265 = vector.broadcast %convert_element_type3A_264 : f32 to vector<256x1xf32>
    %max3A_266 = arith.maximumf %max3A_265, %floor3A_216 : vector<256x1xf32>
    %convert_element_type3A_267 = arith.sitofp %jit3A_263 : i32 to f32
    %min3A_268 = vector.broadcast %convert_element_type3A_267 : f32 to vector<256x1xf32>
    %min3A_269 = arith.minimumf %min3A_268, %max3A_266 : vector<256x1xf32>
    %convert_element_type3A_270 = arith.fptosi %min3A_269 : vector<256x1xf32> to vector<256x1xi32>
    %mul3A_271 = arith.constant 64 : i32
    %mul3A_272 = vector.broadcast %mul3A_271 : i32 to vector<256x1xi32>
    %mul3A_273 = arith.muli %convert_element_type3A_270, %mul3A_272 : vector<256x1xi32>
    %add3A_274 = arith.addi %mul3A_235, %mul3A_273 : vector<256x1xi32>
    %add3A_275 = arith.addi %add3A_274, %convert_element_type3A_261 : vector<256x1xi32>
    %convert_element_type3A_276 = arith.extui %and3A_253 : vector<256x1xi1> to vector<256x1xi32>
    %convert_element_type3A_277 = arith.sitofp %convert_element_type3A_276 : vector<256x1xi32> to vector<256x1xf32>
    %mul3A_278 = arith.mulf %mul3A_236, %convert_element_type3A_277 : vector<256x1xf32>
    %mul3A_279 = arith.mulf %mul3A_278, %convert_element_type3A_232 : vector<256x1xf32>
    %eq3A_280 = arith.constant 0 : i32
    %eq3A_281 = vector.broadcast %eq3A_280 : i32 to vector<256x16xi32>
    %eq3A_282 = arith.cmpi eq, %iota3A_131, %eq3A_281 : vector<256x16xi32>
    %broadcast_in_dim3A_283 = vector.shape_cast %add3A_275 : vector<256x1xi32> to vector<256x1xi32>
    %broadcast_in_dim3A_284 = vector.broadcast %broadcast_in_dim3A_283 : vector<256x1xi32> to vector<256x16xi32>
    %select_n3A_285 = arith.select %eq3A_282, %broadcast_in_dim3A_284, %broadcast_in_dim3A_141 : vector<256x16xi1>, vector<256x16xi32>
    %eq3A_286 = arith.constant 0 : i32
    %eq3A_287 = vector.broadcast %eq3A_286 : i32 to vector<256x16xi32>
    %eq3A_288 = arith.cmpi eq, %iota3A_131, %eq3A_287 : vector<256x16xi32>
    %broadcast_in_dim3A_289 = vector.shape_cast %mul3A_279 : vector<256x1xf32> to vector<256x1xf32>
    %broadcast_in_dim3A_290 = vector.broadcast %broadcast_in_dim3A_289 : vector<256x1xf32> to vector<256x16xf32>
    %select_n3A_291 = arith.select %eq3A_288, %broadcast_in_dim3A_290, %broadcast_in_dim3A_143 : vector<256x16xi1>, vector<256x16xf32>
    %ge3A_292 = arith.constant 0.000000e+00 : f32
    %ge3A_293 = vector.broadcast %ge3A_292 : f32 to vector<256x1xf32>
    %ge3A_294 = arith.cmpf oge, %add3A_215, %ge3A_293 : vector<256x1xf32>
    %le3A_295 = arith.constant 6.300000e+01 : f32
    %le3A_296 = vector.broadcast %le3A_295 : f32 to vector<256x1xf32>
    %le3A_297 = arith.cmpf ole, %add3A_215, %le3A_296 : vector<256x1xf32>
    %and3A_298 = arith.andi %ge3A_294, %le3A_297 : vector<256x1xi1>
    %ge3A_299 = arith.constant 0.000000e+00 : f32
    %ge3A_300 = vector.broadcast %ge3A_299 : f32 to vector<256x1xf32>
    %ge3A_301 = arith.cmpf oge, %floor3A_216, %ge3A_300 : vector<256x1xf32>
    %and3A_302 = arith.andi %and3A_298, %ge3A_301 : vector<256x1xi1>
    %le3A_303 = arith.constant 6.300000e+01 : f32
    %le3A_304 = vector.broadcast %le3A_303 : f32 to vector<256x1xf32>
    %le3A_305 = arith.cmpf ole, %floor3A_216, %le3A_304 : vector<256x1xf32>
    %and3A_306 = arith.andi %and3A_302, %le3A_305 : vector<256x1xi1>
    %jit3A_307 = arith.constant 0 : i32
    %jit3A_308 = arith.constant 63 : i32
    %convert_element_type3A_309 = arith.sitofp %jit3A_307 : i32 to f32
    %max3A_310 = vector.broadcast %convert_element_type3A_309 : f32 to vector<256x1xf32>
    %max3A_311 = arith.maximumf %max3A_310, %add3A_215 : vector<256x1xf32>
    %convert_element_type3A_312 = arith.sitofp %jit3A_308 : i32 to f32
    %min3A_313 = vector.broadcast %convert_element_type3A_312 : f32 to vector<256x1xf32>
    %min3A_314 = arith.minimumf %min3A_313, %max3A_311 : vector<256x1xf32>
    %convert_element_type3A_315 = arith.fptosi %min3A_314 : vector<256x1xf32> to vector<256x1xi32>
    %jit3A_316 = arith.constant 0 : i32
    %jit3A_317 = arith.constant 63 : i32
    %convert_element_type3A_318 = arith.sitofp %jit3A_316 : i32 to f32
    %max3A_319 = vector.broadcast %convert_element_type3A_318 : f32 to vector<256x1xf32>
    %max3A_320 = arith.maximumf %max3A_319, %floor3A_216 : vector<256x1xf32>
    %convert_element_type3A_321 = arith.sitofp %jit3A_317 : i32 to f32
    %min3A_322 = vector.broadcast %convert_element_type3A_321 : f32 to vector<256x1xf32>
    %min3A_323 = arith.minimumf %min3A_322, %max3A_320 : vector<256x1xf32>
    %convert_element_type3A_324 = arith.fptosi %min3A_323 : vector<256x1xf32> to vector<256x1xi32>
    %mul3A_325 = arith.constant 64 : i32
    %mul3A_326 = vector.broadcast %mul3A_325 : i32 to vector<256x1xi32>
    %mul3A_327 = arith.muli %convert_element_type3A_324, %mul3A_326 : vector<256x1xi32>
    %add3A_328 = arith.addi %mul3A_235, %mul3A_327 : vector<256x1xi32>
    %add3A_329 = arith.addi %add3A_328, %convert_element_type3A_315 : vector<256x1xi32>
    %convert_element_type3A_330 = arith.extui %and3A_306 : vector<256x1xi1> to vector<256x1xi32>
    %convert_element_type3A_331 = arith.sitofp %convert_element_type3A_330 : vector<256x1xi32> to vector<256x1xf32>
    %mul3A_332 = arith.mulf %mul3A_237, %convert_element_type3A_331 : vector<256x1xf32>
    %mul3A_333 = arith.mulf %mul3A_332, %convert_element_type3A_232 : vector<256x1xf32>
    %eq3A_334 = arith.constant 1 : i32
    %eq3A_335 = vector.broadcast %eq3A_334 : i32 to vector<256x16xi32>
    %eq3A_336 = arith.cmpi eq, %iota3A_131, %eq3A_335 : vector<256x16xi32>
    %broadcast_in_dim3A_337 = vector.shape_cast %add3A_329 : vector<256x1xi32> to vector<256x1xi32>
    %broadcast_in_dim3A_338 = vector.broadcast %broadcast_in_dim3A_337 : vector<256x1xi32> to vector<256x16xi32>
    %select_n3A_339 = arith.select %eq3A_336, %broadcast_in_dim3A_338, %select_n3A_285 : vector<256x16xi1>, vector<256x16xi32>
    %eq3A_340 = arith.constant 1 : i32
    %eq3A_341 = vector.broadcast %eq3A_340 : i32 to vector<256x16xi32>
    %eq3A_342 = arith.cmpi eq, %iota3A_131, %eq3A_341 : vector<256x16xi32>
    %broadcast_in_dim3A_343 = vector.shape_cast %mul3A_333 : vector<256x1xf32> to vector<256x1xf32>
    %broadcast_in_dim3A_344 = vector.broadcast %broadcast_in_dim3A_343 : vector<256x1xf32> to vector<256x16xf32>
    %select_n3A_345 = arith.select %eq3A_342, %broadcast_in_dim3A_344, %select_n3A_291 : vector<256x16xi1>, vector<256x16xf32>
    %ge3A_346 = arith.constant 0.000000e+00 : f32
    %ge3A_347 = vector.broadcast %ge3A_346 : f32 to vector<256x1xf32>
    %ge3A_348 = arith.cmpf oge, %floor3A, %ge3A_347 : vector<256x1xf32>
    %le3A_349 = arith.constant 6.300000e+01 : f32
    %le3A_350 = vector.broadcast %le3A_349 : f32 to vector<256x1xf32>
    %le3A_351 = arith.cmpf ole, %floor3A, %le3A_350 : vector<256x1xf32>
    %and3A_352 = arith.andi %ge3A_348, %le3A_351 : vector<256x1xi1>
    %ge3A_353 = arith.constant 0.000000e+00 : f32
    %ge3A_354 = vector.broadcast %ge3A_353 : f32 to vector<256x1xf32>
    %ge3A_355 = arith.cmpf oge, %add3A_219, %ge3A_354 : vector<256x1xf32>
    %and3A_356 = arith.andi %and3A_352, %ge3A_355 : vector<256x1xi1>
    %le3A_357 = arith.constant 6.300000e+01 : f32
    %le3A_358 = vector.broadcast %le3A_357 : f32 to vector<256x1xf32>
    %le3A_359 = arith.cmpf ole, %add3A_219, %le3A_358 : vector<256x1xf32>
    %and3A_360 = arith.andi %and3A_356, %le3A_359 : vector<256x1xi1>
    %jit3A_361 = arith.constant 0 : i32
    %jit3A_362 = arith.constant 63 : i32
    %convert_element_type3A_363 = arith.sitofp %jit3A_361 : i32 to f32
    %max3A_364 = vector.broadcast %convert_element_type3A_363 : f32 to vector<256x1xf32>
    %max3A_365 = arith.maximumf %max3A_364, %floor3A : vector<256x1xf32>
    %convert_element_type3A_366 = arith.sitofp %jit3A_362 : i32 to f32
    %min3A_367 = vector.broadcast %convert_element_type3A_366 : f32 to vector<256x1xf32>
    %min3A_368 = arith.minimumf %min3A_367, %max3A_365 : vector<256x1xf32>
    %convert_element_type3A_369 = arith.fptosi %min3A_368 : vector<256x1xf32> to vector<256x1xi32>
    %jit3A_370 = arith.constant 0 : i32
    %jit3A_371 = arith.constant 63 : i32
    %convert_element_type3A_372 = arith.sitofp %jit3A_370 : i32 to f32
    %max3A_373 = vector.broadcast %convert_element_type3A_372 : f32 to vector<256x1xf32>
    %max3A_374 = arith.maximumf %max3A_373, %add3A_219 : vector<256x1xf32>
    %convert_element_type3A_375 = arith.sitofp %jit3A_371 : i32 to f32
    %min3A_376 = vector.broadcast %convert_element_type3A_375 : f32 to vector<256x1xf32>
    %min3A_377 = arith.minimumf %min3A_376, %max3A_374 : vector<256x1xf32>
    %convert_element_type3A_378 = arith.fptosi %min3A_377 : vector<256x1xf32> to vector<256x1xi32>
    %mul3A_379 = arith.constant 64 : i32
    %mul3A_380 = vector.broadcast %mul3A_379 : i32 to vector<256x1xi32>
    %mul3A_381 = arith.muli %convert_element_type3A_378, %mul3A_380 : vector<256x1xi32>
    %add3A_382 = arith.addi %mul3A_235, %mul3A_381 : vector<256x1xi32>
    %add3A_383 = arith.addi %add3A_382, %convert_element_type3A_369 : vector<256x1xi32>
    %convert_element_type3A_384 = arith.extui %and3A_360 : vector<256x1xi1> to vector<256x1xi32>
    %convert_element_type3A_385 = arith.sitofp %convert_element_type3A_384 : vector<256x1xi32> to vector<256x1xf32>
    %mul3A_386 = arith.mulf %mul3A_238, %convert_element_type3A_385 : vector<256x1xf32>
    %mul3A_387 = arith.mulf %mul3A_386, %convert_element_type3A_232 : vector<256x1xf32>
    %eq3A_388 = arith.constant 2 : i32
    %eq3A_389 = vector.broadcast %eq3A_388 : i32 to vector<256x16xi32>
    %eq3A_390 = arith.cmpi eq, %iota3A_131, %eq3A_389 : vector<256x16xi32>
    %broadcast_in_dim3A_391 = vector.shape_cast %add3A_383 : vector<256x1xi32> to vector<256x1xi32>
    %broadcast_in_dim3A_392 = vector.broadcast %broadcast_in_dim3A_391 : vector<256x1xi32> to vector<256x16xi32>
    %select_n3A_393 = arith.select %eq3A_390, %broadcast_in_dim3A_392, %select_n3A_339 : vector<256x16xi1>, vector<256x16xi32>
    %eq3A_394 = arith.constant 2 : i32
    %eq3A_395 = vector.broadcast %eq3A_394 : i32 to vector<256x16xi32>
    %eq3A_396 = arith.cmpi eq, %iota3A_131, %eq3A_395 : vector<256x16xi32>
    %broadcast_in_dim3A_397 = vector.shape_cast %mul3A_387 : vector<256x1xf32> to vector<256x1xf32>
    %broadcast_in_dim3A_398 = vector.broadcast %broadcast_in_dim3A_397 : vector<256x1xf32> to vector<256x16xf32>
    %select_n3A_399 = arith.select %eq3A_396, %broadcast_in_dim3A_398, %select_n3A_345 : vector<256x16xi1>, vector<256x16xf32>
    %ge3A_400 = arith.constant 0.000000e+00 : f32
    %ge3A_401 = vector.broadcast %ge3A_400 : f32 to vector<256x1xf32>
    %ge3A_402 = arith.cmpf oge, %add3A_215, %ge3A_401 : vector<256x1xf32>
    %le3A_403 = arith.constant 6.300000e+01 : f32
    %le3A_404 = vector.broadcast %le3A_403 : f32 to vector<256x1xf32>
    %le3A_405 = arith.cmpf ole, %add3A_215, %le3A_404 : vector<256x1xf32>
    %and3A_406 = arith.andi %ge3A_402, %le3A_405 : vector<256x1xi1>
    %ge3A_407 = arith.constant 0.000000e+00 : f32
    %ge3A_408 = vector.broadcast %ge3A_407 : f32 to vector<256x1xf32>
    %ge3A_409 = arith.cmpf oge, %add3A_219, %ge3A_408 : vector<256x1xf32>
    %and3A_410 = arith.andi %and3A_406, %ge3A_409 : vector<256x1xi1>
    %le3A_411 = arith.constant 6.300000e+01 : f32
    %le3A_412 = vector.broadcast %le3A_411 : f32 to vector<256x1xf32>
    %le3A_413 = arith.cmpf ole, %add3A_219, %le3A_412 : vector<256x1xf32>
    %and3A_414 = arith.andi %and3A_410, %le3A_413 : vector<256x1xi1>
    %jit3A_415 = arith.constant 0 : i32
    %jit3A_416 = arith.constant 63 : i32
    %convert_element_type3A_417 = arith.sitofp %jit3A_415 : i32 to f32
    %max3A_418 = vector.broadcast %convert_element_type3A_417 : f32 to vector<256x1xf32>
    %max3A_419 = arith.maximumf %max3A_418, %add3A_215 : vector<256x1xf32>
    %convert_element_type3A_420 = arith.sitofp %jit3A_416 : i32 to f32
    %min3A_421 = vector.broadcast %convert_element_type3A_420 : f32 to vector<256x1xf32>
    %min3A_422 = arith.minimumf %min3A_421, %max3A_419 : vector<256x1xf32>
    %convert_element_type3A_423 = arith.fptosi %min3A_422 : vector<256x1xf32> to vector<256x1xi32>
    %jit3A_424 = arith.constant 0 : i32
    %jit3A_425 = arith.constant 63 : i32
    %convert_element_type3A_426 = arith.sitofp %jit3A_424 : i32 to f32
    %max3A_427 = vector.broadcast %convert_element_type3A_426 : f32 to vector<256x1xf32>
    %max3A_428 = arith.maximumf %max3A_427, %add3A_219 : vector<256x1xf32>
    %convert_element_type3A_429 = arith.sitofp %jit3A_425 : i32 to f32
    %min3A_430 = vector.broadcast %convert_element_type3A_429 : f32 to vector<256x1xf32>
    %min3A_431 = arith.minimumf %min3A_430, %max3A_428 : vector<256x1xf32>
    %convert_element_type3A_432 = arith.fptosi %min3A_431 : vector<256x1xf32> to vector<256x1xi32>
    %mul3A_433 = arith.constant 64 : i32
    %mul3A_434 = vector.broadcast %mul3A_433 : i32 to vector<256x1xi32>
    %mul3A_435 = arith.muli %convert_element_type3A_432, %mul3A_434 : vector<256x1xi32>
    %add3A_436 = arith.addi %mul3A_235, %mul3A_435 : vector<256x1xi32>
    %add3A_437 = arith.addi %add3A_436, %convert_element_type3A_423 : vector<256x1xi32>
    %convert_element_type3A_438 = arith.extui %and3A_414 : vector<256x1xi1> to vector<256x1xi32>
    %convert_element_type3A_439 = arith.sitofp %convert_element_type3A_438 : vector<256x1xi32> to vector<256x1xf32>
    %mul3A_440 = arith.mulf %mul3A_239, %convert_element_type3A_439 : vector<256x1xf32>
    %mul3A_441 = arith.mulf %mul3A_440, %convert_element_type3A_232 : vector<256x1xf32>
    %eq3A_442 = arith.constant 3 : i32
    %eq3A_443 = vector.broadcast %eq3A_442 : i32 to vector<256x16xi32>
    %eq3A_444 = arith.cmpi eq, %iota3A_131, %eq3A_443 : vector<256x16xi32>
    %broadcast_in_dim3A_445 = vector.shape_cast %add3A_437 : vector<256x1xi32> to vector<256x1xi32>
    %broadcast_in_dim3A_446 = vector.broadcast %broadcast_in_dim3A_445 : vector<256x1xi32> to vector<256x16xi32>
    %select_n3A_447 = arith.select %eq3A_444, %broadcast_in_dim3A_446, %select_n3A_393 : vector<256x16xi1>, vector<256x16xi32>
    %eq3A_448 = arith.constant 3 : i32
    %eq3A_449 = vector.broadcast %eq3A_448 : i32 to vector<256x16xi32>
    %eq3A_450 = arith.cmpi eq, %iota3A_131, %eq3A_449 : vector<256x16xi32>
    %broadcast_in_dim3A_451 = vector.shape_cast %mul3A_441 : vector<256x1xf32> to vector<256x1xf32>
    %broadcast_in_dim3A_452 = vector.broadcast %broadcast_in_dim3A_451 : vector<256x1xf32> to vector<256x16xf32>
    %select_n3A_453 = arith.select %eq3A_450, %broadcast_in_dim3A_452, %select_n3A_399 : vector<256x16xi1>, vector<256x16xf32>
    %eq3A_454 = arith.constant 0 : i32
    %eq3A_455 = vector.broadcast %eq3A_454 : i32 to vector<256x4xi32>
    %eq3A_456 = arith.cmpi eq, %iota3A_132, %eq3A_455 : vector<256x4xi32>
    %broadcast_in_dim3A_457 = vector.shape_cast %broadcast_in_dim3A_151 : vector<256x1xi32> to vector<256x1xi32>
    %broadcast_in_dim3A_458 = vector.broadcast %broadcast_in_dim3A_457 : vector<256x1xi32> to vector<256x4xi32>
    %select_n3A_459 = arith.select %eq3A_456, %broadcast_in_dim3A_458, %broadcast_in_dim3A_145 : vector<256x4xi1>, vector<256x4xi32>
    %reduce_max3A_460 = arith.constant dense<0xFF800000> : vector<256xf32>
    %reduce_max3A_461 = vector.multi_reduction <maximumf>, %select_n3A_156, %reduce_max3A_460 [1] : vector<256x32xf32> to vector<256xf32>
    %broadcast_in_dim3A_462 = vector.shape_cast %reduce_max3A_461 : vector<256xf32> to vector<256x1xf32>
    %eq3A_463 = vector.broadcast %broadcast_in_dim3A_462 : vector<256x1xf32> to vector<256x32xf32>
    %eq3A_464 = arith.cmpf oeq, %select_n3A_156, %eq3A_463 : vector<256x32xf32>
    %jit3A_465 = arith.constant 33 : i32
    %broadcast_in_dim3A_466 = vector.broadcast %jit3A_465 : i32 to vector<256x32xi32>
    %select_n3A_467 = arith.select %eq3A_464, %iota3A, %broadcast_in_dim3A_466 : vector<256x32xi1>, vector<256x32xi32>
    %reduce_min3A_468 = arith.constant dense<2147483647> : vector<256xi32>
    %reduce_min3A_469 = vector.multi_reduction <minsi>, %select_n3A_467, %reduce_min3A_468 [1] : vector<256x32xi32> to vector<256xi32>
    %broadcast_in_dim3A_470 = vector.shape_cast %reduce_min3A_469 : vector<256xi32> to vector<256x1xi32>
    %eq3A_471 = vector.broadcast %broadcast_in_dim3A_470 : vector<256x1xi32> to vector<256x32xi32>
    %eq3A_472 = arith.cmpi eq, %iota3A, %eq3A_471 : vector<256x32xi32>
    %jit3A_473 = arith.constant -1.000000e+00 : f32
    %broadcast_in_dim3A_474 = vector.broadcast %jit3A_473 : f32 to vector<256x32xf32>
    %select_n3A_475 = arith.select %eq3A_472, %broadcast_in_dim3A_474, %select_n3A_156 : vector<256x32xi1>, vector<256x32xf32>
    %jit3A_476 = arith.constant 0.000000e+00 : f32
    %broadcast_in_dim3A_477 = vector.broadcast %jit3A_476 : f32 to vector<256x32xf32>
    %select_n3A_478 = arith.select %eq3A_472, %div3A, %broadcast_in_dim3A_477 : vector<256x32xi1>, vector<256x32xf32>
    %reduce_sum3A_479 = arith.constant dense<0.000000e+00> : vector<256xf32>
    %reduce_sum3A_480 = vector.multi_reduction <add>, %select_n3A_478, %reduce_sum3A_479 [1] : vector<256x32xf32> to vector<256xf32>
    %broadcast_in_dim3A_481 = vector.shape_cast %reduce_sum3A_480 : vector<256xf32> to vector<256x1xf32>
    %jit3A_482 = arith.constant 0.000000e+00 : f32
    %broadcast_in_dim3A_483 = vector.broadcast %jit3A_482 : f32 to vector<256x32xf32>
    %select_n3A_484 = arith.select %eq3A_472, %div3A_105, %broadcast_in_dim3A_483 : vector<256x32xi1>, vector<256x32xf32>
    %reduce_sum3A_485 = arith.constant dense<0.000000e+00> : vector<256xf32>
    %reduce_sum3A_486 = vector.multi_reduction <add>, %select_n3A_484, %reduce_sum3A_485 [1] : vector<256x32xf32> to vector<256xf32>
    %broadcast_in_dim3A_487 = vector.shape_cast %reduce_sum3A_486 : vector<256xf32> to vector<256x1xf32>
    %jit3A_488 = arith.constant 0.000000e+00 : f32
    %broadcast_in_dim3A_489 = vector.broadcast %jit3A_488 : f32 to vector<256x32xf32>
    %select_n3A_490 = arith.select %eq3A_472, %add3A_60, %broadcast_in_dim3A_489 : vector<256x32xi1>, vector<256x32xf32>
    %reduce_sum3A_491 = arith.constant dense<0.000000e+00> : vector<256xf32>
    %reduce_sum3A_492 = vector.multi_reduction <add>, %select_n3A_490, %reduce_sum3A_491 [1] : vector<256x32xf32> to vector<256xf32>
    %broadcast_in_dim3A_493 = vector.shape_cast %reduce_sum3A_492 : vector<256xf32> to vector<256x1xf32>
    %mul3A_494 = vector.broadcast %div3A_136 : f32 to vector<256x1xf32>
    %mul3A_495 = arith.mulf %broadcast_in_dim3A_481, %mul3A_494 : vector<256x1xf32>
    %mul3A_496 = vector.broadcast %div3A_140 : f32 to vector<256x1xf32>
    %mul3A_497 = arith.mulf %broadcast_in_dim3A_487, %mul3A_496 : vector<256x1xf32>
    %div3A_498 = arith.constant 6.300000e+01 : f32
    %div3A_499 = vector.broadcast %div3A_498 : f32 to vector<256x1xf32>
    %div3A_500 = arith.divf %mul3A_495, %div3A_499 : vector<256x1xf32>
    %mul3A_501 = arith.constant 2.000000e+00 : f32
    %mul3A_502 = vector.broadcast %mul3A_501 : f32 to vector<256x1xf32>
    %mul3A_503 = arith.mulf %mul3A_502, %div3A_500 : vector<256x1xf32>
    %sub3A_504 = arith.constant 1.000000e+00 : f32
    %sub3A_505 = vector.broadcast %sub3A_504 : f32 to vector<256x1xf32>
    %sub3A_506 = arith.subf %mul3A_503, %sub3A_505 : vector<256x1xf32>
    %div3A_507 = arith.constant 6.300000e+01 : f32
    %div3A_508 = vector.broadcast %div3A_507 : f32 to vector<256x1xf32>
    %div3A_509 = arith.divf %mul3A_497, %div3A_508 : vector<256x1xf32>
    %mul3A_510 = arith.constant 2.000000e+00 : f32
    %mul3A_511 = vector.broadcast %mul3A_510 : f32 to vector<256x1xf32>
    %mul3A_512 = arith.mulf %mul3A_511, %div3A_509 : vector<256x1xf32>
    %sub3A_513 = arith.constant 1.000000e+00 : f32
    %sub3A_514 = vector.broadcast %sub3A_513 : f32 to vector<256x1xf32>
    %sub3A_515 = arith.subf %mul3A_512, %sub3A_514 : vector<256x1xf32>
    %add3A_516 = arith.constant 1.000000e+00 : f32
    %add3A_517 = vector.broadcast %add3A_516 : f32 to vector<256x1xf32>
    %add3A_518 = arith.addf %sub3A_506, %add3A_517 : vector<256x1xf32>
    %div3A_519 = arith.constant 2.000000e+00 : f32
    %div3A_520 = vector.broadcast %div3A_519 : f32 to vector<256x1xf32>
    %div3A_521 = arith.divf %add3A_518, %div3A_520 : vector<256x1xf32>
    %mul3A_522 = arith.constant 6.300000e+01 : f32
    %mul3A_523 = vector.broadcast %mul3A_522 : f32 to vector<256x1xf32>
    %mul3A_524 = arith.mulf %div3A_521, %mul3A_523 : vector<256x1xf32>
    %add3A_525 = arith.constant 1.000000e+00 : f32
    %add3A_526 = vector.broadcast %add3A_525 : f32 to vector<256x1xf32>
    %add3A_527 = arith.addf %sub3A_515, %add3A_526 : vector<256x1xf32>
    %div3A_528 = arith.constant 2.000000e+00 : f32
    %div3A_529 = vector.broadcast %div3A_528 : f32 to vector<256x1xf32>
    %div3A_530 = arith.divf %add3A_527, %div3A_529 : vector<256x1xf32>
    %mul3A_531 = arith.constant 6.300000e+01 : f32
    %mul3A_532 = vector.broadcast %mul3A_531 : f32 to vector<256x1xf32>
    %mul3A_533 = arith.mulf %div3A_530, %mul3A_532 : vector<256x1xf32>
    %floor3A_534 = math.floor %mul3A_524 : vector<256x1xf32>
    %add3A_535 = arith.constant 1.000000e+00 : f32
    %add3A_536 = vector.broadcast %add3A_535 : f32 to vector<256x1xf32>
    %add3A_537 = arith.addf %floor3A_534, %add3A_536 : vector<256x1xf32>
    %floor3A_538 = math.floor %mul3A_533 : vector<256x1xf32>
    %add3A_539 = arith.constant 1.000000e+00 : f32
    %add3A_540 = vector.broadcast %add3A_539 : f32 to vector<256x1xf32>
    %add3A_541 = arith.addf %floor3A_538, %add3A_540 : vector<256x1xf32>
    %sub3A_542 = arith.subf %mul3A_524, %floor3A_534 : vector<256x1xf32>
    %sub3A_543 = arith.constant 1.000000e+00 : f32
    %sub3A_544 = vector.broadcast %sub3A_543 : f32 to vector<256x1xf32>
    %sub3A_545 = arith.subf %sub3A_544, %sub3A_542 : vector<256x1xf32>
    %sub3A_546 = arith.subf %mul3A_533, %floor3A_538 : vector<256x1xf32>
    %sub3A_547 = arith.constant 1.000000e+00 : f32
    %sub3A_548 = vector.broadcast %sub3A_547 : f32 to vector<256x1xf32>
    %sub3A_549 = arith.subf %sub3A_548, %sub3A_546 : vector<256x1xf32>
    %gt3A_550 = arith.constant 9.99999974E-5 : f32
    %gt3A_551 = vector.broadcast %gt3A_550 : f32 to vector<256x1xf32>
    %gt3A_552 = arith.cmpf ogt, %broadcast_in_dim3A_493, %gt3A_551 : vector<256x1xf32>
    %convert_element_type3A_553 = arith.extui %gt3A_552 : vector<256x1xi1> to vector<256x1xi32>
    %convert_element_type3A_554 = arith.sitofp %convert_element_type3A_553 : vector<256x1xi32> to vector<256x1xf32>
    %mul3A_555 = arith.constant 4096 : i32
    %mul3A_556 = vector.broadcast %mul3A_555 : i32 to vector<256x1xi32>
    %mul3A_557 = arith.muli %broadcast_in_dim3A_470, %mul3A_556 : vector<256x1xi32>
    %mul3A_558 = arith.mulf %sub3A_549, %sub3A_545 : vector<256x1xf32>
    %mul3A_559 = arith.mulf %sub3A_549, %sub3A_542 : vector<256x1xf32>
    %mul3A_560 = arith.mulf %sub3A_546, %sub3A_545 : vector<256x1xf32>
    %mul3A_561 = arith.mulf %sub3A_546, %sub3A_542 : vector<256x1xf32>
    %ge3A_562 = arith.constant 0.000000e+00 : f32
    %ge3A_563 = vector.broadcast %ge3A_562 : f32 to vector<256x1xf32>
    %ge3A_564 = arith.cmpf oge, %floor3A_534, %ge3A_563 : vector<256x1xf32>
    %le3A_565 = arith.constant 6.300000e+01 : f32
    %le3A_566 = vector.broadcast %le3A_565 : f32 to vector<256x1xf32>
    %le3A_567 = arith.cmpf ole, %floor3A_534, %le3A_566 : vector<256x1xf32>
    %and3A_568 = arith.andi %ge3A_564, %le3A_567 : vector<256x1xi1>
    %ge3A_569 = arith.constant 0.000000e+00 : f32
    %ge3A_570 = vector.broadcast %ge3A_569 : f32 to vector<256x1xf32>
    %ge3A_571 = arith.cmpf oge, %floor3A_538, %ge3A_570 : vector<256x1xf32>
    %and3A_572 = arith.andi %and3A_568, %ge3A_571 : vector<256x1xi1>
    %le3A_573 = arith.constant 6.300000e+01 : f32
    %le3A_574 = vector.broadcast %le3A_573 : f32 to vector<256x1xf32>
    %le3A_575 = arith.cmpf ole, %floor3A_538, %le3A_574 : vector<256x1xf32>
    %and3A_576 = arith.andi %and3A_572, %le3A_575 : vector<256x1xi1>
    %jit3A_577 = arith.constant 0 : i32
    %jit3A_578 = arith.constant 63 : i32
    %convert_element_type3A_579 = arith.sitofp %jit3A_577 : i32 to f32
    %max3A_580 = vector.broadcast %convert_element_type3A_579 : f32 to vector<256x1xf32>
    %max3A_581 = arith.maximumf %max3A_580, %floor3A_534 : vector<256x1xf32>
    %convert_element_type3A_582 = arith.sitofp %jit3A_578 : i32 to f32
    %min3A_583 = vector.broadcast %convert_element_type3A_582 : f32 to vector<256x1xf32>
    %min3A_584 = arith.minimumf %min3A_583, %max3A_581 : vector<256x1xf32>
    %convert_element_type3A_585 = arith.fptosi %min3A_584 : vector<256x1xf32> to vector<256x1xi32>
    %jit3A_586 = arith.constant 0 : i32
    %jit3A_587 = arith.constant 63 : i32
    %convert_element_type3A_588 = arith.sitofp %jit3A_586 : i32 to f32
    %max3A_589 = vector.broadcast %convert_element_type3A_588 : f32 to vector<256x1xf32>
    %max3A_590 = arith.maximumf %max3A_589, %floor3A_538 : vector<256x1xf32>
    %convert_element_type3A_591 = arith.sitofp %jit3A_587 : i32 to f32
    %min3A_592 = vector.broadcast %convert_element_type3A_591 : f32 to vector<256x1xf32>
    %min3A_593 = arith.minimumf %min3A_592, %max3A_590 : vector<256x1xf32>
    %convert_element_type3A_594 = arith.fptosi %min3A_593 : vector<256x1xf32> to vector<256x1xi32>
    %mul3A_595 = arith.constant 64 : i32
    %mul3A_596 = vector.broadcast %mul3A_595 : i32 to vector<256x1xi32>
    %mul3A_597 = arith.muli %convert_element_type3A_594, %mul3A_596 : vector<256x1xi32>
    %add3A_598 = arith.addi %mul3A_557, %mul3A_597 : vector<256x1xi32>
    %add3A_599 = arith.addi %add3A_598, %convert_element_type3A_585 : vector<256x1xi32>
    %convert_element_type3A_600 = arith.extui %and3A_576 : vector<256x1xi1> to vector<256x1xi32>
    %convert_element_type3A_601 = arith.sitofp %convert_element_type3A_600 : vector<256x1xi32> to vector<256x1xf32>
    %mul3A_602 = arith.mulf %mul3A_558, %convert_element_type3A_601 : vector<256x1xf32>
    %mul3A_603 = arith.mulf %mul3A_602, %convert_element_type3A_554 : vector<256x1xf32>
    %eq3A_604 = arith.constant 4 : i32
    %eq3A_605 = vector.broadcast %eq3A_604 : i32 to vector<256x16xi32>
    %eq3A_606 = arith.cmpi eq, %iota3A_131, %eq3A_605 : vector<256x16xi32>
    %broadcast_in_dim3A_607 = vector.shape_cast %add3A_599 : vector<256x1xi32> to vector<256x1xi32>
    %broadcast_in_dim3A_608 = vector.broadcast %broadcast_in_dim3A_607 : vector<256x1xi32> to vector<256x16xi32>
    %select_n3A_609 = arith.select %eq3A_606, %broadcast_in_dim3A_608, %select_n3A_447 : vector<256x16xi1>, vector<256x16xi32>
    %eq3A_610 = arith.constant 4 : i32
    %eq3A_611 = vector.broadcast %eq3A_610 : i32 to vector<256x16xi32>
    %eq3A_612 = arith.cmpi eq, %iota3A_131, %eq3A_611 : vector<256x16xi32>
    %broadcast_in_dim3A_613 = vector.shape_cast %mul3A_603 : vector<256x1xf32> to vector<256x1xf32>
    %broadcast_in_dim3A_614 = vector.broadcast %broadcast_in_dim3A_613 : vector<256x1xf32> to vector<256x16xf32>
    %select_n3A_615 = arith.select %eq3A_612, %broadcast_in_dim3A_614, %select_n3A_453 : vector<256x16xi1>, vector<256x16xf32>
    %ge3A_616 = arith.constant 0.000000e+00 : f32
    %ge3A_617 = vector.broadcast %ge3A_616 : f32 to vector<256x1xf32>
    %ge3A_618 = arith.cmpf oge, %add3A_537, %ge3A_617 : vector<256x1xf32>
    %le3A_619 = arith.constant 6.300000e+01 : f32
    %le3A_620 = vector.broadcast %le3A_619 : f32 to vector<256x1xf32>
    %le3A_621 = arith.cmpf ole, %add3A_537, %le3A_620 : vector<256x1xf32>
    %and3A_622 = arith.andi %ge3A_618, %le3A_621 : vector<256x1xi1>
    %ge3A_623 = arith.constant 0.000000e+00 : f32
    %ge3A_624 = vector.broadcast %ge3A_623 : f32 to vector<256x1xf32>
    %ge3A_625 = arith.cmpf oge, %floor3A_538, %ge3A_624 : vector<256x1xf32>
    %and3A_626 = arith.andi %and3A_622, %ge3A_625 : vector<256x1xi1>
    %le3A_627 = arith.constant 6.300000e+01 : f32
    %le3A_628 = vector.broadcast %le3A_627 : f32 to vector<256x1xf32>
    %le3A_629 = arith.cmpf ole, %floor3A_538, %le3A_628 : vector<256x1xf32>
    %and3A_630 = arith.andi %and3A_626, %le3A_629 : vector<256x1xi1>
    %jit3A_631 = arith.constant 0 : i32
    %jit3A_632 = arith.constant 63 : i32
    %convert_element_type3A_633 = arith.sitofp %jit3A_631 : i32 to f32
    %max3A_634 = vector.broadcast %convert_element_type3A_633 : f32 to vector<256x1xf32>
    %max3A_635 = arith.maximumf %max3A_634, %add3A_537 : vector<256x1xf32>
    %convert_element_type3A_636 = arith.sitofp %jit3A_632 : i32 to f32
    %min3A_637 = vector.broadcast %convert_element_type3A_636 : f32 to vector<256x1xf32>
    %min3A_638 = arith.minimumf %min3A_637, %max3A_635 : vector<256x1xf32>
    %convert_element_type3A_639 = arith.fptosi %min3A_638 : vector<256x1xf32> to vector<256x1xi32>
    %jit3A_640 = arith.constant 0 : i32
    %jit3A_641 = arith.constant 63 : i32
    %convert_element_type3A_642 = arith.sitofp %jit3A_640 : i32 to f32
    %max3A_643 = vector.broadcast %convert_element_type3A_642 : f32 to vector<256x1xf32>
    %max3A_644 = arith.maximumf %max3A_643, %floor3A_538 : vector<256x1xf32>
    %convert_element_type3A_645 = arith.sitofp %jit3A_641 : i32 to f32
    %min3A_646 = vector.broadcast %convert_element_type3A_645 : f32 to vector<256x1xf32>
    %min3A_647 = arith.minimumf %min3A_646, %max3A_644 : vector<256x1xf32>
    %convert_element_type3A_648 = arith.fptosi %min3A_647 : vector<256x1xf32> to vector<256x1xi32>
    %mul3A_649 = arith.constant 64 : i32
    %mul3A_650 = vector.broadcast %mul3A_649 : i32 to vector<256x1xi32>
    %mul3A_651 = arith.muli %convert_element_type3A_648, %mul3A_650 : vector<256x1xi32>
    %add3A_652 = arith.addi %mul3A_557, %mul3A_651 : vector<256x1xi32>
    %add3A_653 = arith.addi %add3A_652, %convert_element_type3A_639 : vector<256x1xi32>
    %convert_element_type3A_654 = arith.extui %and3A_630 : vector<256x1xi1> to vector<256x1xi32>
    %convert_element_type3A_655 = arith.sitofp %convert_element_type3A_654 : vector<256x1xi32> to vector<256x1xf32>
    %mul3A_656 = arith.mulf %mul3A_559, %convert_element_type3A_655 : vector<256x1xf32>
    %mul3A_657 = arith.mulf %mul3A_656, %convert_element_type3A_554 : vector<256x1xf32>
    %eq3A_658 = arith.constant 5 : i32
    %eq3A_659 = vector.broadcast %eq3A_658 : i32 to vector<256x16xi32>
    %eq3A_660 = arith.cmpi eq, %iota3A_131, %eq3A_659 : vector<256x16xi32>
    %broadcast_in_dim3A_661 = vector.shape_cast %add3A_653 : vector<256x1xi32> to vector<256x1xi32>
    %broadcast_in_dim3A_662 = vector.broadcast %broadcast_in_dim3A_661 : vector<256x1xi32> to vector<256x16xi32>
    %select_n3A_663 = arith.select %eq3A_660, %broadcast_in_dim3A_662, %select_n3A_609 : vector<256x16xi1>, vector<256x16xi32>
    %eq3A_664 = arith.constant 5 : i32
    %eq3A_665 = vector.broadcast %eq3A_664 : i32 to vector<256x16xi32>
    %eq3A_666 = arith.cmpi eq, %iota3A_131, %eq3A_665 : vector<256x16xi32>
    %broadcast_in_dim3A_667 = vector.shape_cast %mul3A_657 : vector<256x1xf32> to vector<256x1xf32>
    %broadcast_in_dim3A_668 = vector.broadcast %broadcast_in_dim3A_667 : vector<256x1xf32> to vector<256x16xf32>
    %select_n3A_669 = arith.select %eq3A_666, %broadcast_in_dim3A_668, %select_n3A_615 : vector<256x16xi1>, vector<256x16xf32>
    %ge3A_670 = arith.constant 0.000000e+00 : f32
    %ge3A_671 = vector.broadcast %ge3A_670 : f32 to vector<256x1xf32>
    %ge3A_672 = arith.cmpf oge, %floor3A_534, %ge3A_671 : vector<256x1xf32>
    %le3A_673 = arith.constant 6.300000e+01 : f32
    %le3A_674 = vector.broadcast %le3A_673 : f32 to vector<256x1xf32>
    %le3A_675 = arith.cmpf ole, %floor3A_534, %le3A_674 : vector<256x1xf32>
    %and3A_676 = arith.andi %ge3A_672, %le3A_675 : vector<256x1xi1>
    %ge3A_677 = arith.constant 0.000000e+00 : f32
    %ge3A_678 = vector.broadcast %ge3A_677 : f32 to vector<256x1xf32>
    %ge3A_679 = arith.cmpf oge, %add3A_541, %ge3A_678 : vector<256x1xf32>
    %and3A_680 = arith.andi %and3A_676, %ge3A_679 : vector<256x1xi1>
    %le3A_681 = arith.constant 6.300000e+01 : f32
    %le3A_682 = vector.broadcast %le3A_681 : f32 to vector<256x1xf32>
    %le3A_683 = arith.cmpf ole, %add3A_541, %le3A_682 : vector<256x1xf32>
    %and3A_684 = arith.andi %and3A_680, %le3A_683 : vector<256x1xi1>
    %jit3A_685 = arith.constant 0 : i32
    %jit3A_686 = arith.constant 63 : i32
    %convert_element_type3A_687 = arith.sitofp %jit3A_685 : i32 to f32
    %max3A_688 = vector.broadcast %convert_element_type3A_687 : f32 to vector<256x1xf32>
    %max3A_689 = arith.maximumf %max3A_688, %floor3A_534 : vector<256x1xf32>
    %convert_element_type3A_690 = arith.sitofp %jit3A_686 : i32 to f32
    %min3A_691 = vector.broadcast %convert_element_type3A_690 : f32 to vector<256x1xf32>
    %min3A_692 = arith.minimumf %min3A_691, %max3A_689 : vector<256x1xf32>
    %convert_element_type3A_693 = arith.fptosi %min3A_692 : vector<256x1xf32> to vector<256x1xi32>
    %jit3A_694 = arith.constant 0 : i32
    %jit3A_695 = arith.constant 63 : i32
    %convert_element_type3A_696 = arith.sitofp %jit3A_694 : i32 to f32
    %max3A_697 = vector.broadcast %convert_element_type3A_696 : f32 to vector<256x1xf32>
    %max3A_698 = arith.maximumf %max3A_697, %add3A_541 : vector<256x1xf32>
    %convert_element_type3A_699 = arith.sitofp %jit3A_695 : i32 to f32
    %min3A_700 = vector.broadcast %convert_element_type3A_699 : f32 to vector<256x1xf32>
    %min3A_701 = arith.minimumf %min3A_700, %max3A_698 : vector<256x1xf32>
    %convert_element_type3A_702 = arith.fptosi %min3A_701 : vector<256x1xf32> to vector<256x1xi32>
    %mul3A_703 = arith.constant 64 : i32
    %mul3A_704 = vector.broadcast %mul3A_703 : i32 to vector<256x1xi32>
    %mul3A_705 = arith.muli %convert_element_type3A_702, %mul3A_704 : vector<256x1xi32>
    %add3A_706 = arith.addi %mul3A_557, %mul3A_705 : vector<256x1xi32>
    %add3A_707 = arith.addi %add3A_706, %convert_element_type3A_693 : vector<256x1xi32>
    %convert_element_type3A_708 = arith.extui %and3A_684 : vector<256x1xi1> to vector<256x1xi32>
    %convert_element_type3A_709 = arith.sitofp %convert_element_type3A_708 : vector<256x1xi32> to vector<256x1xf32>
    %mul3A_710 = arith.mulf %mul3A_560, %convert_element_type3A_709 : vector<256x1xf32>
    %mul3A_711 = arith.mulf %mul3A_710, %convert_element_type3A_554 : vector<256x1xf32>
    %eq3A_712 = arith.constant 6 : i32
    %eq3A_713 = vector.broadcast %eq3A_712 : i32 to vector<256x16xi32>
    %eq3A_714 = arith.cmpi eq, %iota3A_131, %eq3A_713 : vector<256x16xi32>
    %broadcast_in_dim3A_715 = vector.shape_cast %add3A_707 : vector<256x1xi32> to vector<256x1xi32>
    %broadcast_in_dim3A_716 = vector.broadcast %broadcast_in_dim3A_715 : vector<256x1xi32> to vector<256x16xi32>
    %select_n3A_717 = arith.select %eq3A_714, %broadcast_in_dim3A_716, %select_n3A_663 : vector<256x16xi1>, vector<256x16xi32>
    %eq3A_718 = arith.constant 6 : i32
    %eq3A_719 = vector.broadcast %eq3A_718 : i32 to vector<256x16xi32>
    %eq3A_720 = arith.cmpi eq, %iota3A_131, %eq3A_719 : vector<256x16xi32>
    %broadcast_in_dim3A_721 = vector.shape_cast %mul3A_711 : vector<256x1xf32> to vector<256x1xf32>
    %broadcast_in_dim3A_722 = vector.broadcast %broadcast_in_dim3A_721 : vector<256x1xf32> to vector<256x16xf32>
    %select_n3A_723 = arith.select %eq3A_720, %broadcast_in_dim3A_722, %select_n3A_669 : vector<256x16xi1>, vector<256x16xf32>
    %ge3A_724 = arith.constant 0.000000e+00 : f32
    %ge3A_725 = vector.broadcast %ge3A_724 : f32 to vector<256x1xf32>
    %ge3A_726 = arith.cmpf oge, %add3A_537, %ge3A_725 : vector<256x1xf32>
    %le3A_727 = arith.constant 6.300000e+01 : f32
    %le3A_728 = vector.broadcast %le3A_727 : f32 to vector<256x1xf32>
    %le3A_729 = arith.cmpf ole, %add3A_537, %le3A_728 : vector<256x1xf32>
    %and3A_730 = arith.andi %ge3A_726, %le3A_729 : vector<256x1xi1>
    %ge3A_731 = arith.constant 0.000000e+00 : f32
    %ge3A_732 = vector.broadcast %ge3A_731 : f32 to vector<256x1xf32>
    %ge3A_733 = arith.cmpf oge, %add3A_541, %ge3A_732 : vector<256x1xf32>
    %and3A_734 = arith.andi %and3A_730, %ge3A_733 : vector<256x1xi1>
    %le3A_735 = arith.constant 6.300000e+01 : f32
    %le3A_736 = vector.broadcast %le3A_735 : f32 to vector<256x1xf32>
    %le3A_737 = arith.cmpf ole, %add3A_541, %le3A_736 : vector<256x1xf32>
    %and3A_738 = arith.andi %and3A_734, %le3A_737 : vector<256x1xi1>
    %jit3A_739 = arith.constant 0 : i32
    %jit3A_740 = arith.constant 63 : i32
    %convert_element_type3A_741 = arith.sitofp %jit3A_739 : i32 to f32
    %max3A_742 = vector.broadcast %convert_element_type3A_741 : f32 to vector<256x1xf32>
    %max3A_743 = arith.maximumf %max3A_742, %add3A_537 : vector<256x1xf32>
    %convert_element_type3A_744 = arith.sitofp %jit3A_740 : i32 to f32
    %min3A_745 = vector.broadcast %convert_element_type3A_744 : f32 to vector<256x1xf32>
    %min3A_746 = arith.minimumf %min3A_745, %max3A_743 : vector<256x1xf32>
    %convert_element_type3A_747 = arith.fptosi %min3A_746 : vector<256x1xf32> to vector<256x1xi32>
    %jit3A_748 = arith.constant 0 : i32
    %jit3A_749 = arith.constant 63 : i32
    %convert_element_type3A_750 = arith.sitofp %jit3A_748 : i32 to f32
    %max3A_751 = vector.broadcast %convert_element_type3A_750 : f32 to vector<256x1xf32>
    %max3A_752 = arith.maximumf %max3A_751, %add3A_541 : vector<256x1xf32>
    %convert_element_type3A_753 = arith.sitofp %jit3A_749 : i32 to f32
    %min3A_754 = vector.broadcast %convert_element_type3A_753 : f32 to vector<256x1xf32>
    %min3A_755 = arith.minimumf %min3A_754, %max3A_752 : vector<256x1xf32>
    %convert_element_type3A_756 = arith.fptosi %min3A_755 : vector<256x1xf32> to vector<256x1xi32>
    %mul3A_757 = arith.constant 64 : i32
    %mul3A_758 = vector.broadcast %mul3A_757 : i32 to vector<256x1xi32>
    %mul3A_759 = arith.muli %convert_element_type3A_756, %mul3A_758 : vector<256x1xi32>
    %add3A_760 = arith.addi %mul3A_557, %mul3A_759 : vector<256x1xi32>
    %add3A_761 = arith.addi %add3A_760, %convert_element_type3A_747 : vector<256x1xi32>
    %convert_element_type3A_762 = arith.extui %and3A_738 : vector<256x1xi1> to vector<256x1xi32>
    %convert_element_type3A_763 = arith.sitofp %convert_element_type3A_762 : vector<256x1xi32> to vector<256x1xf32>
    %mul3A_764 = arith.mulf %mul3A_561, %convert_element_type3A_763 : vector<256x1xf32>
    %mul3A_765 = arith.mulf %mul3A_764, %convert_element_type3A_554 : vector<256x1xf32>
    %eq3A_766 = arith.constant 7 : i32
    %eq3A_767 = vector.broadcast %eq3A_766 : i32 to vector<256x16xi32>
    %eq3A_768 = arith.cmpi eq, %iota3A_131, %eq3A_767 : vector<256x16xi32>
    %broadcast_in_dim3A_769 = vector.shape_cast %add3A_761 : vector<256x1xi32> to vector<256x1xi32>
    %broadcast_in_dim3A_770 = vector.broadcast %broadcast_in_dim3A_769 : vector<256x1xi32> to vector<256x16xi32>
    %select_n3A_771 = arith.select %eq3A_768, %broadcast_in_dim3A_770, %select_n3A_717 : vector<256x16xi1>, vector<256x16xi32>
    %eq3A_772 = arith.constant 7 : i32
    %eq3A_773 = vector.broadcast %eq3A_772 : i32 to vector<256x16xi32>
    %eq3A_774 = arith.cmpi eq, %iota3A_131, %eq3A_773 : vector<256x16xi32>
    %broadcast_in_dim3A_775 = vector.shape_cast %mul3A_765 : vector<256x1xf32> to vector<256x1xf32>
    %broadcast_in_dim3A_776 = vector.broadcast %broadcast_in_dim3A_775 : vector<256x1xf32> to vector<256x16xf32>
    %select_n3A_777 = arith.select %eq3A_774, %broadcast_in_dim3A_776, %select_n3A_723 : vector<256x16xi1>, vector<256x16xf32>
    %eq3A_778 = arith.constant 1 : i32
    %eq3A_779 = vector.broadcast %eq3A_778 : i32 to vector<256x4xi32>
    %eq3A_780 = arith.cmpi eq, %iota3A_132, %eq3A_779 : vector<256x4xi32>
    %broadcast_in_dim3A_781 = vector.shape_cast %broadcast_in_dim3A_470 : vector<256x1xi32> to vector<256x1xi32>
    %broadcast_in_dim3A_782 = vector.broadcast %broadcast_in_dim3A_781 : vector<256x1xi32> to vector<256x4xi32>
    %select_n3A_783 = arith.select %eq3A_780, %broadcast_in_dim3A_782, %select_n3A_459 : vector<256x4xi1>, vector<256x4xi32>
    %reduce_max3A_784 = arith.constant dense<0xFF800000> : vector<256xf32>
    %reduce_max3A_785 = vector.multi_reduction <maximumf>, %select_n3A_475, %reduce_max3A_784 [1] : vector<256x32xf32> to vector<256xf32>
    %broadcast_in_dim3A_786 = vector.shape_cast %reduce_max3A_785 : vector<256xf32> to vector<256x1xf32>
    %eq3A_787 = vector.broadcast %broadcast_in_dim3A_786 : vector<256x1xf32> to vector<256x32xf32>
    %eq3A_788 = arith.cmpf oeq, %select_n3A_475, %eq3A_787 : vector<256x32xf32>
    %jit3A_789 = arith.constant 33 : i32
    %broadcast_in_dim3A_790 = vector.broadcast %jit3A_789 : i32 to vector<256x32xi32>
    %select_n3A_791 = arith.select %eq3A_788, %iota3A, %broadcast_in_dim3A_790 : vector<256x32xi1>, vector<256x32xi32>
    %reduce_min3A_792 = arith.constant dense<2147483647> : vector<256xi32>
    %reduce_min3A_793 = vector.multi_reduction <minsi>, %select_n3A_791, %reduce_min3A_792 [1] : vector<256x32xi32> to vector<256xi32>
    %broadcast_in_dim3A_794 = vector.shape_cast %reduce_min3A_793 : vector<256xi32> to vector<256x1xi32>
    %eq3A_795 = vector.broadcast %broadcast_in_dim3A_794 : vector<256x1xi32> to vector<256x32xi32>
    %eq3A_796 = arith.cmpi eq, %iota3A, %eq3A_795 : vector<256x32xi32>
    %jit3A_797 = arith.constant -1.000000e+00 : f32
    %broadcast_in_dim3A_798 = vector.broadcast %jit3A_797 : f32 to vector<256x32xf32>
    %select_n3A_799 = arith.select %eq3A_796, %broadcast_in_dim3A_798, %select_n3A_475 : vector<256x32xi1>, vector<256x32xf32>
    %jit3A_800 = arith.constant 0.000000e+00 : f32
    %broadcast_in_dim3A_801 = vector.broadcast %jit3A_800 : f32 to vector<256x32xf32>
    %select_n3A_802 = arith.select %eq3A_796, %div3A, %broadcast_in_dim3A_801 : vector<256x32xi1>, vector<256x32xf32>
    %reduce_sum3A_803 = arith.constant dense<0.000000e+00> : vector<256xf32>
    %reduce_sum3A_804 = vector.multi_reduction <add>, %select_n3A_802, %reduce_sum3A_803 [1] : vector<256x32xf32> to vector<256xf32>
    %broadcast_in_dim3A_805 = vector.shape_cast %reduce_sum3A_804 : vector<256xf32> to vector<256x1xf32>
    %jit3A_806 = arith.constant 0.000000e+00 : f32
    %broadcast_in_dim3A_807 = vector.broadcast %jit3A_806 : f32 to vector<256x32xf32>
    %select_n3A_808 = arith.select %eq3A_796, %div3A_105, %broadcast_in_dim3A_807 : vector<256x32xi1>, vector<256x32xf32>
    %reduce_sum3A_809 = arith.constant dense<0.000000e+00> : vector<256xf32>
    %reduce_sum3A_810 = vector.multi_reduction <add>, %select_n3A_808, %reduce_sum3A_809 [1] : vector<256x32xf32> to vector<256xf32>
    %broadcast_in_dim3A_811 = vector.shape_cast %reduce_sum3A_810 : vector<256xf32> to vector<256x1xf32>
    %jit3A_812 = arith.constant 0.000000e+00 : f32
    %broadcast_in_dim3A_813 = vector.broadcast %jit3A_812 : f32 to vector<256x32xf32>
    %select_n3A_814 = arith.select %eq3A_796, %add3A_60, %broadcast_in_dim3A_813 : vector<256x32xi1>, vector<256x32xf32>
    %reduce_sum3A_815 = arith.constant dense<0.000000e+00> : vector<256xf32>
    %reduce_sum3A_816 = vector.multi_reduction <add>, %select_n3A_814, %reduce_sum3A_815 [1] : vector<256x32xf32> to vector<256xf32>
    %broadcast_in_dim3A_817 = vector.shape_cast %reduce_sum3A_816 : vector<256xf32> to vector<256x1xf32>
    %mul3A_818 = vector.broadcast %div3A_136 : f32 to vector<256x1xf32>
    %mul3A_819 = arith.mulf %broadcast_in_dim3A_805, %mul3A_818 : vector<256x1xf32>
    %mul3A_820 = vector.broadcast %div3A_140 : f32 to vector<256x1xf32>
    %mul3A_821 = arith.mulf %broadcast_in_dim3A_811, %mul3A_820 : vector<256x1xf32>
    %div3A_822 = arith.constant 6.300000e+01 : f32
    %div3A_823 = vector.broadcast %div3A_822 : f32 to vector<256x1xf32>
    %div3A_824 = arith.divf %mul3A_819, %div3A_823 : vector<256x1xf32>
    %mul3A_825 = arith.constant 2.000000e+00 : f32
    %mul3A_826 = vector.broadcast %mul3A_825 : f32 to vector<256x1xf32>
    %mul3A_827 = arith.mulf %mul3A_826, %div3A_824 : vector<256x1xf32>
    %sub3A_828 = arith.constant 1.000000e+00 : f32
    %sub3A_829 = vector.broadcast %sub3A_828 : f32 to vector<256x1xf32>
    %sub3A_830 = arith.subf %mul3A_827, %sub3A_829 : vector<256x1xf32>
    %div3A_831 = arith.constant 6.300000e+01 : f32
    %div3A_832 = vector.broadcast %div3A_831 : f32 to vector<256x1xf32>
    %div3A_833 = arith.divf %mul3A_821, %div3A_832 : vector<256x1xf32>
    %mul3A_834 = arith.constant 2.000000e+00 : f32
    %mul3A_835 = vector.broadcast %mul3A_834 : f32 to vector<256x1xf32>
    %mul3A_836 = arith.mulf %mul3A_835, %div3A_833 : vector<256x1xf32>
    %sub3A_837 = arith.constant 1.000000e+00 : f32
    %sub3A_838 = vector.broadcast %sub3A_837 : f32 to vector<256x1xf32>
    %sub3A_839 = arith.subf %mul3A_836, %sub3A_838 : vector<256x1xf32>
    %add3A_840 = arith.constant 1.000000e+00 : f32
    %add3A_841 = vector.broadcast %add3A_840 : f32 to vector<256x1xf32>
    %add3A_842 = arith.addf %sub3A_830, %add3A_841 : vector<256x1xf32>
    %div3A_843 = arith.constant 2.000000e+00 : f32
    %div3A_844 = vector.broadcast %div3A_843 : f32 to vector<256x1xf32>
    %div3A_845 = arith.divf %add3A_842, %div3A_844 : vector<256x1xf32>
    %mul3A_846 = arith.constant 6.300000e+01 : f32
    %mul3A_847 = vector.broadcast %mul3A_846 : f32 to vector<256x1xf32>
    %mul3A_848 = arith.mulf %div3A_845, %mul3A_847 : vector<256x1xf32>
    %add3A_849 = arith.constant 1.000000e+00 : f32
    %add3A_850 = vector.broadcast %add3A_849 : f32 to vector<256x1xf32>
    %add3A_851 = arith.addf %sub3A_839, %add3A_850 : vector<256x1xf32>
    %div3A_852 = arith.constant 2.000000e+00 : f32
    %div3A_853 = vector.broadcast %div3A_852 : f32 to vector<256x1xf32>
    %div3A_854 = arith.divf %add3A_851, %div3A_853 : vector<256x1xf32>
    %mul3A_855 = arith.constant 6.300000e+01 : f32
    %mul3A_856 = vector.broadcast %mul3A_855 : f32 to vector<256x1xf32>
    %mul3A_857 = arith.mulf %div3A_854, %mul3A_856 : vector<256x1xf32>
    %floor3A_858 = math.floor %mul3A_848 : vector<256x1xf32>
    %add3A_859 = arith.constant 1.000000e+00 : f32
    %add3A_860 = vector.broadcast %add3A_859 : f32 to vector<256x1xf32>
    %add3A_861 = arith.addf %floor3A_858, %add3A_860 : vector<256x1xf32>
    %floor3A_862 = math.floor %mul3A_857 : vector<256x1xf32>
    %add3A_863 = arith.constant 1.000000e+00 : f32
    %add3A_864 = vector.broadcast %add3A_863 : f32 to vector<256x1xf32>
    %add3A_865 = arith.addf %floor3A_862, %add3A_864 : vector<256x1xf32>
    %sub3A_866 = arith.subf %mul3A_848, %floor3A_858 : vector<256x1xf32>
    %sub3A_867 = arith.constant 1.000000e+00 : f32
    %sub3A_868 = vector.broadcast %sub3A_867 : f32 to vector<256x1xf32>
    %sub3A_869 = arith.subf %sub3A_868, %sub3A_866 : vector<256x1xf32>
    %sub3A_870 = arith.subf %mul3A_857, %floor3A_862 : vector<256x1xf32>
    %sub3A_871 = arith.constant 1.000000e+00 : f32
    %sub3A_872 = vector.broadcast %sub3A_871 : f32 to vector<256x1xf32>
    %sub3A_873 = arith.subf %sub3A_872, %sub3A_870 : vector<256x1xf32>
    %gt3A_874 = arith.constant 9.99999974E-5 : f32
    %gt3A_875 = vector.broadcast %gt3A_874 : f32 to vector<256x1xf32>
    %gt3A_876 = arith.cmpf ogt, %broadcast_in_dim3A_817, %gt3A_875 : vector<256x1xf32>
    %convert_element_type3A_877 = arith.extui %gt3A_876 : vector<256x1xi1> to vector<256x1xi32>
    %convert_element_type3A_878 = arith.sitofp %convert_element_type3A_877 : vector<256x1xi32> to vector<256x1xf32>
    %mul3A_879 = arith.constant 4096 : i32
    %mul3A_880 = vector.broadcast %mul3A_879 : i32 to vector<256x1xi32>
    %mul3A_881 = arith.muli %broadcast_in_dim3A_794, %mul3A_880 : vector<256x1xi32>
    %mul3A_882 = arith.mulf %sub3A_873, %sub3A_869 : vector<256x1xf32>
    %mul3A_883 = arith.mulf %sub3A_873, %sub3A_866 : vector<256x1xf32>
    %mul3A_884 = arith.mulf %sub3A_870, %sub3A_869 : vector<256x1xf32>
    %mul3A_885 = arith.mulf %sub3A_870, %sub3A_866 : vector<256x1xf32>
    %ge3A_886 = arith.constant 0.000000e+00 : f32
    %ge3A_887 = vector.broadcast %ge3A_886 : f32 to vector<256x1xf32>
    %ge3A_888 = arith.cmpf oge, %floor3A_858, %ge3A_887 : vector<256x1xf32>
    %le3A_889 = arith.constant 6.300000e+01 : f32
    %le3A_890 = vector.broadcast %le3A_889 : f32 to vector<256x1xf32>
    %le3A_891 = arith.cmpf ole, %floor3A_858, %le3A_890 : vector<256x1xf32>
    %and3A_892 = arith.andi %ge3A_888, %le3A_891 : vector<256x1xi1>
    %ge3A_893 = arith.constant 0.000000e+00 : f32
    %ge3A_894 = vector.broadcast %ge3A_893 : f32 to vector<256x1xf32>
    %ge3A_895 = arith.cmpf oge, %floor3A_862, %ge3A_894 : vector<256x1xf32>
    %and3A_896 = arith.andi %and3A_892, %ge3A_895 : vector<256x1xi1>
    %le3A_897 = arith.constant 6.300000e+01 : f32
    %le3A_898 = vector.broadcast %le3A_897 : f32 to vector<256x1xf32>
    %le3A_899 = arith.cmpf ole, %floor3A_862, %le3A_898 : vector<256x1xf32>
    %and3A_900 = arith.andi %and3A_896, %le3A_899 : vector<256x1xi1>
    %jit3A_901 = arith.constant 0 : i32
    %jit3A_902 = arith.constant 63 : i32
    %convert_element_type3A_903 = arith.sitofp %jit3A_901 : i32 to f32
    %max3A_904 = vector.broadcast %convert_element_type3A_903 : f32 to vector<256x1xf32>
    %max3A_905 = arith.maximumf %max3A_904, %floor3A_858 : vector<256x1xf32>
    %convert_element_type3A_906 = arith.sitofp %jit3A_902 : i32 to f32
    %min3A_907 = vector.broadcast %convert_element_type3A_906 : f32 to vector<256x1xf32>
    %min3A_908 = arith.minimumf %min3A_907, %max3A_905 : vector<256x1xf32>
    %convert_element_type3A_909 = arith.fptosi %min3A_908 : vector<256x1xf32> to vector<256x1xi32>
    %jit3A_910 = arith.constant 0 : i32
    %jit3A_911 = arith.constant 63 : i32
    %convert_element_type3A_912 = arith.sitofp %jit3A_910 : i32 to f32
    %max3A_913 = vector.broadcast %convert_element_type3A_912 : f32 to vector<256x1xf32>
    %max3A_914 = arith.maximumf %max3A_913, %floor3A_862 : vector<256x1xf32>
    %convert_element_type3A_915 = arith.sitofp %jit3A_911 : i32 to f32
    %min3A_916 = vector.broadcast %convert_element_type3A_915 : f32 to vector<256x1xf32>
    %min3A_917 = arith.minimumf %min3A_916, %max3A_914 : vector<256x1xf32>
    %convert_element_type3A_918 = arith.fptosi %min3A_917 : vector<256x1xf32> to vector<256x1xi32>
    %mul3A_919 = arith.constant 64 : i32
    %mul3A_920 = vector.broadcast %mul3A_919 : i32 to vector<256x1xi32>
    %mul3A_921 = arith.muli %convert_element_type3A_918, %mul3A_920 : vector<256x1xi32>
    %add3A_922 = arith.addi %mul3A_881, %mul3A_921 : vector<256x1xi32>
    %add3A_923 = arith.addi %add3A_922, %convert_element_type3A_909 : vector<256x1xi32>
    %convert_element_type3A_924 = arith.extui %and3A_900 : vector<256x1xi1> to vector<256x1xi32>
    %convert_element_type3A_925 = arith.sitofp %convert_element_type3A_924 : vector<256x1xi32> to vector<256x1xf32>
    %mul3A_926 = arith.mulf %mul3A_882, %convert_element_type3A_925 : vector<256x1xf32>
    %mul3A_927 = arith.mulf %mul3A_926, %convert_element_type3A_878 : vector<256x1xf32>
    %eq3A_928 = arith.constant 8 : i32
    %eq3A_929 = vector.broadcast %eq3A_928 : i32 to vector<256x16xi32>
    %eq3A_930 = arith.cmpi eq, %iota3A_131, %eq3A_929 : vector<256x16xi32>
    %broadcast_in_dim3A_931 = vector.shape_cast %add3A_923 : vector<256x1xi32> to vector<256x1xi32>
    %broadcast_in_dim3A_932 = vector.broadcast %broadcast_in_dim3A_931 : vector<256x1xi32> to vector<256x16xi32>
    %select_n3A_933 = arith.select %eq3A_930, %broadcast_in_dim3A_932, %select_n3A_771 : vector<256x16xi1>, vector<256x16xi32>
    %eq3A_934 = arith.constant 8 : i32
    %eq3A_935 = vector.broadcast %eq3A_934 : i32 to vector<256x16xi32>
    %eq3A_936 = arith.cmpi eq, %iota3A_131, %eq3A_935 : vector<256x16xi32>
    %broadcast_in_dim3A_937 = vector.shape_cast %mul3A_927 : vector<256x1xf32> to vector<256x1xf32>
    %broadcast_in_dim3A_938 = vector.broadcast %broadcast_in_dim3A_937 : vector<256x1xf32> to vector<256x16xf32>
    %select_n3A_939 = arith.select %eq3A_936, %broadcast_in_dim3A_938, %select_n3A_777 : vector<256x16xi1>, vector<256x16xf32>
    %ge3A_940 = arith.constant 0.000000e+00 : f32
    %ge3A_941 = vector.broadcast %ge3A_940 : f32 to vector<256x1xf32>
    %ge3A_942 = arith.cmpf oge, %add3A_861, %ge3A_941 : vector<256x1xf32>
    %le3A_943 = arith.constant 6.300000e+01 : f32
    %le3A_944 = vector.broadcast %le3A_943 : f32 to vector<256x1xf32>
    %le3A_945 = arith.cmpf ole, %add3A_861, %le3A_944 : vector<256x1xf32>
    %and3A_946 = arith.andi %ge3A_942, %le3A_945 : vector<256x1xi1>
    %ge3A_947 = arith.constant 0.000000e+00 : f32
    %ge3A_948 = vector.broadcast %ge3A_947 : f32 to vector<256x1xf32>
    %ge3A_949 = arith.cmpf oge, %floor3A_862, %ge3A_948 : vector<256x1xf32>
    %and3A_950 = arith.andi %and3A_946, %ge3A_949 : vector<256x1xi1>
    %le3A_951 = arith.constant 6.300000e+01 : f32
    %le3A_952 = vector.broadcast %le3A_951 : f32 to vector<256x1xf32>
    %le3A_953 = arith.cmpf ole, %floor3A_862, %le3A_952 : vector<256x1xf32>
    %and3A_954 = arith.andi %and3A_950, %le3A_953 : vector<256x1xi1>
    %jit3A_955 = arith.constant 0 : i32
    %jit3A_956 = arith.constant 63 : i32
    %convert_element_type3A_957 = arith.sitofp %jit3A_955 : i32 to f32
    %max3A_958 = vector.broadcast %convert_element_type3A_957 : f32 to vector<256x1xf32>
    %max3A_959 = arith.maximumf %max3A_958, %add3A_861 : vector<256x1xf32>
    %convert_element_type3A_960 = arith.sitofp %jit3A_956 : i32 to f32
    %min3A_961 = vector.broadcast %convert_element_type3A_960 : f32 to vector<256x1xf32>
    %min3A_962 = arith.minimumf %min3A_961, %max3A_959 : vector<256x1xf32>
    %convert_element_type3A_963 = arith.fptosi %min3A_962 : vector<256x1xf32> to vector<256x1xi32>
    %jit3A_964 = arith.constant 0 : i32
    %jit3A_965 = arith.constant 63 : i32
    %convert_element_type3A_966 = arith.sitofp %jit3A_964 : i32 to f32
    %max3A_967 = vector.broadcast %convert_element_type3A_966 : f32 to vector<256x1xf32>
    %max3A_968 = arith.maximumf %max3A_967, %floor3A_862 : vector<256x1xf32>
    %convert_element_type3A_969 = arith.sitofp %jit3A_965 : i32 to f32
    %min3A_970 = vector.broadcast %convert_element_type3A_969 : f32 to vector<256x1xf32>
    %min3A_971 = arith.minimumf %min3A_970, %max3A_968 : vector<256x1xf32>
    %convert_element_type3A_972 = arith.fptosi %min3A_971 : vector<256x1xf32> to vector<256x1xi32>
    %mul3A_973 = arith.constant 64 : i32
    %mul3A_974 = vector.broadcast %mul3A_973 : i32 to vector<256x1xi32>
    %mul3A_975 = arith.muli %convert_element_type3A_972, %mul3A_974 : vector<256x1xi32>
    %add3A_976 = arith.addi %mul3A_881, %mul3A_975 : vector<256x1xi32>
    %add3A_977 = arith.addi %add3A_976, %convert_element_type3A_963 : vector<256x1xi32>
    %convert_element_type3A_978 = arith.extui %and3A_954 : vector<256x1xi1> to vector<256x1xi32>
    %convert_element_type3A_979 = arith.sitofp %convert_element_type3A_978 : vector<256x1xi32> to vector<256x1xf32>
    %mul3A_980 = arith.mulf %mul3A_883, %convert_element_type3A_979 : vector<256x1xf32>
    %mul3A_981 = arith.mulf %mul3A_980, %convert_element_type3A_878 : vector<256x1xf32>
    %eq3A_982 = arith.constant 9 : i32
    %eq3A_983 = vector.broadcast %eq3A_982 : i32 to vector<256x16xi32>
    %eq3A_984 = arith.cmpi eq, %iota3A_131, %eq3A_983 : vector<256x16xi32>
    %broadcast_in_dim3A_985 = vector.shape_cast %add3A_977 : vector<256x1xi32> to vector<256x1xi32>
    %broadcast_in_dim3A_986 = vector.broadcast %broadcast_in_dim3A_985 : vector<256x1xi32> to vector<256x16xi32>
    %select_n3A_987 = arith.select %eq3A_984, %broadcast_in_dim3A_986, %select_n3A_933 : vector<256x16xi1>, vector<256x16xi32>
    %eq3A_988 = arith.constant 9 : i32
    %eq3A_989 = vector.broadcast %eq3A_988 : i32 to vector<256x16xi32>
    %eq3A_990 = arith.cmpi eq, %iota3A_131, %eq3A_989 : vector<256x16xi32>
    %broadcast_in_dim3A_991 = vector.shape_cast %mul3A_981 : vector<256x1xf32> to vector<256x1xf32>
    %broadcast_in_dim3A_992 = vector.broadcast %broadcast_in_dim3A_991 : vector<256x1xf32> to vector<256x16xf32>
    %select_n3A_993 = arith.select %eq3A_990, %broadcast_in_dim3A_992, %select_n3A_939 : vector<256x16xi1>, vector<256x16xf32>
    %ge3A_994 = arith.constant 0.000000e+00 : f32
    %ge3A_995 = vector.broadcast %ge3A_994 : f32 to vector<256x1xf32>
    %ge3A_996 = arith.cmpf oge, %floor3A_858, %ge3A_995 : vector<256x1xf32>
    %le3A_997 = arith.constant 6.300000e+01 : f32
    %le3A_998 = vector.broadcast %le3A_997 : f32 to vector<256x1xf32>
    %le3A_999 = arith.cmpf ole, %floor3A_858, %le3A_998 : vector<256x1xf32>
    %and3A_1000 = arith.andi %ge3A_996, %le3A_999 : vector<256x1xi1>
    %ge3A_1001 = arith.constant 0.000000e+00 : f32
    %ge3A_1002 = vector.broadcast %ge3A_1001 : f32 to vector<256x1xf32>
    %ge3A_1003 = arith.cmpf oge, %add3A_865, %ge3A_1002 : vector<256x1xf32>
    %and3A_1004 = arith.andi %and3A_1000, %ge3A_1003 : vector<256x1xi1>
    %le3A_1005 = arith.constant 6.300000e+01 : f32
    %le3A_1006 = vector.broadcast %le3A_1005 : f32 to vector<256x1xf32>
    %le3A_1007 = arith.cmpf ole, %add3A_865, %le3A_1006 : vector<256x1xf32>
    %and3A_1008 = arith.andi %and3A_1004, %le3A_1007 : vector<256x1xi1>
    %jit3A_1009 = arith.constant 0 : i32
    %jit3A_1010 = arith.constant 63 : i32
    %convert_element_type3A_1011 = arith.sitofp %jit3A_1009 : i32 to f32
    %max3A_1012 = vector.broadcast %convert_element_type3A_1011 : f32 to vector<256x1xf32>
    %max3A_1013 = arith.maximumf %max3A_1012, %floor3A_858 : vector<256x1xf32>
    %convert_element_type3A_1014 = arith.sitofp %jit3A_1010 : i32 to f32
    %min3A_1015 = vector.broadcast %convert_element_type3A_1014 : f32 to vector<256x1xf32>
    %min3A_1016 = arith.minimumf %min3A_1015, %max3A_1013 : vector<256x1xf32>
    %convert_element_type3A_1017 = arith.fptosi %min3A_1016 : vector<256x1xf32> to vector<256x1xi32>
    %jit3A_1018 = arith.constant 0 : i32
    %jit3A_1019 = arith.constant 63 : i32
    %convert_element_type3A_1020 = arith.sitofp %jit3A_1018 : i32 to f32
    %max3A_1021 = vector.broadcast %convert_element_type3A_1020 : f32 to vector<256x1xf32>
    %max3A_1022 = arith.maximumf %max3A_1021, %add3A_865 : vector<256x1xf32>
    %convert_element_type3A_1023 = arith.sitofp %jit3A_1019 : i32 to f32
    %min3A_1024 = vector.broadcast %convert_element_type3A_1023 : f32 to vector<256x1xf32>
    %min3A_1025 = arith.minimumf %min3A_1024, %max3A_1022 : vector<256x1xf32>
    %convert_element_type3A_1026 = arith.fptosi %min3A_1025 : vector<256x1xf32> to vector<256x1xi32>
    %mul3A_1027 = arith.constant 64 : i32
    %mul3A_1028 = vector.broadcast %mul3A_1027 : i32 to vector<256x1xi32>
    %mul3A_1029 = arith.muli %convert_element_type3A_1026, %mul3A_1028 : vector<256x1xi32>
    %add3A_1030 = arith.addi %mul3A_881, %mul3A_1029 : vector<256x1xi32>
    %add3A_1031 = arith.addi %add3A_1030, %convert_element_type3A_1017 : vector<256x1xi32>
    %convert_element_type3A_1032 = arith.extui %and3A_1008 : vector<256x1xi1> to vector<256x1xi32>
    %convert_element_type3A_1033 = arith.sitofp %convert_element_type3A_1032 : vector<256x1xi32> to vector<256x1xf32>
    %mul3A_1034 = arith.mulf %mul3A_884, %convert_element_type3A_1033 : vector<256x1xf32>
    %mul3A_1035 = arith.mulf %mul3A_1034, %convert_element_type3A_878 : vector<256x1xf32>
    %eq3A_1036 = arith.constant 10 : i32
    %eq3A_1037 = vector.broadcast %eq3A_1036 : i32 to vector<256x16xi32>
    %eq3A_1038 = arith.cmpi eq, %iota3A_131, %eq3A_1037 : vector<256x16xi32>
    %broadcast_in_dim3A_1039 = vector.shape_cast %add3A_1031 : vector<256x1xi32> to vector<256x1xi32>
    %broadcast_in_dim3A_1040 = vector.broadcast %broadcast_in_dim3A_1039 : vector<256x1xi32> to vector<256x16xi32>
    %select_n3A_1041 = arith.select %eq3A_1038, %broadcast_in_dim3A_1040, %select_n3A_987 : vector<256x16xi1>, vector<256x16xi32>
    %eq3A_1042 = arith.constant 10 : i32
    %eq3A_1043 = vector.broadcast %eq3A_1042 : i32 to vector<256x16xi32>
    %eq3A_1044 = arith.cmpi eq, %iota3A_131, %eq3A_1043 : vector<256x16xi32>
    %broadcast_in_dim3A_1045 = vector.shape_cast %mul3A_1035 : vector<256x1xf32> to vector<256x1xf32>
    %broadcast_in_dim3A_1046 = vector.broadcast %broadcast_in_dim3A_1045 : vector<256x1xf32> to vector<256x16xf32>
    %select_n3A_1047 = arith.select %eq3A_1044, %broadcast_in_dim3A_1046, %select_n3A_993 : vector<256x16xi1>, vector<256x16xf32>
    %ge3A_1048 = arith.constant 0.000000e+00 : f32
    %ge3A_1049 = vector.broadcast %ge3A_1048 : f32 to vector<256x1xf32>
    %ge3A_1050 = arith.cmpf oge, %add3A_861, %ge3A_1049 : vector<256x1xf32>
    %le3A_1051 = arith.constant 6.300000e+01 : f32
    %le3A_1052 = vector.broadcast %le3A_1051 : f32 to vector<256x1xf32>
    %le3A_1053 = arith.cmpf ole, %add3A_861, %le3A_1052 : vector<256x1xf32>
    %and3A_1054 = arith.andi %ge3A_1050, %le3A_1053 : vector<256x1xi1>
    %ge3A_1055 = arith.constant 0.000000e+00 : f32
    %ge3A_1056 = vector.broadcast %ge3A_1055 : f32 to vector<256x1xf32>
    %ge3A_1057 = arith.cmpf oge, %add3A_865, %ge3A_1056 : vector<256x1xf32>
    %and3A_1058 = arith.andi %and3A_1054, %ge3A_1057 : vector<256x1xi1>
    %le3A_1059 = arith.constant 6.300000e+01 : f32
    %le3A_1060 = vector.broadcast %le3A_1059 : f32 to vector<256x1xf32>
    %le3A_1061 = arith.cmpf ole, %add3A_865, %le3A_1060 : vector<256x1xf32>
    %and3A_1062 = arith.andi %and3A_1058, %le3A_1061 : vector<256x1xi1>
    %jit3A_1063 = arith.constant 0 : i32
    %jit3A_1064 = arith.constant 63 : i32
    %convert_element_type3A_1065 = arith.sitofp %jit3A_1063 : i32 to f32
    %max3A_1066 = vector.broadcast %convert_element_type3A_1065 : f32 to vector<256x1xf32>
    %max3A_1067 = arith.maximumf %max3A_1066, %add3A_861 : vector<256x1xf32>
    %convert_element_type3A_1068 = arith.sitofp %jit3A_1064 : i32 to f32
    %min3A_1069 = vector.broadcast %convert_element_type3A_1068 : f32 to vector<256x1xf32>
    %min3A_1070 = arith.minimumf %min3A_1069, %max3A_1067 : vector<256x1xf32>
    %convert_element_type3A_1071 = arith.fptosi %min3A_1070 : vector<256x1xf32> to vector<256x1xi32>
    %jit3A_1072 = arith.constant 0 : i32
    %jit3A_1073 = arith.constant 63 : i32
    %convert_element_type3A_1074 = arith.sitofp %jit3A_1072 : i32 to f32
    %max3A_1075 = vector.broadcast %convert_element_type3A_1074 : f32 to vector<256x1xf32>
    %max3A_1076 = arith.maximumf %max3A_1075, %add3A_865 : vector<256x1xf32>
    %convert_element_type3A_1077 = arith.sitofp %jit3A_1073 : i32 to f32
    %min3A_1078 = vector.broadcast %convert_element_type3A_1077 : f32 to vector<256x1xf32>
    %min3A_1079 = arith.minimumf %min3A_1078, %max3A_1076 : vector<256x1xf32>
    %convert_element_type3A_1080 = arith.fptosi %min3A_1079 : vector<256x1xf32> to vector<256x1xi32>
    %mul3A_1081 = arith.constant 64 : i32
    %mul3A_1082 = vector.broadcast %mul3A_1081 : i32 to vector<256x1xi32>
    %mul3A_1083 = arith.muli %convert_element_type3A_1080, %mul3A_1082 : vector<256x1xi32>
    %add3A_1084 = arith.addi %mul3A_881, %mul3A_1083 : vector<256x1xi32>
    %add3A_1085 = arith.addi %add3A_1084, %convert_element_type3A_1071 : vector<256x1xi32>
    %convert_element_type3A_1086 = arith.extui %and3A_1062 : vector<256x1xi1> to vector<256x1xi32>
    %convert_element_type3A_1087 = arith.sitofp %convert_element_type3A_1086 : vector<256x1xi32> to vector<256x1xf32>
    %mul3A_1088 = arith.mulf %mul3A_885, %convert_element_type3A_1087 : vector<256x1xf32>
    %mul3A_1089 = arith.mulf %mul3A_1088, %convert_element_type3A_878 : vector<256x1xf32>
    %eq3A_1090 = arith.constant 11 : i32
    %eq3A_1091 = vector.broadcast %eq3A_1090 : i32 to vector<256x16xi32>
    %eq3A_1092 = arith.cmpi eq, %iota3A_131, %eq3A_1091 : vector<256x16xi32>
    %broadcast_in_dim3A_1093 = vector.shape_cast %add3A_1085 : vector<256x1xi32> to vector<256x1xi32>
    %broadcast_in_dim3A_1094 = vector.broadcast %broadcast_in_dim3A_1093 : vector<256x1xi32> to vector<256x16xi32>
    %select_n3A_1095 = arith.select %eq3A_1092, %broadcast_in_dim3A_1094, %select_n3A_1041 : vector<256x16xi1>, vector<256x16xi32>
    %eq3A_1096 = arith.constant 11 : i32
    %eq3A_1097 = vector.broadcast %eq3A_1096 : i32 to vector<256x16xi32>
    %eq3A_1098 = arith.cmpi eq, %iota3A_131, %eq3A_1097 : vector<256x16xi32>
    %broadcast_in_dim3A_1099 = vector.shape_cast %mul3A_1089 : vector<256x1xf32> to vector<256x1xf32>
    %broadcast_in_dim3A_1100 = vector.broadcast %broadcast_in_dim3A_1099 : vector<256x1xf32> to vector<256x16xf32>
    %select_n3A_1101 = arith.select %eq3A_1098, %broadcast_in_dim3A_1100, %select_n3A_1047 : vector<256x16xi1>, vector<256x16xf32>
    %eq3A_1102 = arith.constant 2 : i32
    %eq3A_1103 = vector.broadcast %eq3A_1102 : i32 to vector<256x4xi32>
    %eq3A_1104 = arith.cmpi eq, %iota3A_132, %eq3A_1103 : vector<256x4xi32>
    %broadcast_in_dim3A_1105 = vector.shape_cast %broadcast_in_dim3A_794 : vector<256x1xi32> to vector<256x1xi32>
    %broadcast_in_dim3A_1106 = vector.broadcast %broadcast_in_dim3A_1105 : vector<256x1xi32> to vector<256x4xi32>
    %select_n3A_1107 = arith.select %eq3A_1104, %broadcast_in_dim3A_1106, %select_n3A_783 : vector<256x4xi1>, vector<256x4xi32>
    %reduce_max3A_1108 = arith.constant dense<0xFF800000> : vector<256xf32>
    %reduce_max3A_1109 = vector.multi_reduction <maximumf>, %select_n3A_799, %reduce_max3A_1108 [1] : vector<256x32xf32> to vector<256xf32>
    %broadcast_in_dim3A_1110 = vector.shape_cast %reduce_max3A_1109 : vector<256xf32> to vector<256x1xf32>
    %eq3A_1111 = vector.broadcast %broadcast_in_dim3A_1110 : vector<256x1xf32> to vector<256x32xf32>
    %eq3A_1112 = arith.cmpf oeq, %select_n3A_799, %eq3A_1111 : vector<256x32xf32>
    %jit3A_1113 = arith.constant 33 : i32
    %broadcast_in_dim3A_1114 = vector.broadcast %jit3A_1113 : i32 to vector<256x32xi32>
    %select_n3A_1115 = arith.select %eq3A_1112, %iota3A, %broadcast_in_dim3A_1114 : vector<256x32xi1>, vector<256x32xi32>
    %reduce_min3A_1116 = arith.constant dense<2147483647> : vector<256xi32>
    %reduce_min3A_1117 = vector.multi_reduction <minsi>, %select_n3A_1115, %reduce_min3A_1116 [1] : vector<256x32xi32> to vector<256xi32>
    %broadcast_in_dim3A_1118 = vector.shape_cast %reduce_min3A_1117 : vector<256xi32> to vector<256x1xi32>
    %eq3A_1119 = vector.broadcast %broadcast_in_dim3A_1118 : vector<256x1xi32> to vector<256x32xi32>
    %eq3A_1120 = arith.cmpi eq, %iota3A, %eq3A_1119 : vector<256x32xi32>
    %jit3A_1121 = arith.constant 0.000000e+00 : f32
    %broadcast_in_dim3A_1122 = vector.broadcast %jit3A_1121 : f32 to vector<256x32xf32>
    %select_n3A_1123 = arith.select %eq3A_1120, %div3A, %broadcast_in_dim3A_1122 : vector<256x32xi1>, vector<256x32xf32>
    %reduce_sum3A_1124 = arith.constant dense<0.000000e+00> : vector<256xf32>
    %reduce_sum3A_1125 = vector.multi_reduction <add>, %select_n3A_1123, %reduce_sum3A_1124 [1] : vector<256x32xf32> to vector<256xf32>
    %broadcast_in_dim3A_1126 = vector.shape_cast %reduce_sum3A_1125 : vector<256xf32> to vector<256x1xf32>
    %jit3A_1127 = arith.constant 0.000000e+00 : f32
    %broadcast_in_dim3A_1128 = vector.broadcast %jit3A_1127 : f32 to vector<256x32xf32>
    %select_n3A_1129 = arith.select %eq3A_1120, %div3A_105, %broadcast_in_dim3A_1128 : vector<256x32xi1>, vector<256x32xf32>
    %reduce_sum3A_1130 = arith.constant dense<0.000000e+00> : vector<256xf32>
    %reduce_sum3A_1131 = vector.multi_reduction <add>, %select_n3A_1129, %reduce_sum3A_1130 [1] : vector<256x32xf32> to vector<256xf32>
    %broadcast_in_dim3A_1132 = vector.shape_cast %reduce_sum3A_1131 : vector<256xf32> to vector<256x1xf32>
    %jit3A_1133 = arith.constant 0.000000e+00 : f32
    %broadcast_in_dim3A_1134 = vector.broadcast %jit3A_1133 : f32 to vector<256x32xf32>
    %select_n3A_1135 = arith.select %eq3A_1120, %add3A_60, %broadcast_in_dim3A_1134 : vector<256x32xi1>, vector<256x32xf32>
    %reduce_sum3A_1136 = arith.constant dense<0.000000e+00> : vector<256xf32>
    %reduce_sum3A_1137 = vector.multi_reduction <add>, %select_n3A_1135, %reduce_sum3A_1136 [1] : vector<256x32xf32> to vector<256xf32>
    %broadcast_in_dim3A_1138 = vector.shape_cast %reduce_sum3A_1137 : vector<256xf32> to vector<256x1xf32>
    %mul3A_1139 = vector.broadcast %div3A_136 : f32 to vector<256x1xf32>
    %mul3A_1140 = arith.mulf %broadcast_in_dim3A_1126, %mul3A_1139 : vector<256x1xf32>
    %mul3A_1141 = vector.broadcast %div3A_140 : f32 to vector<256x1xf32>
    %mul3A_1142 = arith.mulf %broadcast_in_dim3A_1132, %mul3A_1141 : vector<256x1xf32>
    %div3A_1143 = arith.constant 6.300000e+01 : f32
    %div3A_1144 = vector.broadcast %div3A_1143 : f32 to vector<256x1xf32>
    %div3A_1145 = arith.divf %mul3A_1140, %div3A_1144 : vector<256x1xf32>
    %mul3A_1146 = arith.constant 2.000000e+00 : f32
    %mul3A_1147 = vector.broadcast %mul3A_1146 : f32 to vector<256x1xf32>
    %mul3A_1148 = arith.mulf %mul3A_1147, %div3A_1145 : vector<256x1xf32>
    %sub3A_1149 = arith.constant 1.000000e+00 : f32
    %sub3A_1150 = vector.broadcast %sub3A_1149 : f32 to vector<256x1xf32>
    %sub3A_1151 = arith.subf %mul3A_1148, %sub3A_1150 : vector<256x1xf32>
    %div3A_1152 = arith.constant 6.300000e+01 : f32
    %div3A_1153 = vector.broadcast %div3A_1152 : f32 to vector<256x1xf32>
    %div3A_1154 = arith.divf %mul3A_1142, %div3A_1153 : vector<256x1xf32>
    %mul3A_1155 = arith.constant 2.000000e+00 : f32
    %mul3A_1156 = vector.broadcast %mul3A_1155 : f32 to vector<256x1xf32>
    %mul3A_1157 = arith.mulf %mul3A_1156, %div3A_1154 : vector<256x1xf32>
    %sub3A_1158 = arith.constant 1.000000e+00 : f32
    %sub3A_1159 = vector.broadcast %sub3A_1158 : f32 to vector<256x1xf32>
    %sub3A_1160 = arith.subf %mul3A_1157, %sub3A_1159 : vector<256x1xf32>
    %add3A_1161 = arith.constant 1.000000e+00 : f32
    %add3A_1162 = vector.broadcast %add3A_1161 : f32 to vector<256x1xf32>
    %add3A_1163 = arith.addf %sub3A_1151, %add3A_1162 : vector<256x1xf32>
    %div3A_1164 = arith.constant 2.000000e+00 : f32
    %div3A_1165 = vector.broadcast %div3A_1164 : f32 to vector<256x1xf32>
    %div3A_1166 = arith.divf %add3A_1163, %div3A_1165 : vector<256x1xf32>
    %mul3A_1167 = arith.constant 6.300000e+01 : f32
    %mul3A_1168 = vector.broadcast %mul3A_1167 : f32 to vector<256x1xf32>
    %mul3A_1169 = arith.mulf %div3A_1166, %mul3A_1168 : vector<256x1xf32>
    %add3A_1170 = arith.constant 1.000000e+00 : f32
    %add3A_1171 = vector.broadcast %add3A_1170 : f32 to vector<256x1xf32>
    %add3A_1172 = arith.addf %sub3A_1160, %add3A_1171 : vector<256x1xf32>
    %div3A_1173 = arith.constant 2.000000e+00 : f32
    %div3A_1174 = vector.broadcast %div3A_1173 : f32 to vector<256x1xf32>
    %div3A_1175 = arith.divf %add3A_1172, %div3A_1174 : vector<256x1xf32>
    %mul3A_1176 = arith.constant 6.300000e+01 : f32
    %mul3A_1177 = vector.broadcast %mul3A_1176 : f32 to vector<256x1xf32>
    %mul3A_1178 = arith.mulf %div3A_1175, %mul3A_1177 : vector<256x1xf32>
    %floor3A_1179 = math.floor %mul3A_1169 : vector<256x1xf32>
    %add3A_1180 = arith.constant 1.000000e+00 : f32
    %add3A_1181 = vector.broadcast %add3A_1180 : f32 to vector<256x1xf32>
    %add3A_1182 = arith.addf %floor3A_1179, %add3A_1181 : vector<256x1xf32>
    %floor3A_1183 = math.floor %mul3A_1178 : vector<256x1xf32>
    %add3A_1184 = arith.constant 1.000000e+00 : f32
    %add3A_1185 = vector.broadcast %add3A_1184 : f32 to vector<256x1xf32>
    %add3A_1186 = arith.addf %floor3A_1183, %add3A_1185 : vector<256x1xf32>
    %sub3A_1187 = arith.subf %mul3A_1169, %floor3A_1179 : vector<256x1xf32>
    %sub3A_1188 = arith.constant 1.000000e+00 : f32
    %sub3A_1189 = vector.broadcast %sub3A_1188 : f32 to vector<256x1xf32>
    %sub3A_1190 = arith.subf %sub3A_1189, %sub3A_1187 : vector<256x1xf32>
    %sub3A_1191 = arith.subf %mul3A_1178, %floor3A_1183 : vector<256x1xf32>
    %sub3A_1192 = arith.constant 1.000000e+00 : f32
    %sub3A_1193 = vector.broadcast %sub3A_1192 : f32 to vector<256x1xf32>
    %sub3A_1194 = arith.subf %sub3A_1193, %sub3A_1191 : vector<256x1xf32>
    %gt3A_1195 = arith.constant 9.99999974E-5 : f32
    %gt3A_1196 = vector.broadcast %gt3A_1195 : f32 to vector<256x1xf32>
    %gt3A_1197 = arith.cmpf ogt, %broadcast_in_dim3A_1138, %gt3A_1196 : vector<256x1xf32>
    %convert_element_type3A_1198 = arith.extui %gt3A_1197 : vector<256x1xi1> to vector<256x1xi32>
    %convert_element_type3A_1199 = arith.sitofp %convert_element_type3A_1198 : vector<256x1xi32> to vector<256x1xf32>
    %mul3A_1200 = arith.constant 4096 : i32
    %mul3A_1201 = vector.broadcast %mul3A_1200 : i32 to vector<256x1xi32>
    %mul3A_1202 = arith.muli %broadcast_in_dim3A_1118, %mul3A_1201 : vector<256x1xi32>
    %mul3A_1203 = arith.mulf %sub3A_1194, %sub3A_1190 : vector<256x1xf32>
    %mul3A_1204 = arith.mulf %sub3A_1194, %sub3A_1187 : vector<256x1xf32>
    %mul3A_1205 = arith.mulf %sub3A_1191, %sub3A_1190 : vector<256x1xf32>
    %mul3A_1206 = arith.mulf %sub3A_1191, %sub3A_1187 : vector<256x1xf32>
    %ge3A_1207 = arith.constant 0.000000e+00 : f32
    %ge3A_1208 = vector.broadcast %ge3A_1207 : f32 to vector<256x1xf32>
    %ge3A_1209 = arith.cmpf oge, %floor3A_1179, %ge3A_1208 : vector<256x1xf32>
    %le3A_1210 = arith.constant 6.300000e+01 : f32
    %le3A_1211 = vector.broadcast %le3A_1210 : f32 to vector<256x1xf32>
    %le3A_1212 = arith.cmpf ole, %floor3A_1179, %le3A_1211 : vector<256x1xf32>
    %and3A_1213 = arith.andi %ge3A_1209, %le3A_1212 : vector<256x1xi1>
    %ge3A_1214 = arith.constant 0.000000e+00 : f32
    %ge3A_1215 = vector.broadcast %ge3A_1214 : f32 to vector<256x1xf32>
    %ge3A_1216 = arith.cmpf oge, %floor3A_1183, %ge3A_1215 : vector<256x1xf32>
    %and3A_1217 = arith.andi %and3A_1213, %ge3A_1216 : vector<256x1xi1>
    %le3A_1218 = arith.constant 6.300000e+01 : f32
    %le3A_1219 = vector.broadcast %le3A_1218 : f32 to vector<256x1xf32>
    %le3A_1220 = arith.cmpf ole, %floor3A_1183, %le3A_1219 : vector<256x1xf32>
    %and3A_1221 = arith.andi %and3A_1217, %le3A_1220 : vector<256x1xi1>
    %jit3A_1222 = arith.constant 0 : i32
    %jit3A_1223 = arith.constant 63 : i32
    %convert_element_type3A_1224 = arith.sitofp %jit3A_1222 : i32 to f32
    %max3A_1225 = vector.broadcast %convert_element_type3A_1224 : f32 to vector<256x1xf32>
    %max3A_1226 = arith.maximumf %max3A_1225, %floor3A_1179 : vector<256x1xf32>
    %convert_element_type3A_1227 = arith.sitofp %jit3A_1223 : i32 to f32
    %min3A_1228 = vector.broadcast %convert_element_type3A_1227 : f32 to vector<256x1xf32>
    %min3A_1229 = arith.minimumf %min3A_1228, %max3A_1226 : vector<256x1xf32>
    %convert_element_type3A_1230 = arith.fptosi %min3A_1229 : vector<256x1xf32> to vector<256x1xi32>
    %jit3A_1231 = arith.constant 0 : i32
    %jit3A_1232 = arith.constant 63 : i32
    %convert_element_type3A_1233 = arith.sitofp %jit3A_1231 : i32 to f32
    %max3A_1234 = vector.broadcast %convert_element_type3A_1233 : f32 to vector<256x1xf32>
    %max3A_1235 = arith.maximumf %max3A_1234, %floor3A_1183 : vector<256x1xf32>
    %convert_element_type3A_1236 = arith.sitofp %jit3A_1232 : i32 to f32
    %min3A_1237 = vector.broadcast %convert_element_type3A_1236 : f32 to vector<256x1xf32>
    %min3A_1238 = arith.minimumf %min3A_1237, %max3A_1235 : vector<256x1xf32>
    %convert_element_type3A_1239 = arith.fptosi %min3A_1238 : vector<256x1xf32> to vector<256x1xi32>
    %mul3A_1240 = arith.constant 64 : i32
    %mul3A_1241 = vector.broadcast %mul3A_1240 : i32 to vector<256x1xi32>
    %mul3A_1242 = arith.muli %convert_element_type3A_1239, %mul3A_1241 : vector<256x1xi32>
    %add3A_1243 = arith.addi %mul3A_1202, %mul3A_1242 : vector<256x1xi32>
    %add3A_1244 = arith.addi %add3A_1243, %convert_element_type3A_1230 : vector<256x1xi32>
    %convert_element_type3A_1245 = arith.extui %and3A_1221 : vector<256x1xi1> to vector<256x1xi32>
    %convert_element_type3A_1246 = arith.sitofp %convert_element_type3A_1245 : vector<256x1xi32> to vector<256x1xf32>
    %mul3A_1247 = arith.mulf %mul3A_1203, %convert_element_type3A_1246 : vector<256x1xf32>
    %mul3A_1248 = arith.mulf %mul3A_1247, %convert_element_type3A_1199 : vector<256x1xf32>
    %eq3A_1249 = arith.constant 12 : i32
    %eq3A_1250 = vector.broadcast %eq3A_1249 : i32 to vector<256x16xi32>
    %eq3A_1251 = arith.cmpi eq, %iota3A_131, %eq3A_1250 : vector<256x16xi32>
    %broadcast_in_dim3A_1252 = vector.shape_cast %add3A_1244 : vector<256x1xi32> to vector<256x1xi32>
    %broadcast_in_dim3A_1253 = vector.broadcast %broadcast_in_dim3A_1252 : vector<256x1xi32> to vector<256x16xi32>
    %select_n3A_1254 = arith.select %eq3A_1251, %broadcast_in_dim3A_1253, %select_n3A_1095 : vector<256x16xi1>, vector<256x16xi32>
    %eq3A_1255 = arith.constant 12 : i32
    %eq3A_1256 = vector.broadcast %eq3A_1255 : i32 to vector<256x16xi32>
    %eq3A_1257 = arith.cmpi eq, %iota3A_131, %eq3A_1256 : vector<256x16xi32>
    %broadcast_in_dim3A_1258 = vector.shape_cast %mul3A_1248 : vector<256x1xf32> to vector<256x1xf32>
    %broadcast_in_dim3A_1259 = vector.broadcast %broadcast_in_dim3A_1258 : vector<256x1xf32> to vector<256x16xf32>
    %select_n3A_1260 = arith.select %eq3A_1257, %broadcast_in_dim3A_1259, %select_n3A_1101 : vector<256x16xi1>, vector<256x16xf32>
    %ge3A_1261 = arith.constant 0.000000e+00 : f32
    %ge3A_1262 = vector.broadcast %ge3A_1261 : f32 to vector<256x1xf32>
    %ge3A_1263 = arith.cmpf oge, %add3A_1182, %ge3A_1262 : vector<256x1xf32>
    %le3A_1264 = arith.constant 6.300000e+01 : f32
    %le3A_1265 = vector.broadcast %le3A_1264 : f32 to vector<256x1xf32>
    %le3A_1266 = arith.cmpf ole, %add3A_1182, %le3A_1265 : vector<256x1xf32>
    %and3A_1267 = arith.andi %ge3A_1263, %le3A_1266 : vector<256x1xi1>
    %ge3A_1268 = arith.constant 0.000000e+00 : f32
    %ge3A_1269 = vector.broadcast %ge3A_1268 : f32 to vector<256x1xf32>
    %ge3A_1270 = arith.cmpf oge, %floor3A_1183, %ge3A_1269 : vector<256x1xf32>
    %and3A_1271 = arith.andi %and3A_1267, %ge3A_1270 : vector<256x1xi1>
    %le3A_1272 = arith.constant 6.300000e+01 : f32
    %le3A_1273 = vector.broadcast %le3A_1272 : f32 to vector<256x1xf32>
    %le3A_1274 = arith.cmpf ole, %floor3A_1183, %le3A_1273 : vector<256x1xf32>
    %and3A_1275 = arith.andi %and3A_1271, %le3A_1274 : vector<256x1xi1>
    %jit3A_1276 = arith.constant 0 : i32
    %jit3A_1277 = arith.constant 63 : i32
    %convert_element_type3A_1278 = arith.sitofp %jit3A_1276 : i32 to f32
    %max3A_1279 = vector.broadcast %convert_element_type3A_1278 : f32 to vector<256x1xf32>
    %max3A_1280 = arith.maximumf %max3A_1279, %add3A_1182 : vector<256x1xf32>
    %convert_element_type3A_1281 = arith.sitofp %jit3A_1277 : i32 to f32
    %min3A_1282 = vector.broadcast %convert_element_type3A_1281 : f32 to vector<256x1xf32>
    %min3A_1283 = arith.minimumf %min3A_1282, %max3A_1280 : vector<256x1xf32>
    %convert_element_type3A_1284 = arith.fptosi %min3A_1283 : vector<256x1xf32> to vector<256x1xi32>
    %jit3A_1285 = arith.constant 0 : i32
    %jit3A_1286 = arith.constant 63 : i32
    %convert_element_type3A_1287 = arith.sitofp %jit3A_1285 : i32 to f32
    %max3A_1288 = vector.broadcast %convert_element_type3A_1287 : f32 to vector<256x1xf32>
    %max3A_1289 = arith.maximumf %max3A_1288, %floor3A_1183 : vector<256x1xf32>
    %convert_element_type3A_1290 = arith.sitofp %jit3A_1286 : i32 to f32
    %min3A_1291 = vector.broadcast %convert_element_type3A_1290 : f32 to vector<256x1xf32>
    %min3A_1292 = arith.minimumf %min3A_1291, %max3A_1289 : vector<256x1xf32>
    %convert_element_type3A_1293 = arith.fptosi %min3A_1292 : vector<256x1xf32> to vector<256x1xi32>
    %mul3A_1294 = arith.constant 64 : i32
    %mul3A_1295 = vector.broadcast %mul3A_1294 : i32 to vector<256x1xi32>
    %mul3A_1296 = arith.muli %convert_element_type3A_1293, %mul3A_1295 : vector<256x1xi32>
    %add3A_1297 = arith.addi %mul3A_1202, %mul3A_1296 : vector<256x1xi32>
    %add3A_1298 = arith.addi %add3A_1297, %convert_element_type3A_1284 : vector<256x1xi32>
    %convert_element_type3A_1299 = arith.extui %and3A_1275 : vector<256x1xi1> to vector<256x1xi32>
    %convert_element_type3A_1300 = arith.sitofp %convert_element_type3A_1299 : vector<256x1xi32> to vector<256x1xf32>
    %mul3A_1301 = arith.mulf %mul3A_1204, %convert_element_type3A_1300 : vector<256x1xf32>
    %mul3A_1302 = arith.mulf %mul3A_1301, %convert_element_type3A_1199 : vector<256x1xf32>
    %eq3A_1303 = arith.constant 13 : i32
    %eq3A_1304 = vector.broadcast %eq3A_1303 : i32 to vector<256x16xi32>
    %eq3A_1305 = arith.cmpi eq, %iota3A_131, %eq3A_1304 : vector<256x16xi32>
    %broadcast_in_dim3A_1306 = vector.shape_cast %add3A_1298 : vector<256x1xi32> to vector<256x1xi32>
    %broadcast_in_dim3A_1307 = vector.broadcast %broadcast_in_dim3A_1306 : vector<256x1xi32> to vector<256x16xi32>
    %select_n3A_1308 = arith.select %eq3A_1305, %broadcast_in_dim3A_1307, %select_n3A_1254 : vector<256x16xi1>, vector<256x16xi32>
    %eq3A_1309 = arith.constant 13 : i32
    %eq3A_1310 = vector.broadcast %eq3A_1309 : i32 to vector<256x16xi32>
    %eq3A_1311 = arith.cmpi eq, %iota3A_131, %eq3A_1310 : vector<256x16xi32>
    %broadcast_in_dim3A_1312 = vector.shape_cast %mul3A_1302 : vector<256x1xf32> to vector<256x1xf32>
    %broadcast_in_dim3A_1313 = vector.broadcast %broadcast_in_dim3A_1312 : vector<256x1xf32> to vector<256x16xf32>
    %select_n3A_1314 = arith.select %eq3A_1311, %broadcast_in_dim3A_1313, %select_n3A_1260 : vector<256x16xi1>, vector<256x16xf32>
    %ge3A_1315 = arith.constant 0.000000e+00 : f32
    %ge3A_1316 = vector.broadcast %ge3A_1315 : f32 to vector<256x1xf32>
    %ge3A_1317 = arith.cmpf oge, %floor3A_1179, %ge3A_1316 : vector<256x1xf32>
    %le3A_1318 = arith.constant 6.300000e+01 : f32
    %le3A_1319 = vector.broadcast %le3A_1318 : f32 to vector<256x1xf32>
    %le3A_1320 = arith.cmpf ole, %floor3A_1179, %le3A_1319 : vector<256x1xf32>
    %and3A_1321 = arith.andi %ge3A_1317, %le3A_1320 : vector<256x1xi1>
    %ge3A_1322 = arith.constant 0.000000e+00 : f32
    %ge3A_1323 = vector.broadcast %ge3A_1322 : f32 to vector<256x1xf32>
    %ge3A_1324 = arith.cmpf oge, %add3A_1186, %ge3A_1323 : vector<256x1xf32>
    %and3A_1325 = arith.andi %and3A_1321, %ge3A_1324 : vector<256x1xi1>
    %le3A_1326 = arith.constant 6.300000e+01 : f32
    %le3A_1327 = vector.broadcast %le3A_1326 : f32 to vector<256x1xf32>
    %le3A_1328 = arith.cmpf ole, %add3A_1186, %le3A_1327 : vector<256x1xf32>
    %and3A_1329 = arith.andi %and3A_1325, %le3A_1328 : vector<256x1xi1>
    %jit3A_1330 = arith.constant 0 : i32
    %jit3A_1331 = arith.constant 63 : i32
    %convert_element_type3A_1332 = arith.sitofp %jit3A_1330 : i32 to f32
    %max3A_1333 = vector.broadcast %convert_element_type3A_1332 : f32 to vector<256x1xf32>
    %max3A_1334 = arith.maximumf %max3A_1333, %floor3A_1179 : vector<256x1xf32>
    %convert_element_type3A_1335 = arith.sitofp %jit3A_1331 : i32 to f32
    %min3A_1336 = vector.broadcast %convert_element_type3A_1335 : f32 to vector<256x1xf32>
    %min3A_1337 = arith.minimumf %min3A_1336, %max3A_1334 : vector<256x1xf32>
    %convert_element_type3A_1338 = arith.fptosi %min3A_1337 : vector<256x1xf32> to vector<256x1xi32>
    %jit3A_1339 = arith.constant 0 : i32
    %jit3A_1340 = arith.constant 63 : i32
    %convert_element_type3A_1341 = arith.sitofp %jit3A_1339 : i32 to f32
    %max3A_1342 = vector.broadcast %convert_element_type3A_1341 : f32 to vector<256x1xf32>
    %max3A_1343 = arith.maximumf %max3A_1342, %add3A_1186 : vector<256x1xf32>
    %convert_element_type3A_1344 = arith.sitofp %jit3A_1340 : i32 to f32
    %min3A_1345 = vector.broadcast %convert_element_type3A_1344 : f32 to vector<256x1xf32>
    %min3A_1346 = arith.minimumf %min3A_1345, %max3A_1343 : vector<256x1xf32>
    %convert_element_type3A_1347 = arith.fptosi %min3A_1346 : vector<256x1xf32> to vector<256x1xi32>
    %mul3A_1348 = arith.constant 64 : i32
    %mul3A_1349 = vector.broadcast %mul3A_1348 : i32 to vector<256x1xi32>
    %mul3A_1350 = arith.muli %convert_element_type3A_1347, %mul3A_1349 : vector<256x1xi32>
    %add3A_1351 = arith.addi %mul3A_1202, %mul3A_1350 : vector<256x1xi32>
    %add3A_1352 = arith.addi %add3A_1351, %convert_element_type3A_1338 : vector<256x1xi32>
    %convert_element_type3A_1353 = arith.extui %and3A_1329 : vector<256x1xi1> to vector<256x1xi32>
    %convert_element_type3A_1354 = arith.sitofp %convert_element_type3A_1353 : vector<256x1xi32> to vector<256x1xf32>
    %mul3A_1355 = arith.mulf %mul3A_1205, %convert_element_type3A_1354 : vector<256x1xf32>
    %mul3A_1356 = arith.mulf %mul3A_1355, %convert_element_type3A_1199 : vector<256x1xf32>
    %eq3A_1357 = arith.constant 14 : i32
    %eq3A_1358 = vector.broadcast %eq3A_1357 : i32 to vector<256x16xi32>
    %eq3A_1359 = arith.cmpi eq, %iota3A_131, %eq3A_1358 : vector<256x16xi32>
    %broadcast_in_dim3A_1360 = vector.shape_cast %add3A_1352 : vector<256x1xi32> to vector<256x1xi32>
    %broadcast_in_dim3A_1361 = vector.broadcast %broadcast_in_dim3A_1360 : vector<256x1xi32> to vector<256x16xi32>
    %select_n3A_1362 = arith.select %eq3A_1359, %broadcast_in_dim3A_1361, %select_n3A_1308 : vector<256x16xi1>, vector<256x16xi32>
    %eq3A_1363 = arith.constant 14 : i32
    %eq3A_1364 = vector.broadcast %eq3A_1363 : i32 to vector<256x16xi32>
    %eq3A_1365 = arith.cmpi eq, %iota3A_131, %eq3A_1364 : vector<256x16xi32>
    %broadcast_in_dim3A_1366 = vector.shape_cast %mul3A_1356 : vector<256x1xf32> to vector<256x1xf32>
    %broadcast_in_dim3A_1367 = vector.broadcast %broadcast_in_dim3A_1366 : vector<256x1xf32> to vector<256x16xf32>
    %select_n3A_1368 = arith.select %eq3A_1365, %broadcast_in_dim3A_1367, %select_n3A_1314 : vector<256x16xi1>, vector<256x16xf32>
    %ge3A_1369 = arith.constant 0.000000e+00 : f32
    %ge3A_1370 = vector.broadcast %ge3A_1369 : f32 to vector<256x1xf32>
    %ge3A_1371 = arith.cmpf oge, %add3A_1182, %ge3A_1370 : vector<256x1xf32>
    %le3A_1372 = arith.constant 6.300000e+01 : f32
    %le3A_1373 = vector.broadcast %le3A_1372 : f32 to vector<256x1xf32>
    %le3A_1374 = arith.cmpf ole, %add3A_1182, %le3A_1373 : vector<256x1xf32>
    %and3A_1375 = arith.andi %ge3A_1371, %le3A_1374 : vector<256x1xi1>
    %ge3A_1376 = arith.constant 0.000000e+00 : f32
    %ge3A_1377 = vector.broadcast %ge3A_1376 : f32 to vector<256x1xf32>
    %ge3A_1378 = arith.cmpf oge, %add3A_1186, %ge3A_1377 : vector<256x1xf32>
    %and3A_1379 = arith.andi %and3A_1375, %ge3A_1378 : vector<256x1xi1>
    %le3A_1380 = arith.constant 6.300000e+01 : f32
    %le3A_1381 = vector.broadcast %le3A_1380 : f32 to vector<256x1xf32>
    %le3A_1382 = arith.cmpf ole, %add3A_1186, %le3A_1381 : vector<256x1xf32>
    %and3A_1383 = arith.andi %and3A_1379, %le3A_1382 : vector<256x1xi1>
    %jit3A_1384 = arith.constant 0 : i32
    %jit3A_1385 = arith.constant 63 : i32
    %convert_element_type3A_1386 = arith.sitofp %jit3A_1384 : i32 to f32
    %max3A_1387 = vector.broadcast %convert_element_type3A_1386 : f32 to vector<256x1xf32>
    %max3A_1388 = arith.maximumf %max3A_1387, %add3A_1182 : vector<256x1xf32>
    %convert_element_type3A_1389 = arith.sitofp %jit3A_1385 : i32 to f32
    %min3A_1390 = vector.broadcast %convert_element_type3A_1389 : f32 to vector<256x1xf32>
    %min3A_1391 = arith.minimumf %min3A_1390, %max3A_1388 : vector<256x1xf32>
    %convert_element_type3A_1392 = arith.fptosi %min3A_1391 : vector<256x1xf32> to vector<256x1xi32>
    %jit3A_1393 = arith.constant 0 : i32
    %jit3A_1394 = arith.constant 63 : i32
    %convert_element_type3A_1395 = arith.sitofp %jit3A_1393 : i32 to f32
    %max3A_1396 = vector.broadcast %convert_element_type3A_1395 : f32 to vector<256x1xf32>
    %max3A_1397 = arith.maximumf %max3A_1396, %add3A_1186 : vector<256x1xf32>
    %convert_element_type3A_1398 = arith.sitofp %jit3A_1394 : i32 to f32
    %min3A_1399 = vector.broadcast %convert_element_type3A_1398 : f32 to vector<256x1xf32>
    %min3A_1400 = arith.minimumf %min3A_1399, %max3A_1397 : vector<256x1xf32>
    %convert_element_type3A_1401 = arith.fptosi %min3A_1400 : vector<256x1xf32> to vector<256x1xi32>
    %mul3A_1402 = arith.constant 64 : i32
    %mul3A_1403 = vector.broadcast %mul3A_1402 : i32 to vector<256x1xi32>
    %mul3A_1404 = arith.muli %convert_element_type3A_1401, %mul3A_1403 : vector<256x1xi32>
    %add3A_1405 = arith.addi %mul3A_1202, %mul3A_1404 : vector<256x1xi32>
    %add3A_1406 = arith.addi %add3A_1405, %convert_element_type3A_1392 : vector<256x1xi32>
    %convert_element_type3A_1407 = arith.extui %and3A_1383 : vector<256x1xi1> to vector<256x1xi32>
    %convert_element_type3A_1408 = arith.sitofp %convert_element_type3A_1407 : vector<256x1xi32> to vector<256x1xf32>
    %mul3A_1409 = arith.mulf %mul3A_1206, %convert_element_type3A_1408 : vector<256x1xf32>
    %mul3A_1410 = arith.mulf %mul3A_1409, %convert_element_type3A_1199 : vector<256x1xf32>
    %eq3A_1411 = arith.constant 15 : i32
    %eq3A_1412 = vector.broadcast %eq3A_1411 : i32 to vector<256x16xi32>
    %eq3A_1413 = arith.cmpi eq, %iota3A_131, %eq3A_1412 : vector<256x16xi32>
    %broadcast_in_dim3A_1414 = vector.shape_cast %add3A_1406 : vector<256x1xi32> to vector<256x1xi32>
    %broadcast_in_dim3A_1415 = vector.broadcast %broadcast_in_dim3A_1414 : vector<256x1xi32> to vector<256x16xi32>
    %select_n3A_1416 = arith.select %eq3A_1413, %broadcast_in_dim3A_1415, %select_n3A_1362 : vector<256x16xi1>, vector<256x16xi32>
    %eq3A_1417 = arith.constant 15 : i32
    %eq3A_1418 = vector.broadcast %eq3A_1417 : i32 to vector<256x16xi32>
    %eq3A_1419 = arith.cmpi eq, %iota3A_131, %eq3A_1418 : vector<256x16xi32>
    %broadcast_in_dim3A_1420 = vector.shape_cast %mul3A_1410 : vector<256x1xf32> to vector<256x1xf32>
    %broadcast_in_dim3A_1421 = vector.broadcast %broadcast_in_dim3A_1420 : vector<256x1xf32> to vector<256x16xf32>
    %select_n3A_1422 = arith.select %eq3A_1419, %broadcast_in_dim3A_1421, %select_n3A_1368 : vector<256x16xi1>, vector<256x16xf32>
    %eq3A_1423 = arith.constant 3 : i32
    %eq3A_1424 = vector.broadcast %eq3A_1423 : i32 to vector<256x4xi32>
    %eq3A_1425 = arith.cmpi eq, %iota3A_132, %eq3A_1424 : vector<256x4xi32>
    %broadcast_in_dim3A_1426 = vector.shape_cast %broadcast_in_dim3A_1118 : vector<256x1xi32> to vector<256x1xi32>
    %broadcast_in_dim3A_1427 = vector.broadcast %broadcast_in_dim3A_1426 : vector<256x1xi32> to vector<256x4xi32>
    %select_n3A_1428 = arith.select %eq3A_1425, %broadcast_in_dim3A_1427, %select_n3A_1107 : vector<256x4xi1>, vector<256x4xi32>
    %swap3A = arith.constant 0 : index
    %swap3A_1429 = arith.constant 0 : index
    %swap3A_1430 = vector.load %arg3[%swap3A, %swap3A_1429] : memref<256x16xi32, #tpu.memory_space<vmem>>, vector<256x16xi32>
    tpu.vector_store %arg3[%swap3A, %swap3A_1429], %select_n3A_1416 {strides = array<i32>} : memref<256x16xi32, #tpu.memory_space<vmem>>, vector<256x16xi32>,
    %swap3A_1431 = arith.constant 0 : index
    %swap3A_1432 = arith.constant 0 : index
    %swap3A_1433 = vector.load %arg4[%swap3A_1431, %swap3A_1432] : memref<256x16xf32, #tpu.memory_space<vmem>>, vector<256x16xf32>
    tpu.vector_store %arg4[%swap3A_1431, %swap3A_1432], %select_n3A_1422 {strides = array<i32>} : memref<256x16xf32, #tpu.memory_space<vmem>>, vector<256x16xf32>,
    %swap3A_1434 = arith.constant 0 : index
    %swap3A_1435 = arith.constant 0 : index
    %swap3A_1436 = vector.load %arg5[%swap3A_1434, %swap3A_1435] : memref<256x4xi32, #tpu.memory_space<vmem>>, vector<256x4xi32>
    tpu.vector_store %arg5[%swap3A_1434, %swap3A_1435], %select_n3A_1428 {strides = array<i32>} : memref<256x4xi32, #tpu.memory_space<vmem>>, vector<256x4xi32>,
    return
  }
  func.func @transform_0(%arg0: i32) -> (i32, i32) {
    %c0_i32 = arith.constant 0 : i32
    %c0_i32_0 = arith.constant 0 : i32
    return %arg0, %c0_i32 : i32, i32
  }
  func.func @transform_1(%arg0: i32) -> (i32, i32) {
    %c0_i32 = arith.constant 0 : i32
    %c0_i32_0 = arith.constant 0 : i32
    %c0_i32_1 = arith.constant 0 : i32
    return %c0_i32, %c0_i32_0 : i32, i32
  }
  func.func @transform_2(%arg0: i32) -> (i32, i32) {
    %c0_i32 = arith.constant 0 : i32
    %c0_i32_0 = arith.constant 0 : i32
    return %arg0, %c0_i32 : i32, i32
  }
  func.func @transform_3(%arg0: i32) -> (i32, i32) {
    %c0_i32 = arith.constant 0 : i32
    %c0_i32_0 = arith.constant 0 : i32
    return %arg0, %c0_i32 : i32, i32
  }
  func.func @transform_4(%arg0: i32) -> (i32, i32) {
    %c0_i32 = arith.constant 0 : i32
    %c0_i32_0 = arith.constant 0 : i32
    return %arg0, %c0_i32 : i32, i32
  }
}

module attributes {stable_mosaic.version = 14 : i64} {
  func.func @_dense_kernel(%arg0: i32, %arg1: memref<1024x128xf32, #tpu.memory_space<vmem>>, %arg2: memref<1024x128xf32, #tpu.memory_space<vmem>>, %arg3: memref<1024x128xf32, #tpu.memory_space<vmem>>, %arg4: memref<1024x128xf32, #tpu.memory_space<vmem>>, %arg5: memref<1024x1xf32, #tpu.memory_space<vmem>>, %arg6: memref<1024x1xf32, #tpu.memory_space<vmem>>, %arg7: memref<1024x1xf32, #tpu.memory_space<vmem>>, %arg8: memref<1024x1xf32, #tpu.memory_space<vmem>>, %arg9: memref<1024x1xi32, #tpu.memory_space<vmem>>, %arg10: memref<8x128xi32, #tpu.memory_space<vmem>>, %arg11: memref<8x128xf32, #tpu.memory_space<vmem>>, %arg12: memref<64x16xf32, #tpu.memory_space<vmem>>, %arg13: memref<48x32xf32, #tpu.memory_space<vmem>>, %arg14: memref<8x32xf32, #tpu.memory_space<vmem>>, %arg15: memref<128x128xf32, #tpu.memory_space<vmem>>, %arg16: memref<32x128xf32, #tpu.memory_space<vmem>>, %arg17: memref<8x128xf32, #tpu.memory_space<vmem>>, %arg18: memref<2x128x384xf32, #tpu.memory_space<vmem>>, %arg19: memref<8x384xf32, #tpu.memory_space<vmem>>, %arg20: memref<2x128x128xf32, #tpu.memory_space<vmem>>, %arg21: memref<8x128xf32, #tpu.memory_space<vmem>>, %arg22: memref<8x128xf32, #tpu.memory_space<vmem>>, %arg23: memref<8x128xf32, #tpu.memory_space<vmem>>, %arg24: memref<2x128x256xf32, #tpu.memory_space<vmem>>, %arg25: memref<8x256xf32, #tpu.memory_space<vmem>>, %arg26: memref<2x256x128xf32, #tpu.memory_space<vmem>>, %arg27: memref<8x128xf32, #tpu.memory_space<vmem>>, %arg28: memref<8x128xf32, #tpu.memory_space<vmem>>, %arg29: memref<8x128xf32, #tpu.memory_space<vmem>>, %arg30: memref<128x128xf32, #tpu.memory_space<vmem>>, %arg31: memref<8x128xf32, #tpu.memory_space<vmem>>, %arg32: memref<256x128xf32, #tpu.memory_space<vmem>>) attributes {dimension_semantics = [#tpu.dimension_semantics<arbitrary>], iteration_bounds = array<i64: 157>, scalar_prefetch = 0 : i64, scratch_operands = 0 : i64, tpu.core_type = #tpu.core_type<tc>, window_params = [{transform_indices = @transform_0, window_bounds = array<i64: 1024, 128>}, {transform_indices = @transform_1, window_bounds = array<i64: 1024, 128>}, {transform_indices = @transform_2, window_bounds = array<i64: 1024, 128>}, {transform_indices = @transform_3, window_bounds = array<i64: 1024, 128>}, {transform_indices = @transform_4, window_bounds = array<i64: 1024, 1>}, {transform_indices = @transform_5, window_bounds = array<i64: 1024, 1>}, {transform_indices = @transform_6, window_bounds = array<i64: 1024, 1>}, {transform_indices = @transform_7, window_bounds = array<i64: 1024, 1>}, {transform_indices = @transform_8, window_bounds = array<i64: 1024, 1>}, {pipeline_mode = #tpu.pipeline_mode<synchronous>, transform_indices = @transform_9, window_bounds = array<i64: 8, 128>}, {pipeline_mode = #tpu.pipeline_mode<synchronous>, transform_indices = @transform_10, window_bounds = array<i64: 8, 128>}, {pipeline_mode = #tpu.pipeline_mode<synchronous>, transform_indices = @transform_11, window_bounds = array<i64: 64, 16>}, {pipeline_mode = #tpu.pipeline_mode<synchronous>, transform_indices = @transform_12, window_bounds = array<i64: 48, 32>}, {pipeline_mode = #tpu.pipeline_mode<synchronous>, transform_indices = @transform_13, window_bounds = array<i64: 8, 32>}, {pipeline_mode = #tpu.pipeline_mode<synchronous>, transform_indices = @transform_14, window_bounds = array<i64: 128, 128>}, {pipeline_mode = #tpu.pipeline_mode<synchronous>, transform_indices = @transform_15, window_bounds = array<i64: 32, 128>}, {pipeline_mode = #tpu.pipeline_mode<synchronous>, transform_indices = @transform_16, window_bounds = array<i64: 8, 128>}, {pipeline_mode = #tpu.pipeline_mode<synchronous>, transform_indices = @transform_17, window_bounds = array<i64: 2, 128, 384>}, {pipeline_mode = #tpu.pipeline_mode<synchronous>, transform_indices = @transform_18, window_bounds = array<i64: 8, 384>}, {pipeline_mode = #tpu.pipeline_mode<synchronous>, transform_indices = @transform_19, window_bounds = array<i64: 2, 128, 128>}, {pipeline_mode = #tpu.pipeline_mode<synchronous>, transform_indices = @transform_20, window_bounds = array<i64: 8, 128>}, {pipeline_mode = #tpu.pipeline_mode<synchronous>, transform_indices = @transform_21, window_bounds = array<i64: 8, 128>}, {pipeline_mode = #tpu.pipeline_mode<synchronous>, transform_indices = @transform_22, window_bounds = array<i64: 8, 128>}, {pipeline_mode = #tpu.pipeline_mode<synchronous>, transform_indices = @transform_23, window_bounds = array<i64: 2, 128, 256>}, {pipeline_mode = #tpu.pipeline_mode<synchronous>, transform_indices = @transform_24, window_bounds = array<i64: 8, 256>}, {pipeline_mode = #tpu.pipeline_mode<synchronous>, transform_indices = @transform_25, window_bounds = array<i64: 2, 256, 128>}, {pipeline_mode = #tpu.pipeline_mode<synchronous>, transform_indices = @transform_26, window_bounds = array<i64: 8, 128>}, {pipeline_mode = #tpu.pipeline_mode<synchronous>, transform_indices = @transform_27, window_bounds = array<i64: 8, 128>}, {pipeline_mode = #tpu.pipeline_mode<synchronous>, transform_indices = @transform_28, window_bounds = array<i64: 8, 128>}, {pipeline_mode = #tpu.pipeline_mode<synchronous>, transform_indices = @transform_29, window_bounds = array<i64: 128, 128>}, {pipeline_mode = #tpu.pipeline_mode<synchronous>, transform_indices = @transform_30, window_bounds = array<i64: 8, 128>}, {transform_indices = @transform_31, window_bounds = array<i64: 256, 128>}]} {
    %get3A = arith.constant 0 : index
    %get3A_0 = arith.constant 0 : index
    %get3A_1 = vector.load %arg1[%get3A, %get3A_0] : memref<1024x128xf32, #tpu.memory_space<vmem>>, vector<1024x128xf32>
    %get3A_2 = arith.constant 0 : index
    %get3A_3 = arith.constant 0 : index
    %get3A_4 = vector.load %arg5[%get3A_2, %get3A_3] : memref<1024x1xf32, #tpu.memory_space<vmem>>, vector<1024x1xf32>
    %mul3A = vector.broadcast %get3A_4 : vector<1024x1xf32> to vector<1024x128xf32>
    %mul3A_5 = arith.mulf %get3A_1, %mul3A : vector<1024x128xf32>
    %get3A_6 = arith.constant 0 : index
    %get3A_7 = arith.constant 0 : index
    %get3A_8 = vector.load %arg2[%get3A_6, %get3A_7] : memref<1024x128xf32, #tpu.memory_space<vmem>>, vector<1024x128xf32>
    %get3A_9 = arith.constant 0 : index
    %get3A_10 = arith.constant 0 : index
    %get3A_11 = vector.load %arg6[%get3A_9, %get3A_10] : memref<1024x1xf32, #tpu.memory_space<vmem>>, vector<1024x1xf32>
    %mul3A_12 = vector.broadcast %get3A_11 : vector<1024x1xf32> to vector<1024x128xf32>
    %mul3A_13 = arith.mulf %get3A_8, %mul3A_12 : vector<1024x128xf32>
    %add3A = arith.addf %mul3A_5, %mul3A_13 : vector<1024x128xf32>
    %get3A_14 = arith.constant 0 : index
    %get3A_15 = arith.constant 0 : index
    %get3A_16 = vector.load %arg3[%get3A_14, %get3A_15] : memref<1024x128xf32, #tpu.memory_space<vmem>>, vector<1024x128xf32>
    %get3A_17 = arith.constant 0 : index
    %get3A_18 = arith.constant 0 : index
    %get3A_19 = vector.load %arg7[%get3A_17, %get3A_18] : memref<1024x1xf32, #tpu.memory_space<vmem>>, vector<1024x1xf32>
    %mul3A_20 = vector.broadcast %get3A_19 : vector<1024x1xf32> to vector<1024x128xf32>
    %mul3A_21 = arith.mulf %get3A_16, %mul3A_20 : vector<1024x128xf32>
    %add3A_22 = arith.addf %add3A, %mul3A_21 : vector<1024x128xf32>
    %get3A_23 = arith.constant 0 : index
    %get3A_24 = arith.constant 0 : index
    %get3A_25 = vector.load %arg4[%get3A_23, %get3A_24] : memref<1024x128xf32, #tpu.memory_space<vmem>>, vector<1024x128xf32>
    %get3A_26 = arith.constant 0 : index
    %get3A_27 = arith.constant 0 : index
    %get3A_28 = vector.load %arg8[%get3A_26, %get3A_27] : memref<1024x1xf32, #tpu.memory_space<vmem>>, vector<1024x1xf32>
    %mul3A_29 = vector.broadcast %get3A_28 : vector<1024x1xf32> to vector<1024x128xf32>
    %mul3A_30 = arith.mulf %get3A_25, %mul3A_29 : vector<1024x128xf32>
    %add3A_31 = arith.addf %add3A_22, %mul3A_30 : vector<1024x128xf32>
    %get3A_32 = arith.constant 0 : index
    %get3A_33 = arith.constant 0 : index
    %get3A_34 = vector.load %arg10[%get3A_32, %get3A_33] : memref<8x128xi32, #tpu.memory_space<vmem>>, vector<1x128xi32>
    %iota3A = tpu.iota {dimensions = array<i32: 1>} : vector<1x128xi32>
    %lt3A = arith.constant 4 : i32
    %lt3A_35 = vector.broadcast %lt3A : i32 to vector<1x128xi32>
    %lt3A_36 = arith.cmpi slt, %iota3A, %lt3A_35 : vector<1x128xi32>
    %jit3A = arith.constant 1073741824 : i32
    %broadcast_in_dim3A = vector.broadcast %jit3A : i32 to vector<1x128xi32>
    %select_n3A = arith.select %lt3A_36, %get3A_34, %broadcast_in_dim3A : vector<1x128xi1>, vector<1x128xi32>
    %reduce_min3A = vector.shape_cast %select_n3A : vector<1x128xi32> to vector<1x1x128xi32>
    %reduce_min3A_37 = arith.constant dense<2147483647> : vector<1xi32>
    %reduce_min3A_38 = vector.multi_reduction <minsi>, %reduce_min3A, %reduce_min3A_37 [1, 2] : vector<1x1x128xi32> to vector<1xi32>
    %reduce_min3A_39 = vector.shape_cast %reduce_min3A_38 : vector<1xi32> to vector<1x1x1xi32>
    %reduce_min3A_40 = vector.extract %reduce_min3A_39[0, 0, 0] : i32 from vector<1x1x1xi32>
    %lt3A_41 = arith.constant 4 : i32
    %lt3A_42 = vector.broadcast %lt3A_41 : i32 to vector<1x128xi32>
    %lt3A_43 = arith.cmpi slt, %iota3A, %lt3A_42 : vector<1x128xi32>
    %neg3A = arith.constant 0 : i32
    %neg3A_44 = arith.constant 1073741824 : i32
    %neg3A_45 = arith.subi %neg3A, %neg3A_44 : i32
    %broadcast_in_dim3A_46 = vector.broadcast %neg3A_45 : i32 to vector<1x128xi32>
    %select_n3A_47 = arith.select %lt3A_43, %get3A_34, %broadcast_in_dim3A_46 : vector<1x128xi1>, vector<1x128xi32>
    %reduce_max3A = vector.shape_cast %select_n3A_47 : vector<1x128xi32> to vector<1x1x128xi32>
    %reduce_max3A_48 = arith.constant dense<-2147483648> : vector<1xi32>
    %reduce_max3A_49 = vector.multi_reduction <maxsi>, %reduce_max3A, %reduce_max3A_48 [1, 2] : vector<1x1x128xi32> to vector<1xi32>
    %reduce_max3A_50 = vector.shape_cast %reduce_max3A_49 : vector<1xi32> to vector<1x1x1xi32>
    %reduce_max3A_51 = vector.extract %reduce_max3A_50[0, 0, 0] : i32 from vector<1x1x1xi32>
    %add3A_52 = arith.constant 1 : i32
    %add3A_53 = arith.addi %reduce_min3A_40, %add3A_52 : i32
    %max3A = arith.maxsi %reduce_max3A_51, %add3A_53 : i32
    %convert_element_type3A = arith.sitofp %get3A_34 : vector<1x128xi32> to vector<1x128xf32>
    %iota3A_54 = tpu.iota {dimensions = array<i32: 1>} : vector<4x128xi32>
    %iota3A_55 = tpu.iota {dimensions = array<i32: 0>} : vector<4x128xi32>
    %eq3A = arith.cmpi eq, %iota3A_54, %iota3A_55 : vector<4x128xi32>
    %convert_element_type3A_56 = arith.extui %eq3A : vector<4x128xi1> to vector<4x128xi32>
    %convert_element_type3A_57 = arith.sitofp %convert_element_type3A_56 : vector<4x128xi32> to vector<4x128xf32>
    %dot_general3A = arith.constant dense<0.000000e+00> : vector<4x1xf32>
    %dot_general3A_58 = tpu.matmul %convert_element_type3A_57, %convert_element_type3A, %dot_general3A {dimension_numbers = #tpu.dot_dimension_numbers<[1], [1], [0], [0], [0, 0, 1, 0], [], []>, precision = #tpu.contract_precision<fp32>, transpose_lhs_hint = false} : vector<4x128xf32>, vector<1x128xf32>, vector<4x1xf32> -> vector<4x1xf32>
    %convert_element_type3A_59 = arith.sitofp %reduce_min3A_40 : i32 to f32
    %sub3A = vector.broadcast %convert_element_type3A_59 : f32 to vector<4x1xf32>
    %sub3A_60 = arith.subf %dot_general3A_58, %sub3A : vector<4x1xf32>
    %convert_element_type3A_61 = arith.sitofp %max3A : i32 to f32
    %convert_element_type3A_62 = arith.sitofp %reduce_min3A_40 : i32 to f32
    %sub3A_63 = arith.subf %convert_element_type3A_61, %convert_element_type3A_62 : f32
    %div3A = vector.broadcast %sub3A_63 : f32 to vector<4x1xf32>
    %div3A_64 = arith.divf %sub3A_60, %div3A : vector<4x1xf32>
    %get3A_65 = arith.constant 0 : index
    %get3A_66 = arith.constant 0 : index
    %get3A_67 = vector.load %arg11[%get3A_65, %get3A_66] : memref<8x128xf32, #tpu.memory_space<vmem>>, vector<1x16xf32>
    %mul3A_68 = vector.broadcast %div3A_64 : vector<4x1xf32> to vector<4x16xf32>
    %mul3A_69 = vector.broadcast %get3A_67 : vector<1x16xf32> to vector<4x16xf32>
    %mul3A_70 = arith.mulf %mul3A_68, %mul3A_69 : vector<4x16xf32>
    %sin3A = math.sin %mul3A_70 : vector<4x16xf32>
    %cos3A = math.cos %mul3A_70 : vector<4x16xf32>
    %iota3A_71 = tpu.iota {dimensions = array<i32: 0>} : vector<32x4xi32>
    %jit3A_72 = arith.constant 8 : i32
    %div3A_73 = vector.broadcast %jit3A_72 : i32 to vector<32x4xi32>
    %div3A_74 = arith.divsi %iota3A_71, %div3A_73 : vector<32x4xi32>
    %sign3A = arith.constant 0 : i32
    %sign3A_75 = vector.broadcast %sign3A : i32 to vector<32x4xi32>
    %sign3A_76 = arith.cmpi sgt, %iota3A_71, %sign3A_75 : vector<32x4xi32>
    %sign3A_77 = arith.extui %sign3A_76 : vector<32x4xi1> to vector<32x4xi32>
    %sign3A_78 = arith.constant 0 : i32
    %sign3A_79 = vector.broadcast %sign3A_78 : i32 to vector<32x4xi32>
    %sign3A_80 = arith.cmpi slt, %iota3A_71, %sign3A_79 : vector<32x4xi32>
    %sign3A_81 = arith.extui %sign3A_80 : vector<32x4xi1> to vector<32x4xi32>
    %sign3A_82 = arith.subi %sign3A_77, %sign3A_81 : vector<32x4xi32>
    %sign3A_83 = arith.constant 0 : i32
    %sign3A_84 = arith.cmpi sgt, %jit3A_72, %sign3A_83 : i32
    %sign3A_85 = arith.extui %sign3A_84 : i1 to i32
    %sign3A_86 = arith.constant 0 : i32
    %sign3A_87 = arith.cmpi slt, %jit3A_72, %sign3A_86 : i32
    %sign3A_88 = arith.extui %sign3A_87 : i1 to i32
    %sign3A_89 = arith.subi %sign3A_85, %sign3A_88 : i32
    %ne3A = vector.broadcast %sign3A_89 : i32 to vector<32x4xi32>
    %ne3A_90 = arith.cmpi ne, %sign3A_82, %ne3A : vector<32x4xi32>
    %rem3A = vector.broadcast %jit3A_72 : i32 to vector<32x4xi32>
    %rem3A_91 = arith.remsi %iota3A_71, %rem3A : vector<32x4xi32>
    %ne3A_92 = arith.constant 0 : i32
    %ne3A_93 = vector.broadcast %ne3A_92 : i32 to vector<32x4xi32>
    %ne3A_94 = arith.cmpi ne, %rem3A_91, %ne3A_93 : vector<32x4xi32>
    %and3A = arith.andi %ne3A_90, %ne3A_94 : vector<32x4xi1>
    %sub3A_95 = arith.constant 1 : i32
    %sub3A_96 = vector.broadcast %sub3A_95 : i32 to vector<32x4xi32>
    %sub3A_97 = arith.subi %div3A_74, %sub3A_96 : vector<32x4xi32>
    %select_n3A_98 = arith.select %and3A, %sub3A_97, %div3A_74 : vector<32x4xi1>, vector<32x4xi32>
    %iota3A_99 = tpu.iota {dimensions = array<i32: 1>} : vector<32x4xi32>
    %eq3A_100 = arith.cmpi eq, %select_n3A_98, %iota3A_99 : vector<32x4xi32>
    %convert_element_type3A_101 = arith.extui %eq3A_100 : vector<32x4xi1> to vector<32x4xi32>
    %convert_element_type3A_102 = arith.sitofp %convert_element_type3A_101 : vector<32x4xi32> to vector<32x4xf32>
    %iota3A_103 = tpu.iota {dimensions = array<i32: 0>} : vector<32x8xi32>
    %jit3A_104 = arith.constant 8 : i32
    %eq3A_105 = arith.constant 0 : i32
    %eq3A_106 = arith.cmpi eq, %jit3A_104, %eq3A_105 : i32
    %jit3A_107 = arith.constant 1 : i32
    %select_n3A_108 = arith.select %eq3A_106, %jit3A_107, %jit3A_104 : i32
    %rem3A_109 = vector.broadcast %select_n3A_108 : i32 to vector<32x8xi32>
    %rem3A_110 = arith.remsi %iota3A_103, %rem3A_109 : vector<32x8xi32>
    %ne3A_111 = arith.constant 0 : i32
    %ne3A_112 = vector.broadcast %ne3A_111 : i32 to vector<32x8xi32>
    %ne3A_113 = arith.cmpi ne, %rem3A_110, %ne3A_112 : vector<32x8xi32>
    %lt3A_114 = arith.constant 0 : i32
    %lt3A_115 = vector.broadcast %lt3A_114 : i32 to vector<32x8xi32>
    %lt3A_116 = arith.cmpi slt, %rem3A_110, %lt3A_115 : vector<32x8xi32>
    %lt3A_117 = arith.constant 0 : i32
    %lt3A_118 = arith.cmpi slt, %select_n3A_108, %lt3A_117 : i32
    %ne3A_119 = vector.broadcast %lt3A_118 : i1 to vector<32x8xi1>
    %ne3A_120 = vector.broadcast %ne3A_119 : vector<32x8xi1> to vector<32x8xi1>
    %ne3A_121 = arith.xori %lt3A_116, %ne3A_120 : vector<32x8xi1>
    %and3A_122 = arith.andi %ne3A_121, %ne3A_113 : vector<32x8xi1>
    %add3A_123 = vector.broadcast %select_n3A_108 : i32 to vector<32x8xi32>
    %add3A_124 = arith.addi %rem3A_110, %add3A_123 : vector<32x8xi32>
    %select_n3A_125 = arith.select %and3A_122, %add3A_124, %rem3A_110 : vector<32x8xi1>, vector<32x8xi32>
    %iota3A_126 = tpu.iota {dimensions = array<i32: 1>} : vector<32x8xi32>
    %eq3A_127 = arith.cmpi eq, %select_n3A_125, %iota3A_126 : vector<32x8xi32>
    %convert_element_type3A_128 = arith.extui %eq3A_127 : vector<32x8xi1> to vector<32x8xi32>
    %convert_element_type3A_129 = arith.sitofp %convert_element_type3A_128 : vector<32x8xi32> to vector<32x8xf32>
    %get3A_130 = arith.constant 0 : index
    %get3A_131 = arith.constant 0 : index
    %get3A_132 = vector.load %arg12[%get3A_130, %get3A_131] : memref<64x16xf32, #tpu.memory_space<vmem>>, vector<8x16xf32>
    %convert_element_type3A_133 = arith.truncf %convert_element_type3A_129 : vector<32x8xf32> to vector<32x8xbf16>
    %convert_element_type3A_134 = arith.truncf %get3A_132 : vector<8x16xf32> to vector<8x16xbf16>
    %dot_general3A_135 = arith.constant dense<0.000000e+00> : vector<32x16xf32>
    %dot_general3A_136 = tpu.matmul %convert_element_type3A_133, %convert_element_type3A_134, %dot_general3A_135 {dimension_numbers = #tpu.dot_dimension_numbers<[1], [0], [0], [1], [0, 0, 1, 1], [], []>, transpose_lhs_hint = false} : vector<32x8xbf16>, vector<8x16xbf16>, vector<32x16xf32> -> vector<32x16xf32>
    %get3A_137 = arith.constant 0 : index
    %get3A_138 = arith.constant 0 : index
    %get3A_139 = vector.load %arg13[%get3A_137, %get3A_138] : memref<48x32xf32, #tpu.memory_space<vmem>>, vector<48x32xf32>
    %convert_element_type3A_140 = arith.truncf %convert_element_type3A_102 : vector<32x4xf32> to vector<32x4xbf16>
    %convert_element_type3A_141 = arith.truncf %sin3A : vector<4x16xf32> to vector<4x16xbf16>
    %dot_general3A_142 = arith.constant dense<0.000000e+00> : vector<32x16xf32>
    %dot_general3A_143 = tpu.matmul %convert_element_type3A_140, %convert_element_type3A_141, %dot_general3A_142 {dimension_numbers = #tpu.dot_dimension_numbers<[1], [0], [0], [1], [0, 0, 1, 1], [], []>, transpose_lhs_hint = false} : vector<32x4xbf16>, vector<4x16xbf16>, vector<32x16xf32> -> vector<32x16xf32>
    %slice3A = vector.extract_strided_slice %get3A_139 {offsets = [0, 0], sizes = [16, 32], strides = [1, 1]} : vector<48x32xf32> to vector<16x32xf32>
    %convert_element_type3A_144 = arith.truncf %dot_general3A_143 : vector<32x16xf32> to vector<32x16xbf16>
    %convert_element_type3A_145 = arith.truncf %slice3A : vector<16x32xf32> to vector<16x32xbf16>
    %dot_general3A_146 = arith.constant dense<0.000000e+00> : vector<32x32xf32>
    %dot_general3A_147 = tpu.matmul %convert_element_type3A_144, %convert_element_type3A_145, %dot_general3A_146 {dimension_numbers = #tpu.dot_dimension_numbers<[1], [0], [0], [1], [0, 0, 1, 1], [], []>, transpose_lhs_hint = false} : vector<32x16xbf16>, vector<16x32xbf16>, vector<32x32xf32> -> vector<32x32xf32>
    %convert_element_type3A_148 = arith.truncf %convert_element_type3A_102 : vector<32x4xf32> to vector<32x4xbf16>
    %convert_element_type3A_149 = arith.truncf %cos3A : vector<4x16xf32> to vector<4x16xbf16>
    %dot_general3A_150 = arith.constant dense<0.000000e+00> : vector<32x16xf32>
    %dot_general3A_151 = tpu.matmul %convert_element_type3A_148, %convert_element_type3A_149, %dot_general3A_150 {dimension_numbers = #tpu.dot_dimension_numbers<[1], [0], [0], [1], [0, 0, 1, 1], [], []>, transpose_lhs_hint = false} : vector<32x4xbf16>, vector<4x16xbf16>, vector<32x16xf32> -> vector<32x16xf32>
    %slice3A_152 = vector.extract_strided_slice %get3A_139 {offsets = [16, 0], sizes = [16, 32], strides = [1, 1]} : vector<48x32xf32> to vector<16x32xf32>
    %convert_element_type3A_153 = arith.truncf %dot_general3A_151 : vector<32x16xf32> to vector<32x16xbf16>
    %convert_element_type3A_154 = arith.truncf %slice3A_152 : vector<16x32xf32> to vector<16x32xbf16>
    %dot_general3A_155 = arith.constant dense<0.000000e+00> : vector<32x32xf32>
    %dot_general3A_156 = tpu.matmul %convert_element_type3A_153, %convert_element_type3A_154, %dot_general3A_155 {dimension_numbers = #tpu.dot_dimension_numbers<[1], [0], [0], [1], [0, 0, 1, 1], [], []>, transpose_lhs_hint = false} : vector<32x16xbf16>, vector<16x32xbf16>, vector<32x32xf32> -> vector<32x32xf32>
    %add3A_157 = arith.addf %dot_general3A_147, %dot_general3A_156 : vector<32x32xf32>
    %slice3A_158 = vector.extract_strided_slice %get3A_139 {offsets = [32, 0], sizes = [16, 32], strides = [1, 1]} : vector<48x32xf32> to vector<16x32xf32>
    %convert_element_type3A_159 = arith.truncf %dot_general3A_136 : vector<32x16xf32> to vector<32x16xbf16>
    %convert_element_type3A_160 = arith.truncf %slice3A_158 : vector<16x32xf32> to vector<16x32xbf16>
    %dot_general3A_161 = arith.constant dense<0.000000e+00> : vector<32x32xf32>
    %dot_general3A_162 = tpu.matmul %convert_element_type3A_159, %convert_element_type3A_160, %dot_general3A_161 {dimension_numbers = #tpu.dot_dimension_numbers<[1], [0], [0], [1], [0, 0, 1, 1], [], []>, transpose_lhs_hint = false} : vector<32x16xbf16>, vector<16x32xbf16>, vector<32x32xf32> -> vector<32x32xf32>
    %add3A_163 = arith.addf %add3A_157, %dot_general3A_162 : vector<32x32xf32>
    %get3A_164 = arith.constant 0 : index
    %get3A_165 = arith.constant 0 : index
    %get3A_166 = vector.load %arg14[%get3A_164, %get3A_165] : memref<8x32xf32, #tpu.memory_space<vmem>>, vector<1x32xf32>
    %add3A_167 = vector.broadcast %get3A_166 : vector<1x32xf32> to vector<32x32xf32>
    %add3A_168 = arith.addf %add3A_163, %add3A_167 : vector<32x32xf32>
    %get3A_169 = arith.constant 0 : index
    %get3A_170 = arith.constant 0 : index
    %get3A_171 = vector.load %arg16[%get3A_169, %get3A_170] : memref<32x128xf32, #tpu.memory_space<vmem>>, vector<32x128xf32>
    %convert_element_type3A_172 = arith.truncf %add3A_168 : vector<32x32xf32> to vector<32x32xbf16>
    %convert_element_type3A_173 = arith.truncf %get3A_171 : vector<32x128xf32> to vector<32x128xbf16>
    %dot_general3A_174 = arith.constant dense<0.000000e+00> : vector<32x128xf32>
    %dot_general3A_175 = tpu.matmul %convert_element_type3A_172, %convert_element_type3A_173, %dot_general3A_174 {dimension_numbers = #tpu.dot_dimension_numbers<[1], [0], [0], [1], [0, 0, 1, 1], [], []>, transpose_lhs_hint = false} : vector<32x32xbf16>, vector<32x128xbf16>, vector<32x128xf32> -> vector<32x128xf32>
    %get3A_176 = arith.constant 0 : index
    %get3A_177 = arith.constant 0 : index
    %get3A_178 = vector.load %arg9[%get3A_176, %get3A_177] : memref<1024x1xi32, #tpu.memory_space<vmem>>, vector<1024x1xi32>
    %iota3A_179 = tpu.iota {dimensions = array<i32: 1>} : vector<1024x32xi32>
    %eq3A_180 = vector.broadcast %get3A_178 : vector<1024x1xi32> to vector<1024x32xi32>
    %eq3A_181 = arith.cmpi eq, %iota3A_179, %eq3A_180 : vector<1024x32xi32>
    %convert_element_type3A_182 = arith.extui %eq3A_181 : vector<1024x32xi1> to vector<1024x32xi32>
    %convert_element_type3A_183 = arith.sitofp %convert_element_type3A_182 : vector<1024x32xi32> to vector<1024x32xf32>
    %get3A_184 = arith.constant 0 : index
    %get3A_185 = arith.constant 0 : index
    %get3A_186 = vector.load %arg15[%get3A_184, %get3A_185] : memref<128x128xf32, #tpu.memory_space<vmem>>, vector<128x128xf32>
    %convert_element_type3A_187 = arith.truncf %add3A_31 : vector<1024x128xf32> to vector<1024x128xbf16>
    %convert_element_type3A_188 = arith.truncf %get3A_186 : vector<128x128xf32> to vector<128x128xbf16>
    %dot_general3A_189 = arith.constant dense<0.000000e+00> : vector<1024x128xf32>
    %dot_general3A_190 = tpu.matmul %convert_element_type3A_187, %convert_element_type3A_188, %dot_general3A_189 {dimension_numbers = #tpu.dot_dimension_numbers<[1], [0], [0], [1], [0, 0, 1, 1], [], []>, transpose_lhs_hint = false} : vector<1024x128xbf16>, vector<128x128xbf16>, vector<1024x128xf32> -> vector<1024x128xf32>
    %dot_general3A_191 = arith.constant dense<0.000000e+00> : vector<1024x128xf32>
    %dot_general3A_192 = tpu.matmul %convert_element_type3A_183, %dot_general3A_175, %dot_general3A_191 {dimension_numbers = #tpu.dot_dimension_numbers<[1], [0], [0], [1], [0, 0, 1, 1], [], []>, precision = #tpu.contract_precision<fp32>, transpose_lhs_hint = false} : vector<1024x32xf32>, vector<32x128xf32>, vector<1024x128xf32> -> vector<1024x128xf32>
    %add3A_193 = arith.addf %dot_general3A_190, %dot_general3A_192 : vector<1024x128xf32>
    %get3A_194 = arith.constant 0 : index
    %get3A_195 = arith.constant 0 : index
    %get3A_196 = vector.load %arg17[%get3A_194, %get3A_195] : memref<8x128xf32, #tpu.memory_space<vmem>>, vector<1x128xf32>
    %add3A_197 = vector.broadcast %get3A_196 : vector<1x128xf32> to vector<1024x128xf32>
    %add3A_198 = arith.addf %add3A_193, %add3A_197 : vector<1024x128xf32>
    %iota3A_199 = tpu.iota {dimensions = array<i32: 0>} : vector<1024x1024xi32>
    %iota3A_200 = tpu.iota {dimensions = array<i32: 1>} : vector<1024x1024xi32>
    %jit3A_201 = arith.constant 4 : i32
    %div3A_202 = vector.broadcast %jit3A_201 : i32 to vector<1024x1024xi32>
    %div3A_203 = arith.divsi %iota3A_199, %div3A_202 : vector<1024x1024xi32>
    %sign3A_204 = arith.constant 0 : i32
    %sign3A_205 = vector.broadcast %sign3A_204 : i32 to vector<1024x1024xi32>
    %sign3A_206 = arith.cmpi sgt, %iota3A_199, %sign3A_205 : vector<1024x1024xi32>
    %sign3A_207 = arith.extui %sign3A_206 : vector<1024x1024xi1> to vector<1024x1024xi32>
    %sign3A_208 = arith.constant 0 : i32
    %sign3A_209 = vector.broadcast %sign3A_208 : i32 to vector<1024x1024xi32>
    %sign3A_210 = arith.cmpi slt, %iota3A_199, %sign3A_209 : vector<1024x1024xi32>
    %sign3A_211 = arith.extui %sign3A_210 : vector<1024x1024xi1> to vector<1024x1024xi32>
    %sign3A_212 = arith.subi %sign3A_207, %sign3A_211 : vector<1024x1024xi32>
    %sign3A_213 = arith.constant 0 : i32
    %sign3A_214 = arith.cmpi sgt, %jit3A_201, %sign3A_213 : i32
    %sign3A_215 = arith.extui %sign3A_214 : i1 to i32
    %sign3A_216 = arith.constant 0 : i32
    %sign3A_217 = arith.cmpi slt, %jit3A_201, %sign3A_216 : i32
    %sign3A_218 = arith.extui %sign3A_217 : i1 to i32
    %sign3A_219 = arith.subi %sign3A_215, %sign3A_218 : i32
    %ne3A_220 = vector.broadcast %sign3A_219 : i32 to vector<1024x1024xi32>
    %ne3A_221 = arith.cmpi ne, %sign3A_212, %ne3A_220 : vector<1024x1024xi32>
    %rem3A_222 = vector.broadcast %jit3A_201 : i32 to vector<1024x1024xi32>
    %rem3A_223 = arith.remsi %iota3A_199, %rem3A_222 : vector<1024x1024xi32>
    %ne3A_224 = arith.constant 0 : i32
    %ne3A_225 = vector.broadcast %ne3A_224 : i32 to vector<1024x1024xi32>
    %ne3A_226 = arith.cmpi ne, %rem3A_223, %ne3A_225 : vector<1024x1024xi32>
    %and3A_227 = arith.andi %ne3A_221, %ne3A_226 : vector<1024x1024xi1>
    %sub3A_228 = arith.constant 1 : i32
    %sub3A_229 = vector.broadcast %sub3A_228 : i32 to vector<1024x1024xi32>
    %sub3A_230 = arith.subi %div3A_203, %sub3A_229 : vector<1024x1024xi32>
    %select_n3A_231 = arith.select %and3A_227, %sub3A_230, %div3A_203 : vector<1024x1024xi1>, vector<1024x1024xi32>
    %jit3A_232 = arith.constant 4 : i32
    %div3A_233 = vector.broadcast %jit3A_232 : i32 to vector<1024x1024xi32>
    %div3A_234 = arith.divsi %iota3A_200, %div3A_233 : vector<1024x1024xi32>
    %sign3A_235 = arith.constant 0 : i32
    %sign3A_236 = vector.broadcast %sign3A_235 : i32 to vector<1024x1024xi32>
    %sign3A_237 = arith.cmpi sgt, %iota3A_200, %sign3A_236 : vector<1024x1024xi32>
    %sign3A_238 = arith.extui %sign3A_237 : vector<1024x1024xi1> to vector<1024x1024xi32>
    %sign3A_239 = arith.constant 0 : i32
    %sign3A_240 = vector.broadcast %sign3A_239 : i32 to vector<1024x1024xi32>
    %sign3A_241 = arith.cmpi slt, %iota3A_200, %sign3A_240 : vector<1024x1024xi32>
    %sign3A_242 = arith.extui %sign3A_241 : vector<1024x1024xi1> to vector<1024x1024xi32>
    %sign3A_243 = arith.subi %sign3A_238, %sign3A_242 : vector<1024x1024xi32>
    %sign3A_244 = arith.constant 0 : i32
    %sign3A_245 = arith.cmpi sgt, %jit3A_232, %sign3A_244 : i32
    %sign3A_246 = arith.extui %sign3A_245 : i1 to i32
    %sign3A_247 = arith.constant 0 : i32
    %sign3A_248 = arith.cmpi slt, %jit3A_232, %sign3A_247 : i32
    %sign3A_249 = arith.extui %sign3A_248 : i1 to i32
    %sign3A_250 = arith.subi %sign3A_246, %sign3A_249 : i32
    %ne3A_251 = vector.broadcast %sign3A_250 : i32 to vector<1024x1024xi32>
    %ne3A_252 = arith.cmpi ne, %sign3A_243, %ne3A_251 : vector<1024x1024xi32>
    %rem3A_253 = vector.broadcast %jit3A_232 : i32 to vector<1024x1024xi32>
    %rem3A_254 = arith.remsi %iota3A_200, %rem3A_253 : vector<1024x1024xi32>
    %ne3A_255 = arith.constant 0 : i32
    %ne3A_256 = vector.broadcast %ne3A_255 : i32 to vector<1024x1024xi32>
    %ne3A_257 = arith.cmpi ne, %rem3A_254, %ne3A_256 : vector<1024x1024xi32>
    %and3A_258 = arith.andi %ne3A_252, %ne3A_257 : vector<1024x1024xi1>
    %sub3A_259 = arith.constant 1 : i32
    %sub3A_260 = vector.broadcast %sub3A_259 : i32 to vector<1024x1024xi32>
    %sub3A_261 = arith.subi %div3A_234, %sub3A_260 : vector<1024x1024xi32>
    %select_n3A_262 = arith.select %and3A_258, %sub3A_261, %div3A_234 : vector<1024x1024xi1>, vector<1024x1024xi32>
    %eq3A_263 = arith.cmpi eq, %select_n3A_231, %select_n3A_262 : vector<1024x1024xi32>
    %get3A_264 = arith.constant 0 : index
    %get3A_265 = arith.constant 0 : index
    %get3A_266 = arith.constant 0 : index
    %get3A_267 = vector.load %arg18[%get3A_264, %get3A_265, %get3A_266] : memref<2x128x384xf32, #tpu.memory_space<vmem>>, vector<1x128x384xf32>
    %get3A_268 = vector.shape_cast %get3A_267 : vector<1x128x384xf32> to vector<128x384xf32>
    %convert_element_type3A_269 = arith.truncf %add3A_198 : vector<1024x128xf32> to vector<1024x128xbf16>
    %convert_element_type3A_270 = arith.truncf %get3A_268 : vector<128x384xf32> to vector<128x384xbf16>
    %dot_general3A_271 = arith.constant dense<0.000000e+00> : vector<1024x384xf32>
    %dot_general3A_272 = tpu.matmul %convert_element_type3A_269, %convert_element_type3A_270, %dot_general3A_271 {dimension_numbers = #tpu.dot_dimension_numbers<[1], [0], [0], [1], [0, 0, 1, 1], [], []>, transpose_lhs_hint = false} : vector<1024x128xbf16>, vector<128x384xbf16>, vector<1024x384xf32> -> vector<1024x384xf32>
    %get3A_273 = arith.constant 0 : index
    %get3A_274 = arith.constant 0 : index
    %get3A_275 = vector.load %arg19[%get3A_273, %get3A_274] : memref<8x384xf32, #tpu.memory_space<vmem>>, vector<1x384xf32>
    %add3A_276 = vector.broadcast %get3A_275 : vector<1x384xf32> to vector<1024x384xf32>
    %add3A_277 = arith.addf %dot_general3A_272, %add3A_276 : vector<1024x384xf32>
    %slice3A_278 = vector.extract_strided_slice %add3A_277 {offsets = [0, 0], sizes = [1024, 128], strides = [1, 1]} : vector<1024x384xf32> to vector<1024x128xf32>
    %slice3A_279 = vector.extract_strided_slice %add3A_277 {offsets = [0, 128], sizes = [1024, 128], strides = [1, 1]} : vector<1024x384xf32> to vector<1024x128xf32>
    %slice3A_280 = vector.extract_strided_slice %add3A_277 {offsets = [0, 256], sizes = [1024, 128], strides = [1, 1]} : vector<1024x384xf32> to vector<1024x128xf32>
    %get3A_281 = arith.constant 0 : index
    %get3A_282 = arith.constant 0 : index
    %get3A_283 = arith.constant 0 : index
    %get3A_284 = vector.load %arg20[%get3A_281, %get3A_282, %get3A_283] : memref<2x128x128xf32, #tpu.memory_space<vmem>>, vector<1x128x128xf32>
    %get3A_285 = vector.shape_cast %get3A_284 : vector<1x128x128xf32> to vector<128x128xf32>
    %get3A_286 = arith.constant 0 : index
    %get3A_287 = arith.constant 0 : index
    %get3A_288 = vector.load %arg21[%get3A_286, %get3A_287] : memref<8x128xf32, #tpu.memory_space<vmem>>, vector<1x128xf32>
    %slice3A_289 = vector.extract_strided_slice %slice3A_278 {offsets = [0, 0], sizes = [1024, 32], strides = [1, 1]} : vector<1024x128xf32> to vector<1024x32xf32>
    %slice3A_290 = vector.extract_strided_slice %slice3A_279 {offsets = [0, 0], sizes = [1024, 32], strides = [1, 1]} : vector<1024x128xf32> to vector<1024x32xf32>
    %slice3A_291 = vector.extract_strided_slice %slice3A_280 {offsets = [0, 0], sizes = [1024, 32], strides = [1, 1]} : vector<1024x128xf32> to vector<1024x32xf32>
    %convert_element_type3A_292 = arith.truncf %slice3A_289 : vector<1024x32xf32> to vector<1024x32xbf16>
    %convert_element_type3A_293 = arith.truncf %slice3A_290 : vector<1024x32xf32> to vector<1024x32xbf16>
    %dot_general3A_294 = arith.constant dense<0.000000e+00> : vector<1024x1024xf32>
    %dot_general3A_295 = tpu.matmul %convert_element_type3A_292, %convert_element_type3A_293, %dot_general3A_294 {dimension_numbers = #tpu.dot_dimension_numbers<[1], [1], [0], [0], [0, 0, 1, 0], [], []>, transpose_lhs_hint = false} : vector<1024x32xbf16>, vector<1024x32xbf16>, vector<1024x1024xf32> -> vector<1024x1024xf32>
    %div3A_296 = arith.constant 5.65685415 : f32
    %div3A_297 = vector.broadcast %div3A_296 : f32 to vector<1024x1024xf32>
    %div3A_298 = arith.divf %dot_general3A_295, %div3A_297 : vector<1024x1024xf32>
    %jit3A_299 = arith.constant -1.000000e+30 : f32
    %broadcast_in_dim3A_300 = vector.broadcast %jit3A_299 : f32 to vector<1024x1024xf32>
    %select_n3A_301 = arith.select %eq3A_263, %div3A_298, %broadcast_in_dim3A_300 : vector<1024x1024xi1>, vector<1024x1024xf32>
    %reduce_max3A_302 = arith.constant dense<0xFF800000> : vector<1024xf32>
    %reduce_max3A_303 = vector.multi_reduction <maximumf>, %select_n3A_301, %reduce_max3A_302 [1] : vector<1024x1024xf32> to vector<1024xf32>
    %broadcast_in_dim3A_304 = vector.shape_cast %reduce_max3A_303 : vector<1024xf32> to vector<1024x1xf32>
    %sub3A_305 = vector.broadcast %broadcast_in_dim3A_304 : vector<1024x1xf32> to vector<1024x1024xf32>
    %sub3A_306 = arith.subf %select_n3A_301, %sub3A_305 : vector<1024x1024xf32>
    %exp3A = math.exp %sub3A_306 : vector<1024x1024xf32>
    %reduce_sum3A = arith.constant dense<0.000000e+00> : vector<1024xf32>
    %reduce_sum3A_307 = vector.multi_reduction <add>, %exp3A, %reduce_sum3A [1] : vector<1024x1024xf32> to vector<1024xf32>
    %broadcast_in_dim3A_308 = vector.shape_cast %reduce_sum3A_307 : vector<1024xf32> to vector<1024x1xf32>
    %div3A_309 = vector.broadcast %broadcast_in_dim3A_308 : vector<1024x1xf32> to vector<1024x1024xf32>
    %div3A_310 = arith.divf %exp3A, %div3A_309 : vector<1024x1024xf32>
    %convert_element_type3A_311 = arith.truncf %div3A_310 : vector<1024x1024xf32> to vector<1024x1024xbf16>
    %convert_element_type3A_312 = arith.truncf %slice3A_291 : vector<1024x32xf32> to vector<1024x32xbf16>
    %dot_general3A_313 = arith.constant dense<0.000000e+00> : vector<1024x32xf32>
    %dot_general3A_314 = tpu.matmul %convert_element_type3A_311, %convert_element_type3A_312, %dot_general3A_313 {dimension_numbers = #tpu.dot_dimension_numbers<[1], [0], [0], [1], [0, 0, 1, 1], [], []>, transpose_lhs_hint = false} : vector<1024x1024xbf16>, vector<1024x32xbf16>, vector<1024x32xf32> -> vector<1024x32xf32>
    %slice3A_315 = vector.extract_strided_slice %get3A_285 {offsets = [0, 0], sizes = [32, 128], strides = [1, 1]} : vector<128x128xf32> to vector<32x128xf32>
    %convert_element_type3A_316 = arith.truncf %dot_general3A_314 : vector<1024x32xf32> to vector<1024x32xbf16>
    %convert_element_type3A_317 = arith.truncf %slice3A_315 : vector<32x128xf32> to vector<32x128xbf16>
    %dot_general3A_318 = arith.constant dense<0.000000e+00> : vector<1024x128xf32>
    %dot_general3A_319 = tpu.matmul %convert_element_type3A_316, %convert_element_type3A_317, %dot_general3A_318 {dimension_numbers = #tpu.dot_dimension_numbers<[1], [0], [0], [1], [0, 0, 1, 1], [], []>, transpose_lhs_hint = false} : vector<1024x32xbf16>, vector<32x128xbf16>, vector<1024x128xf32> -> vector<1024x128xf32>
    %add3A_320 = vector.broadcast %get3A_288 : vector<1x128xf32> to vector<1024x128xf32>
    %add3A_321 = arith.addf %add3A_320, %dot_general3A_319 : vector<1024x128xf32>
    %slice3A_322 = vector.extract_strided_slice %slice3A_278 {offsets = [0, 32], sizes = [1024, 32], strides = [1, 1]} : vector<1024x128xf32> to vector<1024x32xf32>
    %slice3A_323 = vector.extract_strided_slice %slice3A_279 {offsets = [0, 32], sizes = [1024, 32], strides = [1, 1]} : vector<1024x128xf32> to vector<1024x32xf32>
    %slice3A_324 = vector.extract_strided_slice %slice3A_280 {offsets = [0, 32], sizes = [1024, 32], strides = [1, 1]} : vector<1024x128xf32> to vector<1024x32xf32>
    %convert_element_type3A_325 = arith.truncf %slice3A_322 : vector<1024x32xf32> to vector<1024x32xbf16>
    %convert_element_type3A_326 = arith.truncf %slice3A_323 : vector<1024x32xf32> to vector<1024x32xbf16>
    %dot_general3A_327 = arith.constant dense<0.000000e+00> : vector<1024x1024xf32>
    %dot_general3A_328 = tpu.matmul %convert_element_type3A_325, %convert_element_type3A_326, %dot_general3A_327 {dimension_numbers = #tpu.dot_dimension_numbers<[1], [1], [0], [0], [0, 0, 1, 0], [], []>, transpose_lhs_hint = false} : vector<1024x32xbf16>, vector<1024x32xbf16>, vector<1024x1024xf32> -> vector<1024x1024xf32>
    %div3A_329 = arith.constant 5.65685415 : f32
    %div3A_330 = vector.broadcast %div3A_329 : f32 to vector<1024x1024xf32>
    %div3A_331 = arith.divf %dot_general3A_328, %div3A_330 : vector<1024x1024xf32>
    %jit3A_332 = arith.constant -1.000000e+30 : f32
    %broadcast_in_dim3A_333 = vector.broadcast %jit3A_332 : f32 to vector<1024x1024xf32>
    %select_n3A_334 = arith.select %eq3A_263, %div3A_331, %broadcast_in_dim3A_333 : vector<1024x1024xi1>, vector<1024x1024xf32>
    %reduce_max3A_335 = arith.constant dense<0xFF800000> : vector<1024xf32>
    %reduce_max3A_336 = vector.multi_reduction <maximumf>, %select_n3A_334, %reduce_max3A_335 [1] : vector<1024x1024xf32> to vector<1024xf32>
    %broadcast_in_dim3A_337 = vector.shape_cast %reduce_max3A_336 : vector<1024xf32> to vector<1024x1xf32>
    %sub3A_338 = vector.broadcast %broadcast_in_dim3A_337 : vector<1024x1xf32> to vector<1024x1024xf32>
    %sub3A_339 = arith.subf %select_n3A_334, %sub3A_338 : vector<1024x1024xf32>
    %exp3A_340 = math.exp %sub3A_339 : vector<1024x1024xf32>
    %reduce_sum3A_341 = arith.constant dense<0.000000e+00> : vector<1024xf32>
    %reduce_sum3A_342 = vector.multi_reduction <add>, %exp3A_340, %reduce_sum3A_341 [1] : vector<1024x1024xf32> to vector<1024xf32>
    %broadcast_in_dim3A_343 = vector.shape_cast %reduce_sum3A_342 : vector<1024xf32> to vector<1024x1xf32>
    %div3A_344 = vector.broadcast %broadcast_in_dim3A_343 : vector<1024x1xf32> to vector<1024x1024xf32>
    %div3A_345 = arith.divf %exp3A_340, %div3A_344 : vector<1024x1024xf32>
    %convert_element_type3A_346 = arith.truncf %div3A_345 : vector<1024x1024xf32> to vector<1024x1024xbf16>
    %convert_element_type3A_347 = arith.truncf %slice3A_324 : vector<1024x32xf32> to vector<1024x32xbf16>
    %dot_general3A_348 = arith.constant dense<0.000000e+00> : vector<1024x32xf32>
    %dot_general3A_349 = tpu.matmul %convert_element_type3A_346, %convert_element_type3A_347, %dot_general3A_348 {dimension_numbers = #tpu.dot_dimension_numbers<[1], [0], [0], [1], [0, 0, 1, 1], [], []>, transpose_lhs_hint = false} : vector<1024x1024xbf16>, vector<1024x32xbf16>, vector<1024x32xf32> -> vector<1024x32xf32>
    %slice3A_350 = vector.extract_strided_slice %get3A_285 {offsets = [32, 0], sizes = [32, 128], strides = [1, 1]} : vector<128x128xf32> to vector<32x128xf32>
    %convert_element_type3A_351 = arith.truncf %dot_general3A_349 : vector<1024x32xf32> to vector<1024x32xbf16>
    %convert_element_type3A_352 = arith.truncf %slice3A_350 : vector<32x128xf32> to vector<32x128xbf16>
    %dot_general3A_353 = arith.constant dense<0.000000e+00> : vector<1024x128xf32>
    %dot_general3A_354 = tpu.matmul %convert_element_type3A_351, %convert_element_type3A_352, %dot_general3A_353 {dimension_numbers = #tpu.dot_dimension_numbers<[1], [0], [0], [1], [0, 0, 1, 1], [], []>, transpose_lhs_hint = false} : vector<1024x32xbf16>, vector<32x128xbf16>, vector<1024x128xf32> -> vector<1024x128xf32>
    %add3A_355 = arith.addf %add3A_321, %dot_general3A_354 : vector<1024x128xf32>
    %slice3A_356 = vector.extract_strided_slice %slice3A_278 {offsets = [0, 64], sizes = [1024, 32], strides = [1, 1]} : vector<1024x128xf32> to vector<1024x32xf32>
    %slice3A_357 = vector.extract_strided_slice %slice3A_279 {offsets = [0, 64], sizes = [1024, 32], strides = [1, 1]} : vector<1024x128xf32> to vector<1024x32xf32>
    %slice3A_358 = vector.extract_strided_slice %slice3A_280 {offsets = [0, 64], sizes = [1024, 32], strides = [1, 1]} : vector<1024x128xf32> to vector<1024x32xf32>
    %convert_element_type3A_359 = arith.truncf %slice3A_356 : vector<1024x32xf32> to vector<1024x32xbf16>
    %convert_element_type3A_360 = arith.truncf %slice3A_357 : vector<1024x32xf32> to vector<1024x32xbf16>
    %dot_general3A_361 = arith.constant dense<0.000000e+00> : vector<1024x1024xf32>
    %dot_general3A_362 = tpu.matmul %convert_element_type3A_359, %convert_element_type3A_360, %dot_general3A_361 {dimension_numbers = #tpu.dot_dimension_numbers<[1], [1], [0], [0], [0, 0, 1, 0], [], []>, transpose_lhs_hint = false} : vector<1024x32xbf16>, vector<1024x32xbf16>, vector<1024x1024xf32> -> vector<1024x1024xf32>
    %div3A_363 = arith.constant 5.65685415 : f32
    %div3A_364 = vector.broadcast %div3A_363 : f32 to vector<1024x1024xf32>
    %div3A_365 = arith.divf %dot_general3A_362, %div3A_364 : vector<1024x1024xf32>
    %jit3A_366 = arith.constant -1.000000e+30 : f32
    %broadcast_in_dim3A_367 = vector.broadcast %jit3A_366 : f32 to vector<1024x1024xf32>
    %select_n3A_368 = arith.select %eq3A_263, %div3A_365, %broadcast_in_dim3A_367 : vector<1024x1024xi1>, vector<1024x1024xf32>
    %reduce_max3A_369 = arith.constant dense<0xFF800000> : vector<1024xf32>
    %reduce_max3A_370 = vector.multi_reduction <maximumf>, %select_n3A_368, %reduce_max3A_369 [1] : vector<1024x1024xf32> to vector<1024xf32>
    %broadcast_in_dim3A_371 = vector.shape_cast %reduce_max3A_370 : vector<1024xf32> to vector<1024x1xf32>
    %sub3A_372 = vector.broadcast %broadcast_in_dim3A_371 : vector<1024x1xf32> to vector<1024x1024xf32>
    %sub3A_373 = arith.subf %select_n3A_368, %sub3A_372 : vector<1024x1024xf32>
    %exp3A_374 = math.exp %sub3A_373 : vector<1024x1024xf32>
    %reduce_sum3A_375 = arith.constant dense<0.000000e+00> : vector<1024xf32>
    %reduce_sum3A_376 = vector.multi_reduction <add>, %exp3A_374, %reduce_sum3A_375 [1] : vector<1024x1024xf32> to vector<1024xf32>
    %broadcast_in_dim3A_377 = vector.shape_cast %reduce_sum3A_376 : vector<1024xf32> to vector<1024x1xf32>
    %div3A_378 = vector.broadcast %broadcast_in_dim3A_377 : vector<1024x1xf32> to vector<1024x1024xf32>
    %div3A_379 = arith.divf %exp3A_374, %div3A_378 : vector<1024x1024xf32>
    %convert_element_type3A_380 = arith.truncf %div3A_379 : vector<1024x1024xf32> to vector<1024x1024xbf16>
    %convert_element_type3A_381 = arith.truncf %slice3A_358 : vector<1024x32xf32> to vector<1024x32xbf16>
    %dot_general3A_382 = arith.constant dense<0.000000e+00> : vector<1024x32xf32>
    %dot_general3A_383 = tpu.matmul %convert_element_type3A_380, %convert_element_type3A_381, %dot_general3A_382 {dimension_numbers = #tpu.dot_dimension_numbers<[1], [0], [0], [1], [0, 0, 1, 1], [], []>, transpose_lhs_hint = false} : vector<1024x1024xbf16>, vector<1024x32xbf16>, vector<1024x32xf32> -> vector<1024x32xf32>
    %slice3A_384 = vector.extract_strided_slice %get3A_285 {offsets = [64, 0], sizes = [32, 128], strides = [1, 1]} : vector<128x128xf32> to vector<32x128xf32>
    %convert_element_type3A_385 = arith.truncf %dot_general3A_383 : vector<1024x32xf32> to vector<1024x32xbf16>
    %convert_element_type3A_386 = arith.truncf %slice3A_384 : vector<32x128xf32> to vector<32x128xbf16>
    %dot_general3A_387 = arith.constant dense<0.000000e+00> : vector<1024x128xf32>
    %dot_general3A_388 = tpu.matmul %convert_element_type3A_385, %convert_element_type3A_386, %dot_general3A_387 {dimension_numbers = #tpu.dot_dimension_numbers<[1], [0], [0], [1], [0, 0, 1, 1], [], []>, transpose_lhs_hint = false} : vector<1024x32xbf16>, vector<32x128xbf16>, vector<1024x128xf32> -> vector<1024x128xf32>
    %add3A_389 = arith.addf %add3A_355, %dot_general3A_388 : vector<1024x128xf32>
    %slice3A_390 = vector.extract_strided_slice %slice3A_278 {offsets = [0, 96], sizes = [1024, 32], strides = [1, 1]} : vector<1024x128xf32> to vector<1024x32xf32>
    %slice3A_391 = vector.extract_strided_slice %slice3A_279 {offsets = [0, 96], sizes = [1024, 32], strides = [1, 1]} : vector<1024x128xf32> to vector<1024x32xf32>
    %slice3A_392 = vector.extract_strided_slice %slice3A_280 {offsets = [0, 96], sizes = [1024, 32], strides = [1, 1]} : vector<1024x128xf32> to vector<1024x32xf32>
    %convert_element_type3A_393 = arith.truncf %slice3A_390 : vector<1024x32xf32> to vector<1024x32xbf16>
    %convert_element_type3A_394 = arith.truncf %slice3A_391 : vector<1024x32xf32> to vector<1024x32xbf16>
    %dot_general3A_395 = arith.constant dense<0.000000e+00> : vector<1024x1024xf32>
    %dot_general3A_396 = tpu.matmul %convert_element_type3A_393, %convert_element_type3A_394, %dot_general3A_395 {dimension_numbers = #tpu.dot_dimension_numbers<[1], [1], [0], [0], [0, 0, 1, 0], [], []>, transpose_lhs_hint = false} : vector<1024x32xbf16>, vector<1024x32xbf16>, vector<1024x1024xf32> -> vector<1024x1024xf32>
    %div3A_397 = arith.constant 5.65685415 : f32
    %div3A_398 = vector.broadcast %div3A_397 : f32 to vector<1024x1024xf32>
    %div3A_399 = arith.divf %dot_general3A_396, %div3A_398 : vector<1024x1024xf32>
    %jit3A_400 = arith.constant -1.000000e+30 : f32
    %broadcast_in_dim3A_401 = vector.broadcast %jit3A_400 : f32 to vector<1024x1024xf32>
    %select_n3A_402 = arith.select %eq3A_263, %div3A_399, %broadcast_in_dim3A_401 : vector<1024x1024xi1>, vector<1024x1024xf32>
    %reduce_max3A_403 = arith.constant dense<0xFF800000> : vector<1024xf32>
    %reduce_max3A_404 = vector.multi_reduction <maximumf>, %select_n3A_402, %reduce_max3A_403 [1] : vector<1024x1024xf32> to vector<1024xf32>
    %broadcast_in_dim3A_405 = vector.shape_cast %reduce_max3A_404 : vector<1024xf32> to vector<1024x1xf32>
    %sub3A_406 = vector.broadcast %broadcast_in_dim3A_405 : vector<1024x1xf32> to vector<1024x1024xf32>
    %sub3A_407 = arith.subf %select_n3A_402, %sub3A_406 : vector<1024x1024xf32>
    %exp3A_408 = math.exp %sub3A_407 : vector<1024x1024xf32>
    %reduce_sum3A_409 = arith.constant dense<0.000000e+00> : vector<1024xf32>
    %reduce_sum3A_410 = vector.multi_reduction <add>, %exp3A_408, %reduce_sum3A_409 [1] : vector<1024x1024xf32> to vector<1024xf32>
    %broadcast_in_dim3A_411 = vector.shape_cast %reduce_sum3A_410 : vector<1024xf32> to vector<1024x1xf32>
    %div3A_412 = vector.broadcast %broadcast_in_dim3A_411 : vector<1024x1xf32> to vector<1024x1024xf32>
    %div3A_413 = arith.divf %exp3A_408, %div3A_412 : vector<1024x1024xf32>
    %convert_element_type3A_414 = arith.truncf %div3A_413 : vector<1024x1024xf32> to vector<1024x1024xbf16>
    %convert_element_type3A_415 = arith.truncf %slice3A_392 : vector<1024x32xf32> to vector<1024x32xbf16>
    %dot_general3A_416 = arith.constant dense<0.000000e+00> : vector<1024x32xf32>
    %dot_general3A_417 = tpu.matmul %convert_element_type3A_414, %convert_element_type3A_415, %dot_general3A_416 {dimension_numbers = #tpu.dot_dimension_numbers<[1], [0], [0], [1], [0, 0, 1, 1], [], []>, transpose_lhs_hint = false} : vector<1024x1024xbf16>, vector<1024x32xbf16>, vector<1024x32xf32> -> vector<1024x32xf32>
    %slice3A_418 = vector.extract_strided_slice %get3A_285 {offsets = [96, 0], sizes = [32, 128], strides = [1, 1]} : vector<128x128xf32> to vector<32x128xf32>
    %convert_element_type3A_419 = arith.truncf %dot_general3A_417 : vector<1024x32xf32> to vector<1024x32xbf16>
    %convert_element_type3A_420 = arith.truncf %slice3A_418 : vector<32x128xf32> to vector<32x128xbf16>
    %dot_general3A_421 = arith.constant dense<0.000000e+00> : vector<1024x128xf32>
    %dot_general3A_422 = tpu.matmul %convert_element_type3A_419, %convert_element_type3A_420, %dot_general3A_421 {dimension_numbers = #tpu.dot_dimension_numbers<[1], [0], [0], [1], [0, 0, 1, 1], [], []>, transpose_lhs_hint = false} : vector<1024x32xbf16>, vector<32x128xbf16>, vector<1024x128xf32> -> vector<1024x128xf32>
    %add3A_423 = arith.addf %add3A_389, %dot_general3A_422 : vector<1024x128xf32>
    %add3A_424 = arith.addf %add3A_198, %add3A_423 : vector<1024x128xf32>
    %reduce_sum3A_425 = arith.constant dense<0.000000e+00> : vector<1024xf32>
    %reduce_sum3A_426 = vector.multi_reduction <add>, %add3A_424, %reduce_sum3A_425 [1] : vector<1024x128xf32> to vector<1024xf32>
    %broadcast_in_dim3A_427 = vector.shape_cast %reduce_sum3A_426 : vector<1024xf32> to vector<1024x1xf32>
    %div3A_428 = arith.constant 1.280000e+02 : f32
    %div3A_429 = vector.broadcast %div3A_428 : f32 to vector<1024x1xf32>
    %div3A_430 = arith.divf %broadcast_in_dim3A_427, %div3A_429 : vector<1024x1xf32>
    %sub3A_431 = vector.broadcast %div3A_430 : vector<1024x1xf32> to vector<1024x128xf32>
    %sub3A_432 = arith.subf %add3A_424, %sub3A_431 : vector<1024x128xf32>
    %integer_pow3A = arith.mulf %sub3A_432, %sub3A_432 : vector<1024x128xf32>
    %reduce_sum3A_433 = arith.constant dense<0.000000e+00> : vector<1024xf32>
    %reduce_sum3A_434 = vector.multi_reduction <add>, %integer_pow3A, %reduce_sum3A_433 [1] : vector<1024x128xf32> to vector<1024xf32>
    %broadcast_in_dim3A_435 = vector.shape_cast %reduce_sum3A_434 : vector<1024xf32> to vector<1024x1xf32>
    %div3A_436 = arith.constant 1.280000e+02 : f32
    %div3A_437 = vector.broadcast %div3A_436 : f32 to vector<1024x1xf32>
    %div3A_438 = arith.divf %broadcast_in_dim3A_435, %div3A_437 : vector<1024x1xf32>
    %sub3A_439 = vector.broadcast %div3A_430 : vector<1024x1xf32> to vector<1024x128xf32>
    %sub3A_440 = arith.subf %add3A_424, %sub3A_439 : vector<1024x128xf32>
    %add3A_441 = arith.constant 9.99999974E-6 : f32
    %add3A_442 = vector.broadcast %add3A_441 : f32 to vector<1024x1xf32>
    %add3A_443 = arith.addf %div3A_438, %add3A_442 : vector<1024x1xf32>
    %sqrt3A = math.sqrt %add3A_443 : vector<1024x1xf32>
    %div3A_444 = vector.broadcast %sqrt3A : vector<1024x1xf32> to vector<1024x128xf32>
    %div3A_445 = arith.divf %sub3A_440, %div3A_444 : vector<1024x128xf32>
    %get3A_446 = arith.constant 0 : index
    %get3A_447 = arith.constant 0 : index
    %get3A_448 = vector.load %arg22[%get3A_446, %get3A_447] : memref<8x128xf32, #tpu.memory_space<vmem>>, vector<1x128xf32>
    %mul3A_449 = vector.broadcast %get3A_448 : vector<1x128xf32> to vector<1024x128xf32>
    %mul3A_450 = arith.mulf %div3A_445, %mul3A_449 : vector<1024x128xf32>
    %get3A_451 = arith.constant 0 : index
    %get3A_452 = arith.constant 0 : index
    %get3A_453 = vector.load %arg23[%get3A_451, %get3A_452] : memref<8x128xf32, #tpu.memory_space<vmem>>, vector<1x128xf32>
    %add3A_454 = vector.broadcast %get3A_453 : vector<1x128xf32> to vector<1024x128xf32>
    %add3A_455 = arith.addf %mul3A_450, %add3A_454 : vector<1024x128xf32>
    %get3A_456 = arith.constant 0 : index
    %get3A_457 = arith.constant 0 : index
    %get3A_458 = arith.constant 0 : index
    %get3A_459 = vector.load %arg24[%get3A_456, %get3A_457, %get3A_458] : memref<2x128x256xf32, #tpu.memory_space<vmem>>, vector<1x128x256xf32>
    %get3A_460 = vector.shape_cast %get3A_459 : vector<1x128x256xf32> to vector<128x256xf32>
    %convert_element_type3A_461 = arith.truncf %add3A_455 : vector<1024x128xf32> to vector<1024x128xbf16>
    %convert_element_type3A_462 = arith.truncf %get3A_460 : vector<128x256xf32> to vector<128x256xbf16>
    %dot_general3A_463 = arith.constant dense<0.000000e+00> : vector<1024x256xf32>
    %dot_general3A_464 = tpu.matmul %convert_element_type3A_461, %convert_element_type3A_462, %dot_general3A_463 {dimension_numbers = #tpu.dot_dimension_numbers<[1], [0], [0], [1], [0, 0, 1, 1], [], []>, transpose_lhs_hint = false} : vector<1024x128xbf16>, vector<128x256xbf16>, vector<1024x256xf32> -> vector<1024x256xf32>
    %get3A_465 = arith.constant 0 : index
    %get3A_466 = arith.constant 0 : index
    %get3A_467 = vector.load %arg25[%get3A_465, %get3A_466] : memref<8x256xf32, #tpu.memory_space<vmem>>, vector<1x256xf32>
    %add3A_468 = vector.broadcast %get3A_467 : vector<1x256xf32> to vector<1024x256xf32>
    %add3A_469 = arith.addf %dot_general3A_464, %add3A_468 : vector<1024x256xf32>
    %max3A_470 = arith.constant 0.000000e+00 : f32
    %max3A_471 = vector.broadcast %max3A_470 : f32 to vector<1024x256xf32>
    %max3A_472 = arith.maximumf %add3A_469, %max3A_471 : vector<1024x256xf32>
    %get3A_473 = arith.constant 0 : index
    %get3A_474 = arith.constant 0 : index
    %get3A_475 = arith.constant 0 : index
    %get3A_476 = vector.load %arg26[%get3A_473, %get3A_474, %get3A_475] : memref<2x256x128xf32, #tpu.memory_space<vmem>>, vector<1x256x128xf32>
    %get3A_477 = vector.shape_cast %get3A_476 : vector<1x256x128xf32> to vector<256x128xf32>
    %convert_element_type3A_478 = arith.truncf %max3A_472 : vector<1024x256xf32> to vector<1024x256xbf16>
    %convert_element_type3A_479 = arith.truncf %get3A_477 : vector<256x128xf32> to vector<256x128xbf16>
    %dot_general3A_480 = arith.constant dense<0.000000e+00> : vector<1024x128xf32>
    %dot_general3A_481 = tpu.matmul %convert_element_type3A_478, %convert_element_type3A_479, %dot_general3A_480 {dimension_numbers = #tpu.dot_dimension_numbers<[1], [0], [0], [1], [0, 0, 1, 1], [], []>, transpose_lhs_hint = false} : vector<1024x256xbf16>, vector<256x128xbf16>, vector<1024x128xf32> -> vector<1024x128xf32>
    %get3A_482 = arith.constant 0 : index
    %get3A_483 = arith.constant 0 : index
    %get3A_484 = vector.load %arg27[%get3A_482, %get3A_483] : memref<8x128xf32, #tpu.memory_space<vmem>>, vector<1x128xf32>
    %add3A_485 = vector.broadcast %get3A_484 : vector<1x128xf32> to vector<1024x128xf32>
    %add3A_486 = arith.addf %dot_general3A_481, %add3A_485 : vector<1024x128xf32>
    %add3A_487 = arith.addf %add3A_455, %add3A_486 : vector<1024x128xf32>
    %reduce_sum3A_488 = arith.constant dense<0.000000e+00> : vector<1024xf32>
    %reduce_sum3A_489 = vector.multi_reduction <add>, %add3A_487, %reduce_sum3A_488 [1] : vector<1024x128xf32> to vector<1024xf32>
    %broadcast_in_dim3A_490 = vector.shape_cast %reduce_sum3A_489 : vector<1024xf32> to vector<1024x1xf32>
    %div3A_491 = arith.constant 1.280000e+02 : f32
    %div3A_492 = vector.broadcast %div3A_491 : f32 to vector<1024x1xf32>
    %div3A_493 = arith.divf %broadcast_in_dim3A_490, %div3A_492 : vector<1024x1xf32>
    %sub3A_494 = vector.broadcast %div3A_493 : vector<1024x1xf32> to vector<1024x128xf32>
    %sub3A_495 = arith.subf %add3A_487, %sub3A_494 : vector<1024x128xf32>
    %integer_pow3A_496 = arith.mulf %sub3A_495, %sub3A_495 : vector<1024x128xf32>
    %reduce_sum3A_497 = arith.constant dense<0.000000e+00> : vector<1024xf32>
    %reduce_sum3A_498 = vector.multi_reduction <add>, %integer_pow3A_496, %reduce_sum3A_497 [1] : vector<1024x128xf32> to vector<1024xf32>
    %broadcast_in_dim3A_499 = vector.shape_cast %reduce_sum3A_498 : vector<1024xf32> to vector<1024x1xf32>
    %div3A_500 = arith.constant 1.280000e+02 : f32
    %div3A_501 = vector.broadcast %div3A_500 : f32 to vector<1024x1xf32>
    %div3A_502 = arith.divf %broadcast_in_dim3A_499, %div3A_501 : vector<1024x1xf32>
    %sub3A_503 = vector.broadcast %div3A_493 : vector<1024x1xf32> to vector<1024x128xf32>
    %sub3A_504 = arith.subf %add3A_487, %sub3A_503 : vector<1024x128xf32>
    %add3A_505 = arith.constant 9.99999974E-6 : f32
    %add3A_506 = vector.broadcast %add3A_505 : f32 to vector<1024x1xf32>
    %add3A_507 = arith.addf %div3A_502, %add3A_506 : vector<1024x1xf32>
    %sqrt3A_508 = math.sqrt %add3A_507 : vector<1024x1xf32>
    %div3A_509 = vector.broadcast %sqrt3A_508 : vector<1024x1xf32> to vector<1024x128xf32>
    %div3A_510 = arith.divf %sub3A_504, %div3A_509 : vector<1024x128xf32>
    %get3A_511 = arith.constant 0 : index
    %get3A_512 = arith.constant 0 : index
    %get3A_513 = vector.load %arg28[%get3A_511, %get3A_512] : memref<8x128xf32, #tpu.memory_space<vmem>>, vector<1x128xf32>
    %mul3A_514 = vector.broadcast %get3A_513 : vector<1x128xf32> to vector<1024x128xf32>
    %mul3A_515 = arith.mulf %div3A_510, %mul3A_514 : vector<1024x128xf32>
    %get3A_516 = arith.constant 0 : index
    %get3A_517 = arith.constant 0 : index
    %get3A_518 = vector.load %arg29[%get3A_516, %get3A_517] : memref<8x128xf32, #tpu.memory_space<vmem>>, vector<1x128xf32>
    %add3A_519 = vector.broadcast %get3A_518 : vector<1x128xf32> to vector<1024x128xf32>
    %add3A_520 = arith.addf %mul3A_515, %add3A_519 : vector<1024x128xf32>
    %get3A_521 = arith.constant 1 : index
    %get3A_522 = arith.constant 0 : index
    %get3A_523 = arith.constant 0 : index
    %get3A_524 = vector.load %arg18[%get3A_521, %get3A_522, %get3A_523] : memref<2x128x384xf32, #tpu.memory_space<vmem>>, vector<1x128x384xf32>
    %get3A_525 = vector.shape_cast %get3A_524 : vector<1x128x384xf32> to vector<128x384xf32>
    %convert_element_type3A_526 = arith.truncf %add3A_520 : vector<1024x128xf32> to vector<1024x128xbf16>
    %convert_element_type3A_527 = arith.truncf %get3A_525 : vector<128x384xf32> to vector<128x384xbf16>
    %dot_general3A_528 = arith.constant dense<0.000000e+00> : vector<1024x384xf32>
    %dot_general3A_529 = tpu.matmul %convert_element_type3A_526, %convert_element_type3A_527, %dot_general3A_528 {dimension_numbers = #tpu.dot_dimension_numbers<[1], [0], [0], [1], [0, 0, 1, 1], [], []>, transpose_lhs_hint = false} : vector<1024x128xbf16>, vector<128x384xbf16>, vector<1024x384xf32> -> vector<1024x384xf32>
    %get3A_530 = arith.constant 1 : index
    %get3A_531 = arith.constant 0 : index
    %get3A_532 = vector.load %arg19[%get3A_530, %get3A_531] : memref<8x384xf32, #tpu.memory_space<vmem>>, vector<1x384xf32>
    %add3A_533 = vector.broadcast %get3A_532 : vector<1x384xf32> to vector<1024x384xf32>
    %add3A_534 = arith.addf %dot_general3A_529, %add3A_533 : vector<1024x384xf32>
    %slice3A_535 = vector.extract_strided_slice %add3A_534 {offsets = [0, 0], sizes = [1024, 128], strides = [1, 1]} : vector<1024x384xf32> to vector<1024x128xf32>
    %slice3A_536 = vector.extract_strided_slice %add3A_534 {offsets = [0, 128], sizes = [1024, 128], strides = [1, 1]} : vector<1024x384xf32> to vector<1024x128xf32>
    %slice3A_537 = vector.extract_strided_slice %add3A_534 {offsets = [0, 256], sizes = [1024, 128], strides = [1, 1]} : vector<1024x384xf32> to vector<1024x128xf32>
    %get3A_538 = arith.constant 1 : index
    %get3A_539 = arith.constant 0 : index
    %get3A_540 = arith.constant 0 : index
    %get3A_541 = vector.load %arg20[%get3A_538, %get3A_539, %get3A_540] : memref<2x128x128xf32, #tpu.memory_space<vmem>>, vector<1x128x128xf32>
    %get3A_542 = vector.shape_cast %get3A_541 : vector<1x128x128xf32> to vector<128x128xf32>
    %get3A_543 = arith.constant 1 : index
    %get3A_544 = arith.constant 0 : index
    %get3A_545 = vector.load %arg21[%get3A_543, %get3A_544] : memref<8x128xf32, #tpu.memory_space<vmem>>, vector<1x128xf32>
    %slice3A_546 = vector.extract_strided_slice %slice3A_535 {offsets = [0, 0], sizes = [1024, 32], strides = [1, 1]} : vector<1024x128xf32> to vector<1024x32xf32>
    %slice3A_547 = vector.extract_strided_slice %slice3A_536 {offsets = [0, 0], sizes = [1024, 32], strides = [1, 1]} : vector<1024x128xf32> to vector<1024x32xf32>
    %slice3A_548 = vector.extract_strided_slice %slice3A_537 {offsets = [0, 0], sizes = [1024, 32], strides = [1, 1]} : vector<1024x128xf32> to vector<1024x32xf32>
    %convert_element_type3A_549 = arith.truncf %slice3A_546 : vector<1024x32xf32> to vector<1024x32xbf16>
    %convert_element_type3A_550 = arith.truncf %slice3A_547 : vector<1024x32xf32> to vector<1024x32xbf16>
    %dot_general3A_551 = arith.constant dense<0.000000e+00> : vector<1024x1024xf32>
    %dot_general3A_552 = tpu.matmul %convert_element_type3A_549, %convert_element_type3A_550, %dot_general3A_551 {dimension_numbers = #tpu.dot_dimension_numbers<[1], [1], [0], [0], [0, 0, 1, 0], [], []>, transpose_lhs_hint = false} : vector<1024x32xbf16>, vector<1024x32xbf16>, vector<1024x1024xf32> -> vector<1024x1024xf32>
    %div3A_553 = arith.constant 5.65685415 : f32
    %div3A_554 = vector.broadcast %div3A_553 : f32 to vector<1024x1024xf32>
    %div3A_555 = arith.divf %dot_general3A_552, %div3A_554 : vector<1024x1024xf32>
    %jit3A_556 = arith.constant -1.000000e+30 : f32
    %broadcast_in_dim3A_557 = vector.broadcast %jit3A_556 : f32 to vector<1024x1024xf32>
    %select_n3A_558 = arith.select %eq3A_263, %div3A_555, %broadcast_in_dim3A_557 : vector<1024x1024xi1>, vector<1024x1024xf32>
    %reduce_max3A_559 = arith.constant dense<0xFF800000> : vector<1024xf32>
    %reduce_max3A_560 = vector.multi_reduction <maximumf>, %select_n3A_558, %reduce_max3A_559 [1] : vector<1024x1024xf32> to vector<1024xf32>
    %broadcast_in_dim3A_561 = vector.shape_cast %reduce_max3A_560 : vector<1024xf32> to vector<1024x1xf32>
    %sub3A_562 = vector.broadcast %broadcast_in_dim3A_561 : vector<1024x1xf32> to vector<1024x1024xf32>
    %sub3A_563 = arith.subf %select_n3A_558, %sub3A_562 : vector<1024x1024xf32>
    %exp3A_564 = math.exp %sub3A_563 : vector<1024x1024xf32>
    %reduce_sum3A_565 = arith.constant dense<0.000000e+00> : vector<1024xf32>
    %reduce_sum3A_566 = vector.multi_reduction <add>, %exp3A_564, %reduce_sum3A_565 [1] : vector<1024x1024xf32> to vector<1024xf32>
    %broadcast_in_dim3A_567 = vector.shape_cast %reduce_sum3A_566 : vector<1024xf32> to vector<1024x1xf32>
    %div3A_568 = vector.broadcast %broadcast_in_dim3A_567 : vector<1024x1xf32> to vector<1024x1024xf32>
    %div3A_569 = arith.divf %exp3A_564, %div3A_568 : vector<1024x1024xf32>
    %convert_element_type3A_570 = arith.truncf %div3A_569 : vector<1024x1024xf32> to vector<1024x1024xbf16>
    %convert_element_type3A_571 = arith.truncf %slice3A_548 : vector<1024x32xf32> to vector<1024x32xbf16>
    %dot_general3A_572 = arith.constant dense<0.000000e+00> : vector<1024x32xf32>
    %dot_general3A_573 = tpu.matmul %convert_element_type3A_570, %convert_element_type3A_571, %dot_general3A_572 {dimension_numbers = #tpu.dot_dimension_numbers<[1], [0], [0], [1], [0, 0, 1, 1], [], []>, transpose_lhs_hint = false} : vector<1024x1024xbf16>, vector<1024x32xbf16>, vector<1024x32xf32> -> vector<1024x32xf32>
    %slice3A_574 = vector.extract_strided_slice %get3A_542 {offsets = [0, 0], sizes = [32, 128], strides = [1, 1]} : vector<128x128xf32> to vector<32x128xf32>
    %convert_element_type3A_575 = arith.truncf %dot_general3A_573 : vector<1024x32xf32> to vector<1024x32xbf16>
    %convert_element_type3A_576 = arith.truncf %slice3A_574 : vector<32x128xf32> to vector<32x128xbf16>
    %dot_general3A_577 = arith.constant dense<0.000000e+00> : vector<1024x128xf32>
    %dot_general3A_578 = tpu.matmul %convert_element_type3A_575, %convert_element_type3A_576, %dot_general3A_577 {dimension_numbers = #tpu.dot_dimension_numbers<[1], [0], [0], [1], [0, 0, 1, 1], [], []>, transpose_lhs_hint = false} : vector<1024x32xbf16>, vector<32x128xbf16>, vector<1024x128xf32> -> vector<1024x128xf32>
    %add3A_579 = vector.broadcast %get3A_545 : vector<1x128xf32> to vector<1024x128xf32>
    %add3A_580 = arith.addf %add3A_579, %dot_general3A_578 : vector<1024x128xf32>
    %slice3A_581 = vector.extract_strided_slice %slice3A_535 {offsets = [0, 32], sizes = [1024, 32], strides = [1, 1]} : vector<1024x128xf32> to vector<1024x32xf32>
    %slice3A_582 = vector.extract_strided_slice %slice3A_536 {offsets = [0, 32], sizes = [1024, 32], strides = [1, 1]} : vector<1024x128xf32> to vector<1024x32xf32>
    %slice3A_583 = vector.extract_strided_slice %slice3A_537 {offsets = [0, 32], sizes = [1024, 32], strides = [1, 1]} : vector<1024x128xf32> to vector<1024x32xf32>
    %convert_element_type3A_584 = arith.truncf %slice3A_581 : vector<1024x32xf32> to vector<1024x32xbf16>
    %convert_element_type3A_585 = arith.truncf %slice3A_582 : vector<1024x32xf32> to vector<1024x32xbf16>
    %dot_general3A_586 = arith.constant dense<0.000000e+00> : vector<1024x1024xf32>
    %dot_general3A_587 = tpu.matmul %convert_element_type3A_584, %convert_element_type3A_585, %dot_general3A_586 {dimension_numbers = #tpu.dot_dimension_numbers<[1], [1], [0], [0], [0, 0, 1, 0], [], []>, transpose_lhs_hint = false} : vector<1024x32xbf16>, vector<1024x32xbf16>, vector<1024x1024xf32> -> vector<1024x1024xf32>
    %div3A_588 = arith.constant 5.65685415 : f32
    %div3A_589 = vector.broadcast %div3A_588 : f32 to vector<1024x1024xf32>
    %div3A_590 = arith.divf %dot_general3A_587, %div3A_589 : vector<1024x1024xf32>
    %jit3A_591 = arith.constant -1.000000e+30 : f32
    %broadcast_in_dim3A_592 = vector.broadcast %jit3A_591 : f32 to vector<1024x1024xf32>
    %select_n3A_593 = arith.select %eq3A_263, %div3A_590, %broadcast_in_dim3A_592 : vector<1024x1024xi1>, vector<1024x1024xf32>
    %reduce_max3A_594 = arith.constant dense<0xFF800000> : vector<1024xf32>
    %reduce_max3A_595 = vector.multi_reduction <maximumf>, %select_n3A_593, %reduce_max3A_594 [1] : vector<1024x1024xf32> to vector<1024xf32>
    %broadcast_in_dim3A_596 = vector.shape_cast %reduce_max3A_595 : vector<1024xf32> to vector<1024x1xf32>
    %sub3A_597 = vector.broadcast %broadcast_in_dim3A_596 : vector<1024x1xf32> to vector<1024x1024xf32>
    %sub3A_598 = arith.subf %select_n3A_593, %sub3A_597 : vector<1024x1024xf32>
    %exp3A_599 = math.exp %sub3A_598 : vector<1024x1024xf32>
    %reduce_sum3A_600 = arith.constant dense<0.000000e+00> : vector<1024xf32>
    %reduce_sum3A_601 = vector.multi_reduction <add>, %exp3A_599, %reduce_sum3A_600 [1] : vector<1024x1024xf32> to vector<1024xf32>
    %broadcast_in_dim3A_602 = vector.shape_cast %reduce_sum3A_601 : vector<1024xf32> to vector<1024x1xf32>
    %div3A_603 = vector.broadcast %broadcast_in_dim3A_602 : vector<1024x1xf32> to vector<1024x1024xf32>
    %div3A_604 = arith.divf %exp3A_599, %div3A_603 : vector<1024x1024xf32>
    %convert_element_type3A_605 = arith.truncf %div3A_604 : vector<1024x1024xf32> to vector<1024x1024xbf16>
    %convert_element_type3A_606 = arith.truncf %slice3A_583 : vector<1024x32xf32> to vector<1024x32xbf16>
    %dot_general3A_607 = arith.constant dense<0.000000e+00> : vector<1024x32xf32>
    %dot_general3A_608 = tpu.matmul %convert_element_type3A_605, %convert_element_type3A_606, %dot_general3A_607 {dimension_numbers = #tpu.dot_dimension_numbers<[1], [0], [0], [1], [0, 0, 1, 1], [], []>, transpose_lhs_hint = false} : vector<1024x1024xbf16>, vector<1024x32xbf16>, vector<1024x32xf32> -> vector<1024x32xf32>
    %slice3A_609 = vector.extract_strided_slice %get3A_542 {offsets = [32, 0], sizes = [32, 128], strides = [1, 1]} : vector<128x128xf32> to vector<32x128xf32>
    %convert_element_type3A_610 = arith.truncf %dot_general3A_608 : vector<1024x32xf32> to vector<1024x32xbf16>
    %convert_element_type3A_611 = arith.truncf %slice3A_609 : vector<32x128xf32> to vector<32x128xbf16>
    %dot_general3A_612 = arith.constant dense<0.000000e+00> : vector<1024x128xf32>
    %dot_general3A_613 = tpu.matmul %convert_element_type3A_610, %convert_element_type3A_611, %dot_general3A_612 {dimension_numbers = #tpu.dot_dimension_numbers<[1], [0], [0], [1], [0, 0, 1, 1], [], []>, transpose_lhs_hint = false} : vector<1024x32xbf16>, vector<32x128xbf16>, vector<1024x128xf32> -> vector<1024x128xf32>
    %add3A_614 = arith.addf %add3A_580, %dot_general3A_613 : vector<1024x128xf32>
    %slice3A_615 = vector.extract_strided_slice %slice3A_535 {offsets = [0, 64], sizes = [1024, 32], strides = [1, 1]} : vector<1024x128xf32> to vector<1024x32xf32>
    %slice3A_616 = vector.extract_strided_slice %slice3A_536 {offsets = [0, 64], sizes = [1024, 32], strides = [1, 1]} : vector<1024x128xf32> to vector<1024x32xf32>
    %slice3A_617 = vector.extract_strided_slice %slice3A_537 {offsets = [0, 64], sizes = [1024, 32], strides = [1, 1]} : vector<1024x128xf32> to vector<1024x32xf32>
    %convert_element_type3A_618 = arith.truncf %slice3A_615 : vector<1024x32xf32> to vector<1024x32xbf16>
    %convert_element_type3A_619 = arith.truncf %slice3A_616 : vector<1024x32xf32> to vector<1024x32xbf16>
    %dot_general3A_620 = arith.constant dense<0.000000e+00> : vector<1024x1024xf32>
    %dot_general3A_621 = tpu.matmul %convert_element_type3A_618, %convert_element_type3A_619, %dot_general3A_620 {dimension_numbers = #tpu.dot_dimension_numbers<[1], [1], [0], [0], [0, 0, 1, 0], [], []>, transpose_lhs_hint = false} : vector<1024x32xbf16>, vector<1024x32xbf16>, vector<1024x1024xf32> -> vector<1024x1024xf32>
    %div3A_622 = arith.constant 5.65685415 : f32
    %div3A_623 = vector.broadcast %div3A_622 : f32 to vector<1024x1024xf32>
    %div3A_624 = arith.divf %dot_general3A_621, %div3A_623 : vector<1024x1024xf32>
    %jit3A_625 = arith.constant -1.000000e+30 : f32
    %broadcast_in_dim3A_626 = vector.broadcast %jit3A_625 : f32 to vector<1024x1024xf32>
    %select_n3A_627 = arith.select %eq3A_263, %div3A_624, %broadcast_in_dim3A_626 : vector<1024x1024xi1>, vector<1024x1024xf32>
    %reduce_max3A_628 = arith.constant dense<0xFF800000> : vector<1024xf32>
    %reduce_max3A_629 = vector.multi_reduction <maximumf>, %select_n3A_627, %reduce_max3A_628 [1] : vector<1024x1024xf32> to vector<1024xf32>
    %broadcast_in_dim3A_630 = vector.shape_cast %reduce_max3A_629 : vector<1024xf32> to vector<1024x1xf32>
    %sub3A_631 = vector.broadcast %broadcast_in_dim3A_630 : vector<1024x1xf32> to vector<1024x1024xf32>
    %sub3A_632 = arith.subf %select_n3A_627, %sub3A_631 : vector<1024x1024xf32>
    %exp3A_633 = math.exp %sub3A_632 : vector<1024x1024xf32>
    %reduce_sum3A_634 = arith.constant dense<0.000000e+00> : vector<1024xf32>
    %reduce_sum3A_635 = vector.multi_reduction <add>, %exp3A_633, %reduce_sum3A_634 [1] : vector<1024x1024xf32> to vector<1024xf32>
    %broadcast_in_dim3A_636 = vector.shape_cast %reduce_sum3A_635 : vector<1024xf32> to vector<1024x1xf32>
    %div3A_637 = vector.broadcast %broadcast_in_dim3A_636 : vector<1024x1xf32> to vector<1024x1024xf32>
    %div3A_638 = arith.divf %exp3A_633, %div3A_637 : vector<1024x1024xf32>
    %convert_element_type3A_639 = arith.truncf %div3A_638 : vector<1024x1024xf32> to vector<1024x1024xbf16>
    %convert_element_type3A_640 = arith.truncf %slice3A_617 : vector<1024x32xf32> to vector<1024x32xbf16>
    %dot_general3A_641 = arith.constant dense<0.000000e+00> : vector<1024x32xf32>
    %dot_general3A_642 = tpu.matmul %convert_element_type3A_639, %convert_element_type3A_640, %dot_general3A_641 {dimension_numbers = #tpu.dot_dimension_numbers<[1], [0], [0], [1], [0, 0, 1, 1], [], []>, transpose_lhs_hint = false} : vector<1024x1024xbf16>, vector<1024x32xbf16>, vector<1024x32xf32> -> vector<1024x32xf32>
    %slice3A_643 = vector.extract_strided_slice %get3A_542 {offsets = [64, 0], sizes = [32, 128], strides = [1, 1]} : vector<128x128xf32> to vector<32x128xf32>
    %convert_element_type3A_644 = arith.truncf %dot_general3A_642 : vector<1024x32xf32> to vector<1024x32xbf16>
    %convert_element_type3A_645 = arith.truncf %slice3A_643 : vector<32x128xf32> to vector<32x128xbf16>
    %dot_general3A_646 = arith.constant dense<0.000000e+00> : vector<1024x128xf32>
    %dot_general3A_647 = tpu.matmul %convert_element_type3A_644, %convert_element_type3A_645, %dot_general3A_646 {dimension_numbers = #tpu.dot_dimension_numbers<[1], [0], [0], [1], [0, 0, 1, 1], [], []>, transpose_lhs_hint = false} : vector<1024x32xbf16>, vector<32x128xbf16>, vector<1024x128xf32> -> vector<1024x128xf32>
    %add3A_648 = arith.addf %add3A_614, %dot_general3A_647 : vector<1024x128xf32>
    %slice3A_649 = vector.extract_strided_slice %slice3A_535 {offsets = [0, 96], sizes = [1024, 32], strides = [1, 1]} : vector<1024x128xf32> to vector<1024x32xf32>
    %slice3A_650 = vector.extract_strided_slice %slice3A_536 {offsets = [0, 96], sizes = [1024, 32], strides = [1, 1]} : vector<1024x128xf32> to vector<1024x32xf32>
    %slice3A_651 = vector.extract_strided_slice %slice3A_537 {offsets = [0, 96], sizes = [1024, 32], strides = [1, 1]} : vector<1024x128xf32> to vector<1024x32xf32>
    %convert_element_type3A_652 = arith.truncf %slice3A_649 : vector<1024x32xf32> to vector<1024x32xbf16>
    %convert_element_type3A_653 = arith.truncf %slice3A_650 : vector<1024x32xf32> to vector<1024x32xbf16>
    %dot_general3A_654 = arith.constant dense<0.000000e+00> : vector<1024x1024xf32>
    %dot_general3A_655 = tpu.matmul %convert_element_type3A_652, %convert_element_type3A_653, %dot_general3A_654 {dimension_numbers = #tpu.dot_dimension_numbers<[1], [1], [0], [0], [0, 0, 1, 0], [], []>, transpose_lhs_hint = false} : vector<1024x32xbf16>, vector<1024x32xbf16>, vector<1024x1024xf32> -> vector<1024x1024xf32>
    %div3A_656 = arith.constant 5.65685415 : f32
    %div3A_657 = vector.broadcast %div3A_656 : f32 to vector<1024x1024xf32>
    %div3A_658 = arith.divf %dot_general3A_655, %div3A_657 : vector<1024x1024xf32>
    %jit3A_659 = arith.constant -1.000000e+30 : f32
    %broadcast_in_dim3A_660 = vector.broadcast %jit3A_659 : f32 to vector<1024x1024xf32>
    %select_n3A_661 = arith.select %eq3A_263, %div3A_658, %broadcast_in_dim3A_660 : vector<1024x1024xi1>, vector<1024x1024xf32>
    %reduce_max3A_662 = arith.constant dense<0xFF800000> : vector<1024xf32>
    %reduce_max3A_663 = vector.multi_reduction <maximumf>, %select_n3A_661, %reduce_max3A_662 [1] : vector<1024x1024xf32> to vector<1024xf32>
    %broadcast_in_dim3A_664 = vector.shape_cast %reduce_max3A_663 : vector<1024xf32> to vector<1024x1xf32>
    %sub3A_665 = vector.broadcast %broadcast_in_dim3A_664 : vector<1024x1xf32> to vector<1024x1024xf32>
    %sub3A_666 = arith.subf %select_n3A_661, %sub3A_665 : vector<1024x1024xf32>
    %exp3A_667 = math.exp %sub3A_666 : vector<1024x1024xf32>
    %reduce_sum3A_668 = arith.constant dense<0.000000e+00> : vector<1024xf32>
    %reduce_sum3A_669 = vector.multi_reduction <add>, %exp3A_667, %reduce_sum3A_668 [1] : vector<1024x1024xf32> to vector<1024xf32>
    %broadcast_in_dim3A_670 = vector.shape_cast %reduce_sum3A_669 : vector<1024xf32> to vector<1024x1xf32>
    %div3A_671 = vector.broadcast %broadcast_in_dim3A_670 : vector<1024x1xf32> to vector<1024x1024xf32>
    %div3A_672 = arith.divf %exp3A_667, %div3A_671 : vector<1024x1024xf32>
    %convert_element_type3A_673 = arith.truncf %div3A_672 : vector<1024x1024xf32> to vector<1024x1024xbf16>
    %convert_element_type3A_674 = arith.truncf %slice3A_651 : vector<1024x32xf32> to vector<1024x32xbf16>
    %dot_general3A_675 = arith.constant dense<0.000000e+00> : vector<1024x32xf32>
    %dot_general3A_676 = tpu.matmul %convert_element_type3A_673, %convert_element_type3A_674, %dot_general3A_675 {dimension_numbers = #tpu.dot_dimension_numbers<[1], [0], [0], [1], [0, 0, 1, 1], [], []>, transpose_lhs_hint = false} : vector<1024x1024xbf16>, vector<1024x32xbf16>, vector<1024x32xf32> -> vector<1024x32xf32>
    %slice3A_677 = vector.extract_strided_slice %get3A_542 {offsets = [96, 0], sizes = [32, 128], strides = [1, 1]} : vector<128x128xf32> to vector<32x128xf32>
    %convert_element_type3A_678 = arith.truncf %dot_general3A_676 : vector<1024x32xf32> to vector<1024x32xbf16>
    %convert_element_type3A_679 = arith.truncf %slice3A_677 : vector<32x128xf32> to vector<32x128xbf16>
    %dot_general3A_680 = arith.constant dense<0.000000e+00> : vector<1024x128xf32>
    %dot_general3A_681 = tpu.matmul %convert_element_type3A_678, %convert_element_type3A_679, %dot_general3A_680 {dimension_numbers = #tpu.dot_dimension_numbers<[1], [0], [0], [1], [0, 0, 1, 1], [], []>, transpose_lhs_hint = false} : vector<1024x32xbf16>, vector<32x128xbf16>, vector<1024x128xf32> -> vector<1024x128xf32>
    %add3A_682 = arith.addf %add3A_648, %dot_general3A_681 : vector<1024x128xf32>
    %add3A_683 = arith.addf %add3A_520, %add3A_682 : vector<1024x128xf32>
    %reduce_sum3A_684 = arith.constant dense<0.000000e+00> : vector<1024xf32>
    %reduce_sum3A_685 = vector.multi_reduction <add>, %add3A_683, %reduce_sum3A_684 [1] : vector<1024x128xf32> to vector<1024xf32>
    %broadcast_in_dim3A_686 = vector.shape_cast %reduce_sum3A_685 : vector<1024xf32> to vector<1024x1xf32>
    %div3A_687 = arith.constant 1.280000e+02 : f32
    %div3A_688 = vector.broadcast %div3A_687 : f32 to vector<1024x1xf32>
    %div3A_689 = arith.divf %broadcast_in_dim3A_686, %div3A_688 : vector<1024x1xf32>
    %sub3A_690 = vector.broadcast %div3A_689 : vector<1024x1xf32> to vector<1024x128xf32>
    %sub3A_691 = arith.subf %add3A_683, %sub3A_690 : vector<1024x128xf32>
    %integer_pow3A_692 = arith.mulf %sub3A_691, %sub3A_691 : vector<1024x128xf32>
    %reduce_sum3A_693 = arith.constant dense<0.000000e+00> : vector<1024xf32>
    %reduce_sum3A_694 = vector.multi_reduction <add>, %integer_pow3A_692, %reduce_sum3A_693 [1] : vector<1024x128xf32> to vector<1024xf32>
    %broadcast_in_dim3A_695 = vector.shape_cast %reduce_sum3A_694 : vector<1024xf32> to vector<1024x1xf32>
    %div3A_696 = arith.constant 1.280000e+02 : f32
    %div3A_697 = vector.broadcast %div3A_696 : f32 to vector<1024x1xf32>
    %div3A_698 = arith.divf %broadcast_in_dim3A_695, %div3A_697 : vector<1024x1xf32>
    %sub3A_699 = vector.broadcast %div3A_689 : vector<1024x1xf32> to vector<1024x128xf32>
    %sub3A_700 = arith.subf %add3A_683, %sub3A_699 : vector<1024x128xf32>
    %add3A_701 = arith.constant 9.99999974E-6 : f32
    %add3A_702 = vector.broadcast %add3A_701 : f32 to vector<1024x1xf32>
    %add3A_703 = arith.addf %div3A_698, %add3A_702 : vector<1024x1xf32>
    %sqrt3A_704 = math.sqrt %add3A_703 : vector<1024x1xf32>
    %div3A_705 = vector.broadcast %sqrt3A_704 : vector<1024x1xf32> to vector<1024x128xf32>
    %div3A_706 = arith.divf %sub3A_700, %div3A_705 : vector<1024x128xf32>
    %get3A_707 = arith.constant 1 : index
    %get3A_708 = arith.constant 0 : index
    %get3A_709 = vector.load %arg22[%get3A_707, %get3A_708] : memref<8x128xf32, #tpu.memory_space<vmem>>, vector<1x128xf32>
    %mul3A_710 = vector.broadcast %get3A_709 : vector<1x128xf32> to vector<1024x128xf32>
    %mul3A_711 = arith.mulf %div3A_706, %mul3A_710 : vector<1024x128xf32>
    %get3A_712 = arith.constant 1 : index
    %get3A_713 = arith.constant 0 : index
    %get3A_714 = vector.load %arg23[%get3A_712, %get3A_713] : memref<8x128xf32, #tpu.memory_space<vmem>>, vector<1x128xf32>
    %add3A_715 = vector.broadcast %get3A_714 : vector<1x128xf32> to vector<1024x128xf32>
    %add3A_716 = arith.addf %mul3A_711, %add3A_715 : vector<1024x128xf32>
    %get3A_717 = arith.constant 1 : index
    %get3A_718 = arith.constant 0 : index
    %get3A_719 = arith.constant 0 : index
    %get3A_720 = vector.load %arg24[%get3A_717, %get3A_718, %get3A_719] : memref<2x128x256xf32, #tpu.memory_space<vmem>>, vector<1x128x256xf32>
    %get3A_721 = vector.shape_cast %get3A_720 : vector<1x128x256xf32> to vector<128x256xf32>
    %convert_element_type3A_722 = arith.truncf %add3A_716 : vector<1024x128xf32> to vector<1024x128xbf16>
    %convert_element_type3A_723 = arith.truncf %get3A_721 : vector<128x256xf32> to vector<128x256xbf16>
    %dot_general3A_724 = arith.constant dense<0.000000e+00> : vector<1024x256xf32>
    %dot_general3A_725 = tpu.matmul %convert_element_type3A_722, %convert_element_type3A_723, %dot_general3A_724 {dimension_numbers = #tpu.dot_dimension_numbers<[1], [0], [0], [1], [0, 0, 1, 1], [], []>, transpose_lhs_hint = false} : vector<1024x128xbf16>, vector<128x256xbf16>, vector<1024x256xf32> -> vector<1024x256xf32>
    %get3A_726 = arith.constant 1 : index
    %get3A_727 = arith.constant 0 : index
    %get3A_728 = vector.load %arg25[%get3A_726, %get3A_727] : memref<8x256xf32, #tpu.memory_space<vmem>>, vector<1x256xf32>
    %add3A_729 = vector.broadcast %get3A_728 : vector<1x256xf32> to vector<1024x256xf32>
    %add3A_730 = arith.addf %dot_general3A_725, %add3A_729 : vector<1024x256xf32>
    %max3A_731 = arith.constant 0.000000e+00 : f32
    %max3A_732 = vector.broadcast %max3A_731 : f32 to vector<1024x256xf32>
    %max3A_733 = arith.maximumf %add3A_730, %max3A_732 : vector<1024x256xf32>
    %get3A_734 = arith.constant 1 : index
    %get3A_735 = arith.constant 0 : index
    %get3A_736 = arith.constant 0 : index
    %get3A_737 = vector.load %arg26[%get3A_734, %get3A_735, %get3A_736] : memref<2x256x128xf32, #tpu.memory_space<vmem>>, vector<1x256x128xf32>
    %get3A_738 = vector.shape_cast %get3A_737 : vector<1x256x128xf32> to vector<256x128xf32>
    %convert_element_type3A_739 = arith.truncf %max3A_733 : vector<1024x256xf32> to vector<1024x256xbf16>
    %convert_element_type3A_740 = arith.truncf %get3A_738 : vector<256x128xf32> to vector<256x128xbf16>
    %dot_general3A_741 = arith.constant dense<0.000000e+00> : vector<1024x128xf32>
    %dot_general3A_742 = tpu.matmul %convert_element_type3A_739, %convert_element_type3A_740, %dot_general3A_741 {dimension_numbers = #tpu.dot_dimension_numbers<[1], [0], [0], [1], [0, 0, 1, 1], [], []>, transpose_lhs_hint = false} : vector<1024x256xbf16>, vector<256x128xbf16>, vector<1024x128xf32> -> vector<1024x128xf32>
    %get3A_743 = arith.constant 1 : index
    %get3A_744 = arith.constant 0 : index
    %get3A_745 = vector.load %arg27[%get3A_743, %get3A_744] : memref<8x128xf32, #tpu.memory_space<vmem>>, vector<1x128xf32>
    %add3A_746 = vector.broadcast %get3A_745 : vector<1x128xf32> to vector<1024x128xf32>
    %add3A_747 = arith.addf %dot_general3A_742, %add3A_746 : vector<1024x128xf32>
    %add3A_748 = arith.addf %add3A_716, %add3A_747 : vector<1024x128xf32>
    %reduce_sum3A_749 = arith.constant dense<0.000000e+00> : vector<1024xf32>
    %reduce_sum3A_750 = vector.multi_reduction <add>, %add3A_748, %reduce_sum3A_749 [1] : vector<1024x128xf32> to vector<1024xf32>
    %broadcast_in_dim3A_751 = vector.shape_cast %reduce_sum3A_750 : vector<1024xf32> to vector<1024x1xf32>
    %div3A_752 = arith.constant 1.280000e+02 : f32
    %div3A_753 = vector.broadcast %div3A_752 : f32 to vector<1024x1xf32>
    %div3A_754 = arith.divf %broadcast_in_dim3A_751, %div3A_753 : vector<1024x1xf32>
    %sub3A_755 = vector.broadcast %div3A_754 : vector<1024x1xf32> to vector<1024x128xf32>
    %sub3A_756 = arith.subf %add3A_748, %sub3A_755 : vector<1024x128xf32>
    %integer_pow3A_757 = arith.mulf %sub3A_756, %sub3A_756 : vector<1024x128xf32>
    %reduce_sum3A_758 = arith.constant dense<0.000000e+00> : vector<1024xf32>
    %reduce_sum3A_759 = vector.multi_reduction <add>, %integer_pow3A_757, %reduce_sum3A_758 [1] : vector<1024x128xf32> to vector<1024xf32>
    %broadcast_in_dim3A_760 = vector.shape_cast %reduce_sum3A_759 : vector<1024xf32> to vector<1024x1xf32>
    %div3A_761 = arith.constant 1.280000e+02 : f32
    %div3A_762 = vector.broadcast %div3A_761 : f32 to vector<1024x1xf32>
    %div3A_763 = arith.divf %broadcast_in_dim3A_760, %div3A_762 : vector<1024x1xf32>
    %sub3A_764 = vector.broadcast %div3A_754 : vector<1024x1xf32> to vector<1024x128xf32>
    %sub3A_765 = arith.subf %add3A_748, %sub3A_764 : vector<1024x128xf32>
    %add3A_766 = arith.constant 9.99999974E-6 : f32
    %add3A_767 = vector.broadcast %add3A_766 : f32 to vector<1024x1xf32>
    %add3A_768 = arith.addf %div3A_763, %add3A_767 : vector<1024x1xf32>
    %sqrt3A_769 = math.sqrt %add3A_768 : vector<1024x1xf32>
    %div3A_770 = vector.broadcast %sqrt3A_769 : vector<1024x1xf32> to vector<1024x128xf32>
    %div3A_771 = arith.divf %sub3A_765, %div3A_770 : vector<1024x128xf32>
    %get3A_772 = arith.constant 1 : index
    %get3A_773 = arith.constant 0 : index
    %get3A_774 = vector.load %arg28[%get3A_772, %get3A_773] : memref<8x128xf32, #tpu.memory_space<vmem>>, vector<1x128xf32>
    %mul3A_775 = vector.broadcast %get3A_774 : vector<1x128xf32> to vector<1024x128xf32>
    %mul3A_776 = arith.mulf %div3A_771, %mul3A_775 : vector<1024x128xf32>
    %get3A_777 = arith.constant 1 : index
    %get3A_778 = arith.constant 0 : index
    %get3A_779 = vector.load %arg29[%get3A_777, %get3A_778] : memref<8x128xf32, #tpu.memory_space<vmem>>, vector<1x128xf32>
    %add3A_780 = vector.broadcast %get3A_779 : vector<1x128xf32> to vector<1024x128xf32>
    %add3A_781 = arith.addf %mul3A_776, %add3A_780 : vector<1024x128xf32>
    %iota3A_782 = tpu.iota {dimensions = array<i32: 0>} : vector<256x1024xi32>
    %iota3A_783 = tpu.iota {dimensions = array<i32: 1>} : vector<256x1024xi32>
    %jit3A_784 = arith.constant 4 : i32
    %div3A_785 = vector.broadcast %jit3A_784 : i32 to vector<256x1024xi32>
    %div3A_786 = arith.divsi %iota3A_783, %div3A_785 : vector<256x1024xi32>
    %sign3A_787 = arith.constant 0 : i32
    %sign3A_788 = vector.broadcast %sign3A_787 : i32 to vector<256x1024xi32>
    %sign3A_789 = arith.cmpi sgt, %iota3A_783, %sign3A_788 : vector<256x1024xi32>
    %sign3A_790 = arith.extui %sign3A_789 : vector<256x1024xi1> to vector<256x1024xi32>
    %sign3A_791 = arith.constant 0 : i32
    %sign3A_792 = vector.broadcast %sign3A_791 : i32 to vector<256x1024xi32>
    %sign3A_793 = arith.cmpi slt, %iota3A_783, %sign3A_792 : vector<256x1024xi32>
    %sign3A_794 = arith.extui %sign3A_793 : vector<256x1024xi1> to vector<256x1024xi32>
    %sign3A_795 = arith.subi %sign3A_790, %sign3A_794 : vector<256x1024xi32>
    %sign3A_796 = arith.constant 0 : i32
    %sign3A_797 = arith.cmpi sgt, %jit3A_784, %sign3A_796 : i32
    %sign3A_798 = arith.extui %sign3A_797 : i1 to i32
    %sign3A_799 = arith.constant 0 : i32
    %sign3A_800 = arith.cmpi slt, %jit3A_784, %sign3A_799 : i32
    %sign3A_801 = arith.extui %sign3A_800 : i1 to i32
    %sign3A_802 = arith.subi %sign3A_798, %sign3A_801 : i32
    %ne3A_803 = vector.broadcast %sign3A_802 : i32 to vector<256x1024xi32>
    %ne3A_804 = arith.cmpi ne, %sign3A_795, %ne3A_803 : vector<256x1024xi32>
    %rem3A_805 = vector.broadcast %jit3A_784 : i32 to vector<256x1024xi32>
    %rem3A_806 = arith.remsi %iota3A_783, %rem3A_805 : vector<256x1024xi32>
    %ne3A_807 = arith.constant 0 : i32
    %ne3A_808 = vector.broadcast %ne3A_807 : i32 to vector<256x1024xi32>
    %ne3A_809 = arith.cmpi ne, %rem3A_806, %ne3A_808 : vector<256x1024xi32>
    %and3A_810 = arith.andi %ne3A_804, %ne3A_809 : vector<256x1024xi1>
    %sub3A_811 = arith.constant 1 : i32
    %sub3A_812 = vector.broadcast %sub3A_811 : i32 to vector<256x1024xi32>
    %sub3A_813 = arith.subi %div3A_786, %sub3A_812 : vector<256x1024xi32>
    %select_n3A_814 = arith.select %and3A_810, %sub3A_813, %div3A_786 : vector<256x1024xi1>, vector<256x1024xi32>
    %eq3A_815 = arith.cmpi eq, %select_n3A_814, %iota3A_782 : vector<256x1024xi32>
    %jit3A_816 = arith.constant 2.500000e-01 : f32
    %jit3A_817 = arith.constant 0.000000e+00 : f32
    %broadcast_in_dim3A_818 = vector.broadcast %jit3A_816 : f32 to vector<256x1024xf32>
    %broadcast_in_dim3A_819 = vector.broadcast %jit3A_817 : f32 to vector<256x1024xf32>
    %select_n3A_820 = arith.select %eq3A_815, %broadcast_in_dim3A_818, %broadcast_in_dim3A_819 : vector<256x1024xi1>, vector<256x1024xf32>
    %dot_general3A_821 = arith.constant dense<0.000000e+00> : vector<256x128xf32>
    %dot_general3A_822 = tpu.matmul %select_n3A_820, %add3A_781, %dot_general3A_821 {dimension_numbers = #tpu.dot_dimension_numbers<[1], [0], [0], [1], [0, 0, 1, 1], [], []>, precision = #tpu.contract_precision<fp32>, transpose_lhs_hint = false} : vector<256x1024xf32>, vector<1024x128xf32>, vector<256x128xf32> -> vector<256x128xf32>
    %get3A_823 = arith.constant 0 : index
    %get3A_824 = arith.constant 0 : index
    %get3A_825 = vector.load %arg30[%get3A_823, %get3A_824] : memref<128x128xf32, #tpu.memory_space<vmem>>, vector<128x128xf32>
    %convert_element_type3A_826 = arith.truncf %dot_general3A_822 : vector<256x128xf32> to vector<256x128xbf16>
    %convert_element_type3A_827 = arith.truncf %get3A_825 : vector<128x128xf32> to vector<128x128xbf16>
    %dot_general3A_828 = arith.constant dense<0.000000e+00> : vector<256x128xf32>
    %dot_general3A_829 = tpu.matmul %convert_element_type3A_826, %convert_element_type3A_827, %dot_general3A_828 {dimension_numbers = #tpu.dot_dimension_numbers<[1], [0], [0], [1], [0, 0, 1, 1], [], []>, transpose_lhs_hint = false} : vector<256x128xbf16>, vector<128x128xbf16>, vector<256x128xf32> -> vector<256x128xf32>
    %get3A_830 = arith.constant 0 : index
    %get3A_831 = arith.constant 0 : index
    %get3A_832 = vector.load %arg31[%get3A_830, %get3A_831] : memref<8x128xf32, #tpu.memory_space<vmem>>, vector<1x128xf32>
    %add3A_833 = vector.broadcast %get3A_832 : vector<1x128xf32> to vector<256x128xf32>
    %add3A_834 = arith.addf %dot_general3A_829, %add3A_833 : vector<256x128xf32>
    %swap3A = arith.constant 0 : index
    %swap3A_835 = arith.constant 0 : index
    %swap3A_836 = vector.load %arg32[%swap3A, %swap3A_835] : memref<256x128xf32, #tpu.memory_space<vmem>>, vector<256x128xf32>
    tpu.vector_store %arg32[%swap3A, %swap3A_835], %add3A_834 {strides = array<i32>} : memref<256x128xf32, #tpu.memory_space<vmem>>, vector<256x128xf32>,
    return
  }
  func.func @transform_0(%arg0: i32) -> (i32, i32) {
    %c0_i32 = arith.constant 0 : i32
    %c0_i32_0 = arith.constant 0 : i32
    return %arg0, %c0_i32 : i32, i32
  }
  func.func @transform_1(%arg0: i32) -> (i32, i32) {
    %c0_i32 = arith.constant 0 : i32
    %c0_i32_0 = arith.constant 0 : i32
    return %arg0, %c0_i32 : i32, i32
  }
  func.func @transform_2(%arg0: i32) -> (i32, i32) {
    %c0_i32 = arith.constant 0 : i32
    %c0_i32_0 = arith.constant 0 : i32
    return %arg0, %c0_i32 : i32, i32
  }
  func.func @transform_3(%arg0: i32) -> (i32, i32) {
    %c0_i32 = arith.constant 0 : i32
    %c0_i32_0 = arith.constant 0 : i32
    return %arg0, %c0_i32 : i32, i32
  }
  func.func @transform_4(%arg0: i32) -> (i32, i32) {
    %c0_i32 = arith.constant 0 : i32
    %c0_i32_0 = arith.constant 0 : i32
    return %arg0, %c0_i32 : i32, i32
  }
  func.func @transform_5(%arg0: i32) -> (i32, i32) {
    %c0_i32 = arith.constant 0 : i32
    %c0_i32_0 = arith.constant 0 : i32
    return %arg0, %c0_i32 : i32, i32
  }
  func.func @transform_6(%arg0: i32) -> (i32, i32) {
    %c0_i32 = arith.constant 0 : i32
    %c0_i32_0 = arith.constant 0 : i32
    return %arg0, %c0_i32 : i32, i32
  }
  func.func @transform_7(%arg0: i32) -> (i32, i32) {
    %c0_i32 = arith.constant 0 : i32
    %c0_i32_0 = arith.constant 0 : i32
    return %arg0, %c0_i32 : i32, i32
  }
  func.func @transform_8(%arg0: i32) -> (i32, i32) {
    %c0_i32 = arith.constant 0 : i32
    %c0_i32_0 = arith.constant 0 : i32
    return %arg0, %c0_i32 : i32, i32
  }
  func.func @transform_9(%arg0: i32) -> (i32, i32) {
    %c0_i32 = arith.constant 0 : i32
    %c0_i32_0 = arith.constant 0 : i32
    %c0_i32_1 = arith.constant 0 : i32
    return %c0_i32, %c0_i32_0 : i32, i32
  }
  func.func @transform_10(%arg0: i32) -> (i32, i32) {
    %c0_i32 = arith.constant 0 : i32
    %c0_i32_0 = arith.constant 0 : i32
    %c0_i32_1 = arith.constant 0 : i32
    return %c0_i32, %c0_i32_0 : i32, i32
  }
  func.func @transform_11(%arg0: i32) -> (i32, i32) {
    %c0_i32 = arith.constant 0 : i32
    %c0_i32_0 = arith.constant 0 : i32
    %c0_i32_1 = arith.constant 0 : i32
    return %c0_i32, %c0_i32_0 : i32, i32
  }
  func.func @transform_12(%arg0: i32) -> (i32, i32) {
    %c0_i32 = arith.constant 0 : i32
    %c0_i32_0 = arith.constant 0 : i32
    %c0_i32_1 = arith.constant 0 : i32
    return %c0_i32, %c0_i32_0 : i32, i32
  }
  func.func @transform_13(%arg0: i32) -> (i32, i32) {
    %c0_i32 = arith.constant 0 : i32
    %c0_i32_0 = arith.constant 0 : i32
    %c0_i32_1 = arith.constant 0 : i32
    return %c0_i32, %c0_i32_0 : i32, i32
  }
  func.func @transform_14(%arg0: i32) -> (i32, i32) {
    %c0_i32 = arith.constant 0 : i32
    %c0_i32_0 = arith.constant 0 : i32
    %c0_i32_1 = arith.constant 0 : i32
    return %c0_i32, %c0_i32_0 : i32, i32
  }
  func.func @transform_15(%arg0: i32) -> (i32, i32) {
    %c0_i32 = arith.constant 0 : i32
    %c0_i32_0 = arith.constant 0 : i32
    %c0_i32_1 = arith.constant 0 : i32
    return %c0_i32, %c0_i32_0 : i32, i32
  }
  func.func @transform_16(%arg0: i32) -> (i32, i32) {
    %c0_i32 = arith.constant 0 : i32
    %c0_i32_0 = arith.constant 0 : i32
    %c0_i32_1 = arith.constant 0 : i32
    return %c0_i32, %c0_i32_0 : i32, i32
  }
  func.func @transform_17(%arg0: i32) -> (i32, i32, i32) {
    %c0_i32 = arith.constant 0 : i32
    %c0_i32_0 = arith.constant 0 : i32
    %c0_i32_1 = arith.constant 0 : i32
    %c0_i32_2 = arith.constant 0 : i32
    return %c0_i32, %c0_i32_0, %c0_i32_1 : i32, i32, i32
  }
  func.func @transform_18(%arg0: i32) -> (i32, i32) {
    %c0_i32 = arith.constant 0 : i32
    %c0_i32_0 = arith.constant 0 : i32
    %c0_i32_1 = arith.constant 0 : i32
    return %c0_i32, %c0_i32_0 : i32, i32
  }
  func.func @transform_19(%arg0: i32) -> (i32, i32, i32) {
    %c0_i32 = arith.constant 0 : i32
    %c0_i32_0 = arith.constant 0 : i32
    %c0_i32_1 = arith.constant 0 : i32
    %c0_i32_2 = arith.constant 0 : i32
    return %c0_i32, %c0_i32_0, %c0_i32_1 : i32, i32, i32
  }
  func.func @transform_20(%arg0: i32) -> (i32, i32) {
    %c0_i32 = arith.constant 0 : i32
    %c0_i32_0 = arith.constant 0 : i32
    %c0_i32_1 = arith.constant 0 : i32
    return %c0_i32, %c0_i32_0 : i32, i32
  }
  func.func @transform_21(%arg0: i32) -> (i32, i32) {
    %c0_i32 = arith.constant 0 : i32
    %c0_i32_0 = arith.constant 0 : i32
    %c0_i32_1 = arith.constant 0 : i32
    return %c0_i32, %c0_i32_0 : i32, i32
  }
  func.func @transform_22(%arg0: i32) -> (i32, i32) {
    %c0_i32 = arith.constant 0 : i32
    %c0_i32_0 = arith.constant 0 : i32
    %c0_i32_1 = arith.constant 0 : i32
    return %c0_i32, %c0_i32_0 : i32, i32
  }
  func.func @transform_23(%arg0: i32) -> (i32, i32, i32) {
    %c0_i32 = arith.constant 0 : i32
    %c0_i32_0 = arith.constant 0 : i32
    %c0_i32_1 = arith.constant 0 : i32
    %c0_i32_2 = arith.constant 0 : i32
    return %c0_i32, %c0_i32_0, %c0_i32_1 : i32, i32, i32
  }
  func.func @transform_24(%arg0: i32) -> (i32, i32) {
    %c0_i32 = arith.constant 0 : i32
    %c0_i32_0 = arith.constant 0 : i32
    %c0_i32_1 = arith.constant 0 : i32
    return %c0_i32, %c0_i32_0 : i32, i32
  }
  func.func @transform_25(%arg0: i32) -> (i32, i32, i32) {
    %c0_i32 = arith.constant 0 : i32
    %c0_i32_0 = arith.constant 0 : i32
    %c0_i32_1 = arith.constant 0 : i32
    %c0_i32_2 = arith.constant 0 : i32
    return %c0_i32, %c0_i32_0, %c0_i32_1 : i32, i32, i32
  }
  func.func @transform_26(%arg0: i32) -> (i32, i32) {
    %c0_i32 = arith.constant 0 : i32
    %c0_i32_0 = arith.constant 0 : i32
    %c0_i32_1 = arith.constant 0 : i32
    return %c0_i32, %c0_i32_0 : i32, i32
  }
  func.func @transform_27(%arg0: i32) -> (i32, i32) {
    %c0_i32 = arith.constant 0 : i32
    %c0_i32_0 = arith.constant 0 : i32
    %c0_i32_1 = arith.constant 0 : i32
    return %c0_i32, %c0_i32_0 : i32, i32
  }
  func.func @transform_28(%arg0: i32) -> (i32, i32) {
    %c0_i32 = arith.constant 0 : i32
    %c0_i32_0 = arith.constant 0 : i32
    %c0_i32_1 = arith.constant 0 : i32
    return %c0_i32, %c0_i32_0 : i32, i32
  }
  func.func @transform_29(%arg0: i32) -> (i32, i32) {
    %c0_i32 = arith.constant 0 : i32
    %c0_i32_0 = arith.constant 0 : i32
    %c0_i32_1 = arith.constant 0 : i32
    return %c0_i32, %c0_i32_0 : i32, i32
  }
  func.func @transform_30(%arg0: i32) -> (i32, i32) {
    %c0_i32 = arith.constant 0 : i32
    %c0_i32_0 = arith.constant 0 : i32
    %c0_i32_1 = arith.constant 0 : i32
    return %c0_i32, %c0_i32_0 : i32, i32
  }
  func.func @transform_31(%arg0: i32) -> (i32, i32) {
    %c0_i32 = arith.constant 0 : i32
    %c0_i32_0 = arith.constant 0 : i32
    return %arg0, %c0_i32 : i32, i32
  }
}

</mosaic_0001>

<sc_bundles>
// kernel: kernel.5.cloned.1.call-start
scs
__scs_entry_jumppad:
0x0: {  	(pc) =	sbr.rel $0x88, $3  }
0x1: {  	(tag) =	ssettag $0x0;
	lr =	simm.s32 $0x1  }
0x2: {  	[smem:$0x3F89] =	sst lr;
	_ =	strace $0xD0000000  }
0x3: {  	_ = 	snop  }
0x4: {  	_ = 	snop  }
0x5: {  	_ = 	snop  }
0x6: {  	_ = 	snop  }
0x7: {  	_ = 	snop  }
__scs_overlays_trampoline_lowered:
0x8: {  	[smem:$0x3F98] =	sst s0  }
0x9: {  	[smem:$0x3F99] =	sst s1  }
0xa: {  	[smem:$0x3F9A] =	sst s2  }
0xb: {  	[smem:$0x3F9B] =	sst s3  }
0xc: {  	[smem:$0x3F9C] =	sst s4  }
0xd: {  	[smem:$0x3F9D] =	sst s5  }
0xe: {  	[smem:$0x3F9E] =	sst s6  }
0xf: {  	[smem:$0x3F9F] =	sst s7  }
0x10: {  	[smem:$0x3FA0] =	sst s8  }
0x11: {  	[smem:$0x3FA1] =	sst s9;
	s0 =	simm.s32 @!p0 $0x0  }
0x12: {  	s1 =	sld [smem:$0x3F87];
	s0 =	simm.s32 @p0 $0x1  }
0x13: {  	[smem:$0x3FA2] =	sst s0;
	s0 =	simm.s32 @!p1 $0x0  }
0x14: {  	s2 =	sld [smem:$0x3F86];
	s0 =	simm.s32 @p1 $0x1  }
0x15: {  	[smem:$0x3FA3] =	sst s0;
	s0 =	simm.s32 @!p2 $0x0  }
0x16: {  	s3 =	sld [smem:$0x3FDB];
	s0 =	simm.s32 @p2 $0x1  }
0x17: {  	s4 =	simm.s32 $0x1BF5;
	[smem:$0x3FA5] =	sst s0  }
0x18: {  	s0 =	sld [smem:$0x3F88];
	_ =	swait.ge [sflag:s4], $0x0  }
0x19: {  	s7 =	sld [smem:$0x3F89]  }
0x1a: {  	s8 =	sadd.s32 $0xFFFFE003, lr  }
0x1b: {  	s9 =	sadd.s32 $0xFFFFFEF7, lr;
	s5 =	simm.s32 $0xFFFFFFFF;
	p2 =	slt.u32 s8, $0xFFFFF086  }
0x1c: {  	p1 =	slt.u32 s9, $0xF7A;
	s5 =	simm.s32 @!p2 $0x0  }
0x1d: {  	s5 =	simm.s32 @p1 $0x1;
	p0 =	seq.s32 s7, s2  }
0x1e: {  	s7 =	smul.u32 @!p0 $0xF7A, s2;
	p2 =	seq.s32 @!p0 s5, $0x0  }
0x1f: {  	s9 =	smul.u32 $0xF7A, s1;
	s8 =	simm.s32 @!p0 $0x1BF5;
	p2 =	por !p2, p0  }
0x20: {  	[sflag:s8] =	ssyncset.s32 @!p0 $0xFFFFF086;
	s6 =	sadd.s32 @!p0 s3, s7;
	s7 =	simm.s32 @!p0 $0x108  }
0x21: {  	s3 =	sadd.s32 s3, s9;
	s6 =	sadd.s32 @!p0 $0x88, s6;
	s7 =	simm.s32 @p2 $0x1082  }
0x22: {  	[simem:s7], [sflag:s8] =	dma.local @!p0 [hbm:s6], $0xF7A  }
0x23: {  	s9 =	sor.u32 $0xD0000000, s2;
	s6 =	simm.s32 $0x108;
	_ =	swait.ge @!p0 [sflag:s8], $0x0  }
0x24: {  	s3 =	sadd.s32 $0x88, s3;
	s6 =	simm.s32 @!p1 $0x1082;
	[sflag:s4] =	ssyncset.s32 $0xFFFFF086  }
0x25: {  	[simem:s6], [sflag:s4] =	dma.local [hbm:s3], $0xF7A  }
0x26: {  	[smem:$0x3F89] =	sst s1;
	(tag) =	ssettag s2;
	_ =	strace s9  }
0x27: {  	s1 =	sld [smem:$0x3F99]  }
0x28: {  	s2 =	sld [smem:$0x3F9A]  }
0x29: {  	s4 =	sld [smem:$0x3F9C]  }
0x2a: {  	p0 =	seq.s32 s5, $0x0;
	s5 =	sld [smem:$0x3F9D]  }
0x2b: {  	s6 =	sld [smem:$0x3F9E]  }
0x2c: {  	s7 =	sld [smem:$0x3F9F]  }
0x2d: {  	s3 =	simm.s32 $0x108;
	s8 =	sld [smem:$0x3FA0]  }
0x2e: {  	s3 =	simm.s32 @!p0 $0x1082;
	s9 =	sld [smem:$0x3FA1]  }
0x2f: {  	lr =	sadd.s32 s0, s3;
	s0 =	sld [smem:$0x3F98]  }
0x30: {  	s3 =	sld [smem:$0x3F9B]  }
0x31: {  	[smem:$0x3FA4] =	sst s10  }
0x32: {  	s10 =	sld [smem:$0x3FA2];
	_ =	sdelay $0x3  }
0x33: {  	p0 =	seq.s32 s10, $0x1;
	s10 =	sld [smem:$0x3FA4];
	_ =	sdelay $0x3  }
0x34: {  	[smem:$0x3FA4] =	sst s10  }
0x35: {  	s10 =	sld [smem:$0x3FA3];
	_ =	sdelay $0x3  }
0x36: {  	p1 =	seq.s32 s10, $0x1;
	s10 =	sld [smem:$0x3FA4];
	_ =	sdelay $0x3  }
0x37: {  	[smem:$0x3FA4] =	sst s10  }
0x38: {  	s10 =	sld [smem:$0x3FA5]  }
0x39: {  	_ = 	snop;
	(pc) =	sbr.ind lr, $3  }
0x3a: {  	_ = 	snop  }
0x3b: {  	_ = 	snop  }
0x3c: {  	p2 =	seq.s32 s10, $0x1;
	s10 =	sld [smem:$0x3FA4]  }
0x3d: {  	_ =	shalt  }
0x3e: {  	_ =	shalt  }
0x3f: {  	_ =	shalt  }
0x40: {  	_ =	shalt  }
0x41: {  	_ =	shalt  }
0x42: {  	_ =	shalt  }
0x43: {  	_ =	shalt  }
0x44: {  	_ =	shalt  }
0x45: {  	_ =	shalt  }
0x46: {  	_ =	shalt  }
0x47: {  	_ =	shalt  }
0x48: {  	_ =	shalt  }
0x49: {  	_ =	shalt  }
0x4a: {  	_ =	shalt  }
0x4b: {  	_ =	shalt  }
0x4c: {  	_ =	shalt  }
0x4d: {  	_ =	shalt  }
0x4e: {  	_ =	shalt  }
0x4f: {  	_ =	shalt  }
0x50: {  	_ =	shalt  }
0x51: {  	_ =	shalt  }
0x52: {  	_ =	shalt  }
0x53: {  	_ =	shalt  }
0x54: {  	_ =	shalt  }
0x55: {  	_ =	shalt  }
0x56: {  	_ =	shalt  }
0x57: {  	_ =	shalt  }
0x58: {  	_ =	shalt  }
0x59: {  	_ =	shalt  }
0x5a: {  	_ =	shalt  }
0x5b: {  	_ =	shalt  }
0x5c: {  	_ =	shalt  }
0x5d: {  	_ =	shalt  }
0x5e: {  	_ =	shalt  }
0x5f: {  	_ =	shalt  }
0x60: {  	_ =	shalt  }
0x61: {  	_ =	shalt  }
0x62: {  	_ =	shalt  }
0x63: {  	_ =	shalt  }
0x64: {  	_ =	shalt  }
0x65: {  	_ =	shalt  }
0x66: {  	_ =	shalt  }
0x67: {  	_ =	shalt  }
0x68: {  	_ =	shalt  }
0x69: {  	_ =	shalt  }
0x6a: {  	_ =	shalt  }
0x6b: {  	_ =	shalt  }
0x6c: {  	_ =	shalt  }
0x6d: {  	_ =	shalt  }
0x6e: {  	_ =	shalt  }
0x6f: {  	_ =	shalt  }
0x70: {  	_ =	shalt  }
0x71: {  	_ =	shalt  }
0x72: {  	_ =	shalt  }
0x73: {  	_ =	shalt  }
0x74: {  	_ =	shalt  }
0x75: {  	_ =	shalt  }
0x76: {  	_ =	shalt  }
0x77: {  	_ =	shalt  }
0x78: {  	_ =	shalt  }
0x79: {  	_ =	shalt  }
0x7a: {  	_ =	shalt  }
0x7b: {  	_ =	shalt  }
0x7c: {  	_ =	shalt  }
0x7d: {  	_ =	shalt  }
0x7e: {  	_ =	shalt  }
0x7f: {  	_ =	shalt  }
0x80: {  	_ =	shalt  }
0x81: {  	_ =	shalt  }
0x82: {  	_ =	shalt  }
0x83: {  	_ =	shalt  }
0x84: {  	_ =	shalt  }
0x85: {  	_ =	shalt  }
0x86: {  	_ =	shalt  }
0x87: {  	_ =	shalt  }
.Lfunc_end0:
.L_simem_size_0:
called_computation_lowered:
.L_overlay_start_0:
0x88: {  	s2 =	sld [smem:$0x3FD9]  }
0x89: {  	s3 =	sld [smem:$0x3FFE];
	_ =	sdelay $0x1  }
0x8a: {  	s1 =	srdreg.scid  }
0x8b: {  	s0 =	sand.u32 $0x1, s1  }
0x8c: {  	s17 =	sshll.u32 s0, $0xA;
	s2 =	sadd.s32 s3, s2  }
0x8d: {  	s2 =	sadd.s32 s2, s17  }
0x8e: {  	[smem:$0x3FB0] =	sst s2  }
0x8f: {  	_ = 	snop  }
0x90: {  	s2 =	sld [smem:$0x3FC8]  }
0x91: {  	s18 =	sld [smem:$0x3FD0];
	(tm) =	ssettm $0x1  }
0x92: {  	s4 =	sld [smem:$0x3FFB];
	_ =	sdelay $0x3  }
0x93: {  	_ =	strace s4  }
0x94: {  	s4 =	sld [smem:$0x3FFC];
	_ =	sdelay $0x3  }
0x95: {  	_ =	strace s4  }
0x96: {  	s4 =	sld [smem:$0x3FFD];
	_ =	sdelay $0x3  }
0x97: {  	_ =	strace s4  }
0x98: {  	_ =	strace $0x8FFFFFFF  }
0x99: {  	s19 =	sld [smem:$0x3FDB];
	_ =	sdelay $0x1  }
0x9a: {  	s5 =	simm.s32 $_scs_section_size  }
0x9b: {  	s6 =	simm.s32 $_size__tile_overlayer_lowered;
	s7 =	simm.s32 $_tile_overlayer_lowered  }
0x9c: {  	s22 =	simm.s32 $0x1BFF;
	s21 =	sshll.u32 s7, $0x1;
	s4 =	sadd.s32 s5, s19  }
0x9d: {  	s8 =	simm.s32 $0x0;
	s20 =	sshll.u32 s6, $0x1;
	s6 =	sadd.s32 s21, s4  }
0x9e: {  	[timem:s8], [sflag:s22] =	dma.local [hbm:s6], s20  }
0x9f: {  	_ =	swait.ge [sflag:s22], s20  }
0xa0: {  	s5 =	ssub.s32 $0x0, s20;
	[sflag:s22] =	ssyncset.done $0x0  }
0xa1: {  	[sflag:s22] =	ssyncadd.s32 s5;
	_ =	sdelay $0x1  }
0xa2: {  	s23 =	simm.s32 $0x1B8B  }
0xa3: {  	_ =	swait.ge [sflag:s23], $0x1  }
0xa4: {  	[sflag:s23] =	ssyncset.done $0x0  }
0xa5: {  	s25 =	simm.s32 $0x1B8E;
	s24 =	sld [smem:$0x3FFE];
	[sflag:s23] =	ssyncadd.s32 $0xFFFFFFFF  }
0xa6: {  	s26 =	simm.s32 $execute0_lowered;
	[smem:$0x3FD2] =	sst s25  }
0xa7: {  	s6 =	sshll.u32 s26, $0x1;
	_ =	strace $0x80000046;
	[dreg:$0x1] =	wrdreg $0xFFFFFFFF  }
0xa8: {  	s28 =	simm.s32 $_size_execute0_lowered;
	s4 =	sadd.s32 s4, s6;
	[dreg:$0x0] =	wrdreg $0x0  }
0xa9: {  	s6 =	sshll.u32 s28, $0x1;
	[dreg:$0x2] =	wrdreg s4  }
0xaa: {  	[dreg:$0x3] =	wrdreg s6  }
0xab: {  	[dreg:$0x4] =	wrdreg $0xC0  }
0xac: {  	_ =	task [dreg:s8], $0x5FFFF  }
0xad: {  	[dreg:$0x1] =	wrdreg $0xFFFFFFFF  }
0xae: {  	[dreg:$0x0] =	wrdreg $0x60  }
0xaf: {  	[dreg:$0x2] =	wrdreg s2  }
0xb0: {  	[dreg:$0x3] =	wrdreg s18  }
0xb1: {  	[dreg:$0x4] =	wrdreg s24  }
0xb2: {  	[dreg:$0x5] =	wrdreg $0x9  }
0xb3: {  	_ =	task.clear_ibuf [dreg:s8], $0x6FFFF;
	_ =	strace $0x90000046  }
0xb4: {  	s29 =	simm.s32 $0x9;
	_ =	strace $0x80000048  }
0xb5: {  	_ =	swait.ge [sflag:s29], $0x1  }
0xb6: {  	[sflag:s29] =	ssyncadd.s32 $0xFFFFFFFF  }
0xb7: {  	_ =	strace $0x90000048  }
0xb8: {  	_ =	sfence  }
0xb9: {  	s30 =	sld [smem:$0x0];
	_ =	sdelay $0x2  }
0xba: {  	s31 =	sshll.u32 s1, $0xD;
	s1 =	sshrl.u32 s1, $0x2  }
0xbb: {  	s3 =	sand.u32 $0x4000, s31;
	s1 =	sadd.s32 s1, s30  }
0xbc: {  	s0 =	sor.u32 s3, s0;
	s1 =	sshll.u32 s1, $0x11  }
0xbd: {  	s0 =	sor.u32 s1, s0  }
0xbe: {  	s0 =	sadd.s32 $0x8F2B, s0  }
0xbf: {  	[sflag:s0] =	ssyncadd.remote.s32 $0x1  }
0xc0: {  	_ =	sfence.sel $0xFFFF  }
0xc1: {  	[dreg:$0x0] =	wrdreg $0xFFFFFFFF;
	(pc) =	sbr.abs _section_cstart, $3  }
0xc2: {  	[dreg:$0x1] =	wrdreg $0xFFFFFFFF  }
0xc3: {  	_ =	task.clear_ibuf [dreg:s8], $0x2FFFF;
	_ =	strace $0x9FFFFFFF  }
0xc4: {  	(tm) =	ssettm $0x7FFFFFFF  }
0xc5: {  	_ =	shalt  }
tec
execute0_lowered:
.L_overlay_start_1:
0x0: {  	(tag) =	ssettag $0x1  }
0x1: {  	s2 =	rddreg [dreg:$0x0]  }
0x2: {  	s6 =	rddreg [dreg:$0x1]  }
0x3: {  	s4 =	rddreg [dreg:$0x2]  }
0x4: {  	s0 =	rddreg [dreg:$0x3];
	s1 =	stileid.u32  }
0x5: {  	s7 =	srdreg.scid;
	s5 =	smul.u32 $0x9D000, s1  }
0x6: {  	s3 =	simm.s32 $0x0;
	s7 =	sand.u32 $0x1, s7;
	s8 =	smul.u32 $0x9D00, s1  }
0x7: {  	[smem:$0x7FF] =	sst s3;
	s9 =	ssub.s32 $0x2, s7;
	s10 =	smul.u32 $0x4E80, s7  }
0x8: {  	s7 =	smul.u32 $0x4E800, s7;
	_ =	strace $0x80000047;
	s30 =	sshrl.u32 s9, $0x1  }
0x9: {  	s5 =	sadd.s32 s5, s4;
	s4 =	ssub.s32 s9, s30;
	s8 =	sadd.s32 s10, s8  }
0xa: {  	s5 =	sadd.s32 s7, s5;
	s7 =	simm.s32 $0x2;
	s9 =	simm.s32 $0x1  }
0xb: {  	s10 =	simm.s32 $0x0;
	s4 =	smax.u32 s4, $0x1;
	s31 =	sshrl.u32 s8, $0x3  }
0xc: {  	s5 =	sadd.s32 $0x1DDA00, s5;
	s8 =	simm.s32 $0x80;
	s6 =	sadd.s32 s31, s6  }
.LBB2_1:
0xd: {  	s11 =	sadd.s32 $0x0, s6  }
0xe: {  	[tilespmem:s3], [sflag:$0x2] =	stream.linear.gather [hbm4b:s11+s3], $0x80, $0x38;
	[tilespmem:$0x4080] =	vst v63  }
0xf: {  	_ =	swait.ge [sflag:s7], $0x80  }
0x10: {  	[sflag:s7] =	ssyncset.done $0x0  }
0x11: {  	[sflag:s7] =	ssyncadd.s32 $0xFFFFFF80  }
0x12: {  	[tilespmem:s8], [sflag:$0x1] =	stream.indirect.gather [hbm4b:s2+s8], $0x80, s3, s8, $0xb8;
	[tilespmem:$0x4080] =	vst v63  }
0x13: {  	_ =	swait.ge [sflag:s9], $0x4000  }
0x14: {  	[sflag:s9] =	ssyncset.done $0x0  }
0x15: {  	[sflag:s9] =	ssyncadd.s32 $0xFFFFC000  }
0x16: {  	[hbm4b:s5+s3] =	stream.linear.scatter [tilespmem:s8], [sflag:$0x2], $0x4000, $0x38;
	[tilespmem:$0x4080] =	vst v63  }
0x17: {  	s12 =	simm.s32 $0x10;
	_ =	swait.ge [sflag:s7], $0x4000  }
0x18: {  	s13 =	simm.s32 $0x20;
	s11 =	sadd.s32 $0x800, s5;
	[sflag:s7] =	ssyncset.done $0x0  }
.LBB2_2:
0x19: {  	s14 =	sadd.s32 s12, s6  }
0x1a: {  	[sflag:s7] =	ssyncadd.s32 $0xFFFFC000;
	s12 =	smov.u32 s13;
	s15 =	sadd.s32 $0x10, s13  }
0x1b: {  	[tilespmem:s3], [sflag:$0x2] =	stream.linear.gather [hbm4b:s14+s3], $0x80, $0x38;
	[tilespmem:$0x4080] =	vst v63  }
0x1c: {  	p0 =	sne.s32 s13, $0x9C0;
	_ =	swait.ge [sflag:s7], $0x80  }
0x1d: {  	[sflag:s7] =	ssyncset.done $0x0  }
0x1e: {  	[sflag:s7] =	ssyncadd.s32 $0xFFFFFF80  }
0x1f: {  	[tilespmem:s8], [sflag:$0x1] =	stream.indirect.gather [hbm4b:s2+s8], $0x80, s3, s8, $0xb8;
	[tilespmem:$0x4080] =	vst v63  }
0x20: {  	_ =	swait.ge [sflag:s9], $0x4000  }
.Ltmp0:
0x21: {  	[sflag:s9] =	ssyncset.done $0x0;
	(pc) =	sbr.rel @p0 .LBB2_2-.Ltmp0, $4  }
0x22: {  	[sflag:s9] =	ssyncadd.s32 $0xFFFFC000  }
0x23: {  	[hbm4b:s11+s3] =	stream.linear.scatter [tilespmem:s8], [sflag:$0x2], $0x4000, $0x38;
	[tilespmem:$0x4080] =	vst v63  }
0x24: {  	_ =	swait.ge [sflag:s7], $0x4000  }
0x25: {  	s13 =	smov.u32 s15;
	s11 =	sadd.s32 $0x800, s11;
	[sflag:s7] =	ssyncset.done $0x0  }
0x26: {  	s12 =	sadd.s32 s12, s6;
	[sflag:s7] =	ssyncadd.s32 $0xFFFFC000  }
0x27: {  	[tilespmem:s3], [sflag:$0x2] =	stream.linear.gather [hbm4b:s12+s3], $0x80, $0x38;
	[tilespmem:$0x4080] =	vst v63  }
0x28: {  	_ =	swait.ge [sflag:s7], $0x80  }
0x29: {  	[sflag:s7] =	ssyncset.done $0x0  }
0x2a: {  	[sflag:s7] =	ssyncadd.s32 $0xFFFFFF80  }
0x2b: {  	[tilespmem:s8], [sflag:$0x1] =	stream.indirect.gather [hbm4b:s2+s8], $0x80, s3, s8, $0xb8;
	[tilespmem:$0x4080] =	vst v63  }
0x2c: {  	s10 =	sadd.s32 $0x1, s10;
	_ =	swait.ge [sflag:s9], $0x4000  }
0x2d: {  	p0 =	sne.s32 s10, s4;
	[sflag:s9] =	ssyncset.done $0x0  }
.Ltmp1:
0x2e: {  	[sflag:s9] =	ssyncadd.s32 $0xFFFFC000;
	(pc) =	sbr.rel @p0 .LBB2_1-.Ltmp1, $4  }
0x2f: {  	[hbm4b:s11+s3] =	stream.linear.scatter [tilespmem:s8], [sflag:$0x2], $0x4000, $0x38;
	[tilespmem:$0x4080] =	vst v63  }
0x30: {  	_ =	swait.ge [sflag:s7], $0x4000  }
0x31: {  	[sflag:s7] =	ssyncset.done $0x0  }
0x32: {  	[sflag:s7] =	ssyncadd.s32 $0xFFFFC000  }
0x33: {  	_ =	sfence.sel $0x180000  }
0x34: {  	[bflag:$0x0] =	sbarrier.arrive $0xFFFF  }
0x35: {  	p0 =	sne.s32 s1, $0x0;
	_ =	strace $0x90000047  }
0x36: {  	s0 =	sadd.s32 @!p0 $0x100000, s0;
	[bflag:$0x2] =	sbarrier.arrive $0xFFFF  }
0x37: {  	[sflag:s0] =	ssyncadd.tile.s32 @!p0 $0x1;
	_ =	shalt  }
.Lfunc_end2:
_tile_overlayer_lowered:
.L_overlay_start_2:
0x38: {  	(tag) =	ssettag $0x2  }
0x39: {  	s0 =	rddreg [dreg:$0x0];
	s2 =	stileid.u32  }
0x3a: {  	s1 =	rddreg [dreg:$0x1];
	p0 =	sne.s32 s2, $0x0  }
0x3b: {  	s3 =	rddreg [dreg:$0x2];
	[bflag:$0x3] =	sbarrier.arrive $0xFFFF;
	s2 =	simm.s32 @!p0 $0x1C02  }
0x3c: {  	[timem:s3], [sflag:s2] =	dma.local @!p0 [hbm:s0], s1  }
0x3d: {  	s0 =	simm.s32 @!p0 $0x2  }
0x3e: {  	_ =	swait.ge @!p0 [sflag:s0], s1  }
0x3f: {  	s1 =	ssub.s32 @!p0 $0x0, s1;
	[sflag:s0] =	ssyncset.done @!p0 $0x0  }
0x40: {  	[sflag:s0] =	ssyncadd.s32 @!p0 s1  }
0x41: {  	[bflag:$0x3] =	sbarrier.arrive $0xFFFF  }
0x42: {  	_ =	shalt  }

</sc_bundles>
